<compile_context>
chip_gen: v7x
topology: tpu7x:2x2x1
jax: 0.10.2.dev20260603
libtpu: 0.0.44.dev20260713+nightly
codegen_flags: <defaults>
</compile_context>

<pallas_src>
import functools

import jax
import jax.numpy as jnp
from jax import lax
from jax.experimental import pallas as pl
from jax.experimental.pallas import tpu as pltpu
from jax.experimental.pallas import tpu_sc as plsc

_B = 2
_NIN = 50000
_NOUT = 12500
_K = 16
_C = 128
_M = _B * _NOUT
_KC = _K * _C

_NC, _NS = 2, 16
_NW = _NC * _NS
_CHUNK = 128
_NBUF = 7


def _pad_idx(idx_flat, nrows):
    n = idx_flat.shape[0]
    quantum = _NW * _CHUNK
    npad = (-n) % quantum
    if npad:
        pad = (jnp.arange(npad, dtype=jnp.int32) * 8) % nrows
        idx_flat = jnp.concatenate([idx_flat, pad])
    return idx_flat


def _sc_gather_multi(table, jobs):
    c = table.shape[-1]
    specs = [(idx.shape[0] // _CHUNK, idx.shape[0] // (_CHUNK * _NW))
             for idx in jobs]
    mesh = plsc.VectorSubcoreMesh(
        core_axis_name="c", subcore_axis_name="s",
        num_cores=_NC, num_subcores=_NS)
    nj = len(jobs)
    max_cpw = max(cpw for _, cpw in specs)

    @functools.partial(
        pl.kernel,
        out_type=tuple(
            jax.ShapeDtypeStruct((n * _CHUNK, c), table.dtype)
            for n, _ in specs),
        mesh=mesh,
        scratch_types=[
            pltpu.VMEM((max_cpw * _CHUNK,), jnp.int32),
        ] + [pltpu.VMEM((_CHUNK, c), table.dtype) for _ in range(_NBUF)]
          + [pltpu.SemaphoreType.DMA for _ in range(2 * _NBUF)],
    )
    def gk(table_hbm, *refs):
        idx_refs = refs[:nj]
        out_refs = refs[nj:2 * nj]
        idx_v = refs[2 * nj]
        bufs = refs[2 * nj + 1:2 * nj + 1 + _NBUF]
        gsems = refs[2 * nj + 1 + _NBUF:2 * nj + 1 + 2 * _NBUF]
        ssems = refs[2 * nj + 1 + 2 * _NBUF:]
        wid = lax.axis_index("s") * _NC + lax.axis_index("c")

        for (nchunks, cpw), idx_hbm, out_hbm in zip(
                specs, idx_refs, out_refs):
            base = wid * cpw
            pltpu.sync_copy(idx_hbm.at[pl.ds(base * _CHUNK, cpw * _CHUNK)],
                            idx_v.at[pl.ds(0, cpw * _CHUNK)])

            def start_gather(t, b):
                pltpu.async_copy(
                    table_hbm.at[idx_v.at[pl.ds(t * _CHUNK, _CHUNK)]],
                    bufs[b], gsems[b])

            def out_slice(t):
                return out_hbm.at[pl.ds((base + t) * _CHUNK, _CHUNK)]

            for b in range(min(_NBUF, cpw)):
                start_gather(b, b)

            def body(i, carry):
                t0 = i * _NBUF
                for b in range(_NBUF):
                    @pl.when(t0 + b < cpw)
                    def _():
                        pltpu.make_async_copy(
                            table_hbm.at[idx_v.at[pl.ds(0, _CHUNK)]],
                            bufs[b], gsems[b]).wait()
                        pltpu.async_copy(
                            bufs[b], out_slice(t0 + b), ssems[b])
                for b in range(_NBUF):
                    @pl.when(t0 + b < cpw)
                    def _():
                        pltpu.make_async_copy(
                            bufs[b], out_slice(t0 + b), ssems[b]).wait()

                    nxt = t0 + _NBUF + b

                    @pl.when(nxt < cpw)
                    def _():
                        start_gather(nxt, b)
                return carry

            lax.fori_loop(0, -(-cpw // _NBUF), body, 0)

    return gk(table, *jobs)


_BM = 1000
_GRID = _M // _BM
_SEG = _M // _BM


def _g_specs():
    return [pl.BlockSpec((_BM, _C), functools.partial(
        lambda k, i: (k * _SEG + i, 0), k)) for k in range(_K)]


def _tc_conv1(gm, d, w1r, wd, b1, bd):

    def body(*refs):
        g_refs = refs[:_K]
        d_ref, w1_ref, wd_ref, b1_ref, bd_ref, h1_ref, hd_ref, st_ref = \
            refs[_K:]
        w1 = w1_ref[...]
        h1 = b1_ref[...] + jnp.zeros((_BM, _C), jnp.float32)
        for k in range(_K):
            h1 = h1 + jnp.dot(g_refs[k][...],
                              w1[k * _C:(k + 1) * _C, :],
                              preferred_element_type=jnp.float32)
        hd = jnp.dot(d_ref[...], wd_ref[...],
                     preferred_element_type=jnp.float32) + bd_ref[...]
        h1_ref[...] = h1
        hd_ref[...] = hd
        st_ref[0, 0, :] = jnp.sum(h1, 0)
        st_ref[0, 1, :] = jnp.sum(h1 * h1, 0)
        st_ref[0, 2, :] = jnp.sum(hd, 0)
        st_ref[0, 3, :] = jnp.sum(hd * hd, 0)

    return pl.pallas_call(
        body,
        grid=(_GRID,),
        in_specs=_g_specs() + [
            pl.BlockSpec((_BM, _C), lambda i: (i, 0)),
            pl.BlockSpec((_KC, _C), lambda i: (0, 0)),
            pl.BlockSpec((_C, _C), lambda i: (0, 0)),
            pl.BlockSpec((1, _C), lambda i: (0, 0)),
            pl.BlockSpec((1, _C), lambda i: (0, 0)),
        ],
        out_specs=[
            pl.BlockSpec((_BM, _C), lambda i: (i, 0)),
            pl.BlockSpec((_BM, _C), lambda i: (i, 0)),
            pl.BlockSpec((1, 4, _C), lambda i: (i, 0, 0)),
        ],
        out_shape=[
            jax.ShapeDtypeStruct((_M, _C), jnp.float32),
            jax.ShapeDtypeStruct((_M, _C), jnp.float32),
            jax.ShapeDtypeStruct((_GRID, 4, _C), jnp.float32),
        ],
    )(*([gm] * _K), d, w1r, wd, b1, bd)


def _bn_scale_shift(st_blocks, j, gamma, beta, eps=1e-5):
    mean = jnp.sum(st_blocks[:, j, :], axis=0, keepdims=True) / _M
    var = jnp.sum(st_blocks[:, j + 1, :], axis=0, keepdims=True) / _M \
        - mean * mean
    scale = gamma / jnp.sqrt(var + eps)
    return scale, beta - mean * scale


def _tc_conv2(g2m, w2r, b2, st1, g1, be1):

    def body(*refs):
        g_refs = refs[:_K]
        w2_ref, b2_ref, st1_ref, g1_ref, be1_ref, h2_ref, st_ref = \
            refs[_K:]
        w2 = w2_ref[...]
        s1v, t1v = _bn_scale_shift(st1_ref[...], 0, g1_ref[...],
                                   be1_ref[...])
        h2 = b2_ref[...] + jnp.zeros((_BM, _C), jnp.float32)
        for k in range(_K):
            a = jnp.maximum(g_refs[k][...] * s1v + t1v, 0.0)
            h2 = h2 + jnp.dot(a,
                              w2[k * _C:(k + 1) * _C, :],
                              preferred_element_type=jnp.float32)
        h2_ref[...] = h2
        st_ref[0, 0, :] = jnp.sum(h2, 0)
        st_ref[0, 1, :] = jnp.sum(h2 * h2, 0)

    return pl.pallas_call(
        body,
        grid=(_GRID,),
        in_specs=_g_specs() + [
            pl.BlockSpec((_KC, _C), lambda i: (0, 0)),
            pl.BlockSpec((1, _C), lambda i: (0, 0)),
            pl.BlockSpec((_GRID, 4, _C), lambda i: (0, 0, 0)),
            pl.BlockSpec((1, _C), lambda i: (0, 0)),
            pl.BlockSpec((1, _C), lambda i: (0, 0)),
        ],
        out_specs=[
            pl.BlockSpec((_BM, _C), lambda i: (i, 0)),
            pl.BlockSpec((1, 2, _C), lambda i: (i, 0, 0)),
        ],
        out_shape=[
            jax.ShapeDtypeStruct((_M, _C), jnp.float32),
            jax.ShapeDtypeStruct((_GRID, 2, _C), jnp.float32),
        ],
    )(*([g2m] * _K), w2r, b2, st1, g1, be1)


def _tc_final(h2, hd, st1, st2, g2, be2, gd, bed):
    bm = 5000

    def body(h2_ref, hd_ref, st1_ref, st2_ref, g2_ref, be2_ref,
             gd_ref, bed_ref, o_ref):
        s2, t2 = _bn_scale_shift(st2_ref[...], 0, g2_ref[...], be2_ref[...])
        sd, td = _bn_scale_shift(st1_ref[...], 2, gd_ref[...], bed_ref[...])
        o_ref[...] = jnp.maximum(
            h2_ref[...] * s2 + t2 + hd_ref[...] * sd + td, 0.0)

    return pl.pallas_call(
        body,
        grid=(_M // bm,),
        in_specs=[
            pl.BlockSpec((bm, _C), lambda i: (i, 0)),
            pl.BlockSpec((bm, _C), lambda i: (i, 0)),
            pl.BlockSpec((_GRID, 4, _C), lambda i: (0, 0, 0)),
            pl.BlockSpec((_GRID, 2, _C), lambda i: (0, 0, 0)),
            pl.BlockSpec((1, _C), lambda i: (0, 0)),
            pl.BlockSpec((1, _C), lambda i: (0, 0)),
            pl.BlockSpec((1, _C), lambda i: (0, 0)),
            pl.BlockSpec((1, _C), lambda i: (0, 0)),
        ],
        out_specs=pl.BlockSpec((bm, _C), lambda i: (i, 0)),
        out_shape=jax.ShapeDtypeStruct((_M, _C), jnp.float32),
    )(h2, hd, st1, st2, g2, be2, gd, bed)


def kernel(x, knn1, knn2, ds_idx, W1, b1, W2, b2, Wd, bd,
           g1, be1, g2, be2, gd, bed):
    xf = x.reshape(_B * _NIN, _C)
    boff_in = (jnp.arange(_B, dtype=jnp.int32) * _NIN)[None, :, None]
    boff_out = (jnp.arange(_B, dtype=jnp.int32) * _NOUT)[None, :, None]
    idx1 = (knn1.T[:, None, :] + boff_in).reshape(-1)
    idx2 = (knn2.T[:, None, :] + boff_out).reshape(-1)
    idxd = (ds_idx[None, :] + boff_in[0]).reshape(-1)

    idx1 = _pad_idx(idx1, _B * _NIN)
    idxd = _pad_idx(idxd, _B * _NIN)
    idx2 = _pad_idx(idx2, _M)

    w1r = W1.reshape(_KC, _C)
    w2r = W2.reshape(_KC, _C)
    wd = Wd

    g1m, dsg = _sc_gather_multi(xf, [idx1, idxd])

    h1, hd, st1 = _tc_conv1(g1m, dsg, w1r, wd, b1[None], bd[None])

    (g2m,) = _sc_gather_multi(h1, [idx2])

    h2, st2 = _tc_conv2(g2m, w2r, b2[None], st1, g1[None], be1[None])

    out = _tc_final(h2, hd, st1, st2,
                    g2[None], be2[None], gd[None], bed[None])
    return out.reshape(_B, _NOUT, _C)

# --- scband reference (transcript-rebuilt; emitter-appended) ---
"""Pipeline reference for scband-knnres-net-basic-block-90649579749835 (READ-ONLY COPY).

The authoritative reference and input builder live on the scoring server;
editing this copy changes nothing except your own understanding.
"""

import jax, jax.numpy as jnp
import numpy as np

B = 2
N_IN = 50000
N_OUT = 12500
K = 16
C_IN = 128
C_OUT = 128


def setup_inputs(seed: int = 0) -> dict:
    key = jax.random.key(seed)
    ks = jax.random.split(key, 12)
    x = jax.random.normal(ks[0], (B, N_IN, C_IN), dtype=jnp.float32)
    # KNN graph indices (module buffers derived from in/out coords)
    knn1 = jax.random.randint(ks[1], (N_OUT, K), 0, N_IN, dtype=jnp.int32)
    knn2 = jax.random.randint(ks[2], (N_OUT, K), 0, N_OUT, dtype=jnp.int32)
    ds_idx = jax.random.randint(ks[3], (N_OUT,), 0, N_IN, dtype=jnp.int32)  # k=1 downsample conv neighbor
    # Learned parameters
    s1 = 1.0 / np.sqrt(K * C_IN)
    s2 = 1.0 / np.sqrt(K * C_OUT)
    W1 = jax.random.normal(ks[4], (K, C_IN, C_OUT), dtype=jnp.float32) * s1
    b1 = jnp.zeros((C_OUT,), dtype=jnp.float32)
    W2 = jax.random.normal(ks[5], (K, C_OUT, C_OUT), dtype=jnp.float32) * s2
    b2 = jnp.zeros((C_OUT,), dtype=jnp.float32)
    Wd = jax.random.normal(ks[6], (C_IN, C_OUT), dtype=jnp.float32) * (1.0 / np.sqrt(C_IN))
    bd = jnp.zeros((C_OUT,), dtype=jnp.float32)
    g1 = jnp.ones((C_OUT,), dtype=jnp.float32)
    be1 = jnp.zeros((C_OUT,), dtype=jnp.float32)
    g2 = jnp.ones((C_OUT,), dtype=jnp.float32)
    be2 = jnp.zeros((C_OUT,), dtype=jnp.float32)
    gd = jnp.ones((C_OUT,), dtype=jnp.float32)
    bed = jnp.zeros((C_OUT,), dtype=jnp.float32)
    return dict(x=x, knn1=knn1, knn2=knn2, ds_idx=ds_idx,
                W1=W1, b1=b1, W2=W2, b2=b2, Wd=Wd, bd=bd,
                g1=g1, be1=be1, g2=g2, be2=be2, gd=gd, bed=bed)


def _batch_norm(h, gamma, beta, eps=1e-5):
    mean = jnp.mean(h, axis=(0, 1), keepdims=True)
    var = jnp.var(h, axis=(0, 1), keepdims=True)
    return (h - mean) / jnp.sqrt(var + eps) * gamma + beta


def _knn_conv(x, idx, W, b):
    # gather neighbor features: [B, N_out, K, C_in]
    g = jnp.take(x, idx, axis=1)
    # per-neighbor-slot weight matmul, summed over slots and input channels
    out = jnp.einsum('bnkc,kcd->bnd', g, W) + b
    return out


def reference(x, knn1, knn2, ds_idx, W1, b1, W2, b2, Wd, bd,
              g1, be1, g2, be2, gd, bed):
    # downsample branch (stride != 1): k=1 KNN conv + norm
    identity = _batch_norm(jnp.take(x, ds_idx, axis=1) @ Wd + bd, gd, bed)
    out = _knn_conv(x, knn1, W1, b1)
    out = _batch_norm(out, g1, be1)
    out = jax.nn.relu(out)
    out = _knn_conv(out, knn2, W2, b2)
    out = _batch_norm(out, g2, be2)
    out = out + identity
    out = jax.nn.relu(out)
    return out

if __name__ == "__main__":
    import jax
    _d = setup_inputs()
    print(jax.jit(kernel)(*tuple(_d.values())))

</pallas_src>

<mosaic_0001>
#map = affine_map<(d0, d1) -> (0, 0)>
#map1 = affine_map<(d0, d1) -> (0)>
module attributes {stable_mosaic.version = 14 : i64} {
  func.func @gk(%arg0: i32, %arg1: i32, %arg2: memref<100000x128xf32, #tpu.memory_space<hbm>>, %arg3: memref<401408xi32, #tpu.memory_space<hbm>>, %arg4: memref<28672xi32, #tpu.memory_space<hbm>>, %arg5: memref<401408x128xf32, #tpu.memory_space<hbm>>, %arg6: memref<28672x128xf32, #tpu.memory_space<hbm>>, %arg7: memref<12544xi32, #tpu.memory_space<vmem>>, %arg8: memref<128x128xf32, #tpu.memory_space<vmem>>, %arg9: memref<128x128xf32, #tpu.memory_space<vmem>>, %arg10: memref<128x128xf32, #tpu.memory_space<vmem>>, %arg11: memref<128x128xf32, #tpu.memory_space<vmem>>, %arg12: memref<128x128xf32, #tpu.memory_space<vmem>>, %arg13: memref<128x128xf32, #tpu.memory_space<vmem>>, %arg14: memref<128x128xf32, #tpu.memory_space<vmem>>, %arg15: memref<!tpu.dma_semaphore, #tpu.memory_space<semaphore_mem>>, %arg16: memref<!tpu.dma_semaphore, #tpu.memory_space<semaphore_mem>>, %arg17: memref<!tpu.dma_semaphore, #tpu.memory_space<semaphore_mem>>, %arg18: memref<!tpu.dma_semaphore, #tpu.memory_space<semaphore_mem>>, %arg19: memref<!tpu.dma_semaphore, #tpu.memory_space<semaphore_mem>>, %arg20: memref<!tpu.dma_semaphore, #tpu.memory_space<semaphore_mem>>, %arg21: memref<!tpu.dma_semaphore, #tpu.memory_space<semaphore_mem>>, %arg22: memref<!tpu.dma_semaphore, #tpu.memory_space<semaphore_mem>>, %arg23: memref<!tpu.dma_semaphore, #tpu.memory_space<semaphore_mem>>, %arg24: memref<!tpu.dma_semaphore, #tpu.memory_space<semaphore_mem>>, %arg25: memref<!tpu.dma_semaphore, #tpu.memory_space<semaphore_mem>>, %arg26: memref<!tpu.dma_semaphore, #tpu.memory_space<semaphore_mem>>, %arg27: memref<!tpu.dma_semaphore, #tpu.memory_space<semaphore_mem>>, %arg28: memref<!tpu.dma_semaphore, #tpu.memory_space<semaphore_mem>>) attributes {dimension_semantics = [#tpu.dimension_semantics<core_parallel>, #tpu.dimension_semantics<subcore_parallel>], iteration_bounds = array<i64: 2, 16>, scalar_prefetch = 0 : i64, scratch_operands = 22 : i64, tpu.core_type = #tpu.core_type<sc_vector_subcore>, window_params = [{transform_indices = #map}, {transform_indices = #map1}, {transform_indices = #map1}, {transform_indices = #map}, {transform_indices = #map}]} {
    %mul3A = arith.constant 2 : i32
    %mul3A_0 = arith.muli %arg1, %mul3A : i32
    %add3A = arith.addi %mul3A_0, %arg0 : i32
    %mul3A_1 = arith.constant 98 : i32
    %mul3A_2 = arith.muli %add3A, %mul3A_1 : i32
    %mul3A_3 = arith.constant 128 : i32
    %mul3A_4 = arith.muli %mul3A_2, %mul3A_3 : i32
    "tpu.region"() ({
      %run_scoped3A = tpu.sem_alloc : memref<!tpu.dma_semaphore, #tpu.memory_space<semaphore_mem>>
      %dma_start3A_246 = arith.constant 0 : i32
      %dma_start3A_247 = tpu.memref_slice %arg7[%dma_start3A_246] : memref<12544xi32, #tpu.memory_space<vmem>> -> memref<12544xi32, #tpu.memory_space<vmem>>
      %dma_start3A_248 = tpu.memref_slice %arg3[%mul3A_4] : memref<401408xi32, #tpu.memory_space<hbm>> -> memref<12544xi32, #tpu.memory_space<hbm>>
      %dma_start3A_249 = arith.constant 0 : i32
      %dma_start3A_250 = tpu.memref_slice %arg7[%dma_start3A_249] : memref<12544xi32, #tpu.memory_space<vmem>> -> memref<12544xi32, #tpu.memory_space<vmem>>
      %dma_start3A_251 = tpu.memref_slice %arg3[%mul3A_4] : memref<401408xi32, #tpu.memory_space<hbm>> -> memref<12544xi32, #tpu.memory_space<hbm>>
      tpu.enqueue_dma source(%dma_start3A_251 : memref<12544xi32, #tpu.memory_space<hbm>>) target(%dma_start3A_250 : memref<12544xi32, #tpu.memory_space<vmem>>) target_semaphore(%run_scoped3A : memref<!tpu.dma_semaphore, #tpu.memory_space<semaphore_mem>>)
      %dma_wait3A = arith.constant 0 : i32
      %dma_wait3A_252 = tpu.memref_slice %arg7[%dma_wait3A] : memref<12544xi32, #tpu.memory_space<vmem>> -> memref<12544xi32, #tpu.memory_space<vmem>>
      %dma_wait3A_253 = tpu.memref_slice %arg3[%mul3A_4] : memref<401408xi32, #tpu.memory_space<hbm>> -> memref<12544xi32, #tpu.memory_space<hbm>>
      %dma_wait3A_254 = arith.constant 0 : i32
      %dma_wait3A_255 = tpu.memref_slice %arg7[%dma_wait3A_254] : memref<12544xi32, #tpu.memory_space<vmem>> -> memref<12544xi32, #tpu.memory_space<vmem>>
      %dma_wait3A_256 = tpu.memref_slice %arg3[%mul3A_4] : memref<401408xi32, #tpu.memory_space<hbm>> -> memref<12544xi32, #tpu.memory_space<hbm>>
      tpu.wait_dma2 semaphore(%run_scoped3A : memref<!tpu.dma_semaphore, #tpu.memory_space<semaphore_mem>>) src(%dma_wait3A_256 : memref<12544xi32, #tpu.memory_space<hbm>>) dst(%dma_wait3A_255 : memref<12544xi32, #tpu.memory_space<vmem>>)
      tpu.yield
    }) : () -> ()
    %dma_start3A = arith.constant 0 : i32
    %dma_start3A_5 = tpu.memref_slice %arg7[%dma_start3A] : memref<12544xi32, #tpu.memory_space<vmem>> -> memref<128xi32, #tpu.memory_space<vmem>>
    %dma_start3A_6 = arith.constant 0 : i32
    %dma_start3A_7 = arith.constant 0 : i32
    %dma_start3A_8 = tpu.memref_slice %arg2[%dma_start3A_6, %dma_start3A_7] : memref<100000x128xf32, #tpu.memory_space<hbm>> -> memref<100000x128xf32, #tpu.memory_space<hbm>>
    tpu.enqueue_indirect_dma source(%dma_start3A_8 : memref<100000x128xf32, #tpu.memory_space<hbm>>) target(%arg8 : memref<128x128xf32, #tpu.memory_space<vmem>>) offsets(%dma_start3A_5 : memref<128xi32, #tpu.memory_space<vmem>>) semaphore(%arg15 : memref<!tpu.dma_semaphore, #tpu.memory_space<semaphore_mem>>)
    %dma_start3A_9 = arith.constant 128 : i32
    %dma_start3A_10 = tpu.memref_slice %arg7[%dma_start3A_9] : memref<12544xi32, #tpu.memory_space<vmem>> -> memref<128xi32, #tpu.memory_space<vmem>>
    %dma_start3A_11 = arith.constant 0 : i32
    %dma_start3A_12 = arith.constant 0 : i32
    %dma_start3A_13 = tpu.memref_slice %arg2[%dma_start3A_11, %dma_start3A_12] : memref<100000x128xf32, #tpu.memory_space<hbm>> -> memref<100000x128xf32, #tpu.memory_space<hbm>>
    tpu.enqueue_indirect_dma source(%dma_start3A_13 : memref<100000x128xf32, #tpu.memory_space<hbm>>) target(%arg9 : memref<128x128xf32, #tpu.memory_space<vmem>>) offsets(%dma_start3A_10 : memref<128xi32, #tpu.memory_space<vmem>>) semaphore(%arg16 : memref<!tpu.dma_semaphore, #tpu.memory_space<semaphore_mem>>)
    %dma_start3A_14 = arith.constant 256 : i32
    %dma_start3A_15 = tpu.memref_slice %arg7[%dma_start3A_14] : memref<12544xi32, #tpu.memory_space<vmem>> -> memref<128xi32, #tpu.memory_space<vmem>>
    %dma_start3A_16 = arith.constant 0 : i32
    %dma_start3A_17 = arith.constant 0 : i32
    %dma_start3A_18 = tpu.memref_slice %arg2[%dma_start3A_16, %dma_start3A_17] : memref<100000x128xf32, #tpu.memory_space<hbm>> -> memref<100000x128xf32, #tpu.memory_space<hbm>>
    tpu.enqueue_indirect_dma source(%dma_start3A_18 : memref<100000x128xf32, #tpu.memory_space<hbm>>) target(%arg10 : memref<128x128xf32, #tpu.memory_space<vmem>>) offsets(%dma_start3A_15 : memref<128xi32, #tpu.memory_space<vmem>>) semaphore(%arg17 : memref<!tpu.dma_semaphore, #tpu.memory_space<semaphore_mem>>)
    %dma_start3A_19 = arith.constant 384 : i32
    %dma_start3A_20 = tpu.memref_slice %arg7[%dma_start3A_19] : memref<12544xi32, #tpu.memory_space<vmem>> -> memref<128xi32, #tpu.memory_space<vmem>>
    %dma_start3A_21 = arith.constant 0 : i32
    %dma_start3A_22 = arith.constant 0 : i32
    %dma_start3A_23 = tpu.memref_slice %arg2[%dma_start3A_21, %dma_start3A_22] : memref<100000x128xf32, #tpu.memory_space<hbm>> -> memref<100000x128xf32, #tpu.memory_space<hbm>>
    tpu.enqueue_indirect_dma source(%dma_start3A_23 : memref<100000x128xf32, #tpu.memory_space<hbm>>) target(%arg11 : memref<128x128xf32, #tpu.memory_space<vmem>>) offsets(%dma_start3A_20 : memref<128xi32, #tpu.memory_space<vmem>>) semaphore(%arg18 : memref<!tpu.dma_semaphore, #tpu.memory_space<semaphore_mem>>)
    %dma_start3A_24 = arith.constant 512 : i32
    %dma_start3A_25 = tpu.memref_slice %arg7[%dma_start3A_24] : memref<12544xi32, #tpu.memory_space<vmem>> -> memref<128xi32, #tpu.memory_space<vmem>>
    %dma_start3A_26 = arith.constant 0 : i32
    %dma_start3A_27 = arith.constant 0 : i32
    %dma_start3A_28 = tpu.memref_slice %arg2[%dma_start3A_26, %dma_start3A_27] : memref<100000x128xf32, #tpu.memory_space<hbm>> -> memref<100000x128xf32, #tpu.memory_space<hbm>>
    tpu.enqueue_indirect_dma source(%dma_start3A_28 : memref<100000x128xf32, #tpu.memory_space<hbm>>) target(%arg12 : memref<128x128xf32, #tpu.memory_space<vmem>>) offsets(%dma_start3A_25 : memref<128xi32, #tpu.memory_space<vmem>>) semaphore(%arg19 : memref<!tpu.dma_semaphore, #tpu.memory_space<semaphore_mem>>)
    %dma_start3A_29 = arith.constant 640 : i32
    %dma_start3A_30 = tpu.memref_slice %arg7[%dma_start3A_29] : memref<12544xi32, #tpu.memory_space<vmem>> -> memref<128xi32, #tpu.memory_space<vmem>>
    %dma_start3A_31 = arith.constant 0 : i32
    %dma_start3A_32 = arith.constant 0 : i32
    %dma_start3A_33 = tpu.memref_slice %arg2[%dma_start3A_31, %dma_start3A_32] : memref<100000x128xf32, #tpu.memory_space<hbm>> -> memref<100000x128xf32, #tpu.memory_space<hbm>>
    tpu.enqueue_indirect_dma source(%dma_start3A_33 : memref<100000x128xf32, #tpu.memory_space<hbm>>) target(%arg13 : memref<128x128xf32, #tpu.memory_space<vmem>>) offsets(%dma_start3A_30 : memref<128xi32, #tpu.memory_space<vmem>>) semaphore(%arg20 : memref<!tpu.dma_semaphore, #tpu.memory_space<semaphore_mem>>)
    %dma_start3A_34 = arith.constant 768 : i32
    %dma_start3A_35 = tpu.memref_slice %arg7[%dma_start3A_34] : memref<12544xi32, #tpu.memory_space<vmem>> -> memref<128xi32, #tpu.memory_space<vmem>>
    %dma_start3A_36 = arith.constant 0 : i32
    %dma_start3A_37 = arith.constant 0 : i32
    %dma_start3A_38 = tpu.memref_slice %arg2[%dma_start3A_36, %dma_start3A_37] : memref<100000x128xf32, #tpu.memory_space<hbm>> -> memref<100000x128xf32, #tpu.memory_space<hbm>>
    tpu.enqueue_indirect_dma source(%dma_start3A_38 : memref<100000x128xf32, #tpu.memory_space<hbm>>) target(%arg14 : memref<128x128xf32, #tpu.memory_space<vmem>>) offsets(%dma_start3A_35 : memref<128xi32, #tpu.memory_space<vmem>>) semaphore(%arg21 : memref<!tpu.dma_semaphore, #tpu.memory_space<semaphore_mem>>)
    %scan3A = arith.constant 0 : i32
    %scan3A_39 = arith.constant 0 : i32
    %scan3A_40 = arith.constant 14 : i32
    %scan3A_41 = arith.addi %scan3A_39, %scan3A_40 : i32
    %scan3A_42 = arith.constant 1 : i32
    scf.for %scan3A_246 = %scan3A_39 to %scan3A_41 step %scan3A_42  : i32 {
      %mul3A_247 = arith.constant 7 : i32
      %mul3A_248 = arith.muli %scan3A_246, %mul3A_247 : i32
      %add3A_249 = arith.constant 0 : i32
      %add3A_250 = arith.addi %mul3A_248, %add3A_249 : i32
      %lt3A_251 = arith.constant 98 : i32
      %lt3A_252 = arith.cmpi slt, %add3A_250, %lt3A_251 : i32
      %convert_element_type3A_253 = arith.extui %lt3A_252 : i1 to i32
      %cond3A_254 = arith.constant 0 : i32
      %cond3A_255 = arith.cmpi ne, %convert_element_type3A_253, %cond3A_254 : i32
      scf.if %cond3A_255 {
        %dma_wait3A = arith.constant 0 : i32
        %dma_wait3A_410 = tpu.memref_slice %arg7[%dma_wait3A] : memref<12544xi32, #tpu.memory_space<vmem>> -> memref<128xi32, #tpu.memory_space<vmem>>
        %dma_wait3A_411 = arith.constant 0 : i32
        %dma_wait3A_412 = arith.constant 0 : i32
        %dma_wait3A_413 = tpu.memref_slice %arg2[%dma_wait3A_411, %dma_wait3A_412] : memref<100000x128xf32, #tpu.memory_space<hbm>> -> memref<100000x128xf32, #tpu.memory_space<hbm>>
        tpu.wait_indirect_dma semaphore(%arg15 : memref<!tpu.dma_semaphore, #tpu.memory_space<semaphore_mem>>) src(%dma_wait3A_413 : memref<100000x128xf32, #tpu.memory_space<hbm>>) dst(%arg8 : memref<128x128xf32, #tpu.memory_space<vmem>>)
        %add3A_414 = arith.constant 0 : i32
        %add3A_415 = arith.addi %mul3A_248, %add3A_414 : i32
        %add3A_416 = arith.addi %mul3A_2, %add3A_415 : i32
        %mul3A_417 = arith.constant 128 : i32
        %mul3A_418 = arith.muli %add3A_416, %mul3A_417 : i32
        %dma_start3A_419 = arith.constant 0 : i32
        %dma_start3A_420 = tpu.memref_slice %arg5[%mul3A_418, %dma_start3A_419] : memref<401408x128xf32, #tpu.memory_space<hbm>> -> memref<128x128xf32, #tpu.memory_space<hbm>>
        %dma_start3A_421 = arith.constant 0 : i32
        %dma_start3A_422 = tpu.memref_slice %arg5[%mul3A_418, %dma_start3A_421] : memref<401408x128xf32, #tpu.memory_space<hbm>> -> memref<128x128xf32, #tpu.memory_space<hbm>>
        tpu.enqueue_dma source(%arg8 : memref<128x128xf32, #tpu.memory_space<vmem>>) target(%dma_start3A_422 : memref<128x128xf32, #tpu.memory_space<hbm>>) target_semaphore(%arg22 : memref<!tpu.dma_semaphore, #tpu.memory_space<semaphore_mem>>)
      } else {
      }
      %add3A_256 = arith.constant 1 : i32
      %add3A_257 = arith.addi %mul3A_248, %add3A_256 : i32
      %lt3A_258 = arith.constant 98 : i32
      %lt3A_259 = arith.cmpi slt, %add3A_257, %lt3A_258 : i32
      %convert_element_type3A_260 = arith.extui %lt3A_259 : i1 to i32
      %cond3A_261 = arith.constant 0 : i32
      %cond3A_262 = arith.cmpi ne, %convert_element_type3A_260, %cond3A_261 : i32
      scf.if %cond3A_262 {
        %dma_wait3A = arith.constant 0 : i32
        %dma_wait3A_410 = tpu.memref_slice %arg7[%dma_wait3A] : memref<12544xi32, #tpu.memory_space<vmem>> -> memref<128xi32, #tpu.memory_space<vmem>>
        %dma_wait3A_411 = arith.constant 0 : i32
        %dma_wait3A_412 = arith.constant 0 : i32
        %dma_wait3A_413 = tpu.memref_slice %arg2[%dma_wait3A_411, %dma_wait3A_412] : memref<100000x128xf32, #tpu.memory_space<hbm>> -> memref<100000x128xf32, #tpu.memory_space<hbm>>
        tpu.wait_indirect_dma semaphore(%arg16 : memref<!tpu.dma_semaphore, #tpu.memory_space<semaphore_mem>>) src(%dma_wait3A_413 : memref<100000x128xf32, #tpu.memory_space<hbm>>) dst(%arg9 : memref<128x128xf32, #tpu.memory_space<vmem>>)
        %add3A_414 = arith.constant 1 : i32
        %add3A_415 = arith.addi %mul3A_248, %add3A_414 : i32
        %add3A_416 = arith.addi %mul3A_2, %add3A_415 : i32
        %mul3A_417 = arith.constant 128 : i32
        %mul3A_418 = arith.muli %add3A_416, %mul3A_417 : i32
        %dma_start3A_419 = arith.constant 0 : i32
        %dma_start3A_420 = tpu.memref_slice %arg5[%mul3A_418, %dma_start3A_419] : memref<401408x128xf32, #tpu.memory_space<hbm>> -> memref<128x128xf32, #tpu.memory_space<hbm>>
        %dma_start3A_421 = arith.constant 0 : i32
        %dma_start3A_422 = tpu.memref_slice %arg5[%mul3A_418, %dma_start3A_421] : memref<401408x128xf32, #tpu.memory_space<hbm>> -> memref<128x128xf32, #tpu.memory_space<hbm>>
        tpu.enqueue_dma source(%arg9 : memref<128x128xf32, #tpu.memory_space<vmem>>) target(%dma_start3A_422 : memref<128x128xf32, #tpu.memory_space<hbm>>) target_semaphore(%arg23 : memref<!tpu.dma_semaphore, #tpu.memory_space<semaphore_mem>>)
      } else {
      }
      %add3A_263 = arith.constant 2 : i32
      %add3A_264 = arith.addi %mul3A_248, %add3A_263 : i32
      %lt3A_265 = arith.constant 98 : i32
      %lt3A_266 = arith.cmpi slt, %add3A_264, %lt3A_265 : i32
      %convert_element_type3A_267 = arith.extui %lt3A_266 : i1 to i32
      %cond3A_268 = arith.constant 0 : i32
      %cond3A_269 = arith.cmpi ne, %convert_element_type3A_267, %cond3A_268 : i32
      scf.if %cond3A_269 {
        %dma_wait3A = arith.constant 0 : i32
        %dma_wait3A_410 = tpu.memref_slice %arg7[%dma_wait3A] : memref<12544xi32, #tpu.memory_space<vmem>> -> memref<128xi32, #tpu.memory_space<vmem>>
        %dma_wait3A_411 = arith.constant 0 : i32
        %dma_wait3A_412 = arith.constant 0 : i32
        %dma_wait3A_413 = tpu.memref_slice %arg2[%dma_wait3A_411, %dma_wait3A_412] : memref<100000x128xf32, #tpu.memory_space<hbm>> -> memref<100000x128xf32, #tpu.memory_space<hbm>>
        tpu.wait_indirect_dma semaphore(%arg17 : memref<!tpu.dma_semaphore, #tpu.memory_space<semaphore_mem>>) src(%dma_wait3A_413 : memref<100000x128xf32, #tpu.memory_space<hbm>>) dst(%arg10 : memref<128x128xf32, #tpu.memory_space<vmem>>)
        %add3A_414 = arith.constant 2 : i32
        %add3A_415 = arith.addi %mul3A_248, %add3A_414 : i32
        %add3A_416 = arith.addi %mul3A_2, %add3A_415 : i32
        %mul3A_417 = arith.constant 128 : i32
        %mul3A_418 = arith.muli %add3A_416, %mul3A_417 : i32
        %dma_start3A_419 = arith.constant 0 : i32
        %dma_start3A_420 = tpu.memref_slice %arg5[%mul3A_418, %dma_start3A_419] : memref<401408x128xf32, #tpu.memory_space<hbm>> -> memref<128x128xf32, #tpu.memory_space<hbm>>
        %dma_start3A_421 = arith.constant 0 : i32
        %dma_start3A_422 = tpu.memref_slice %arg5[%mul3A_418, %dma_start3A_421] : memref<401408x128xf32, #tpu.memory_space<hbm>> -> memref<128x128xf32, #tpu.memory_space<hbm>>
        tpu.enqueue_dma source(%arg10 : memref<128x128xf32, #tpu.memory_space<vmem>>) target(%dma_start3A_422 : memref<128x128xf32, #tpu.memory_space<hbm>>) target_semaphore(%arg24 : memref<!tpu.dma_semaphore, #tpu.memory_space<semaphore_mem>>)
      } else {
      }
      %add3A_270 = arith.constant 3 : i32
      %add3A_271 = arith.addi %mul3A_248, %add3A_270 : i32
      %lt3A_272 = arith.constant 98 : i32
      %lt3A_273 = arith.cmpi slt, %add3A_271, %lt3A_272 : i32
      %convert_element_type3A_274 = arith.extui %lt3A_273 : i1 to i32
      %cond3A_275 = arith.constant 0 : i32
      %cond3A_276 = arith.cmpi ne, %convert_element_type3A_274, %cond3A_275 : i32
      scf.if %cond3A_276 {
        %dma_wait3A = arith.constant 0 : i32
        %dma_wait3A_410 = tpu.memref_slice %arg7[%dma_wait3A] : memref<12544xi32, #tpu.memory_space<vmem>> -> memref<128xi32, #tpu.memory_space<vmem>>
        %dma_wait3A_411 = arith.constant 0 : i32
        %dma_wait3A_412 = arith.constant 0 : i32
        %dma_wait3A_413 = tpu.memref_slice %arg2[%dma_wait3A_411, %dma_wait3A_412] : memref<100000x128xf32, #tpu.memory_space<hbm>> -> memref<100000x128xf32, #tpu.memory_space<hbm>>
        tpu.wait_indirect_dma semaphore(%arg18 : memref<!tpu.dma_semaphore, #tpu.memory_space<semaphore_mem>>) src(%dma_wait3A_413 : memref<100000x128xf32, #tpu.memory_space<hbm>>) dst(%arg11 : memref<128x128xf32, #tpu.memory_space<vmem>>)
        %add3A_414 = arith.constant 3 : i32
        %add3A_415 = arith.addi %mul3A_248, %add3A_414 : i32
        %add3A_416 = arith.addi %mul3A_2, %add3A_415 : i32
        %mul3A_417 = arith.constant 128 : i32
        %mul3A_418 = arith.muli %add3A_416, %mul3A_417 : i32
        %dma_start3A_419 = arith.constant 0 : i32
        %dma_start3A_420 = tpu.memref_slice %arg5[%mul3A_418, %dma_start3A_419] : memref<401408x128xf32, #tpu.memory_space<hbm>> -> memref<128x128xf32, #tpu.memory_space<hbm>>
        %dma_start3A_421 = arith.constant 0 : i32
        %dma_start3A_422 = tpu.memref_slice %arg5[%mul3A_418, %dma_start3A_421] : memref<401408x128xf32, #tpu.memory_space<hbm>> -> memref<128x128xf32, #tpu.memory_space<hbm>>
        tpu.enqueue_dma source(%arg11 : memref<128x128xf32, #tpu.memory_space<vmem>>) target(%dma_start3A_422 : memref<128x128xf32, #tpu.memory_space<hbm>>) target_semaphore(%arg25 : memref<!tpu.dma_semaphore, #tpu.memory_space<semaphore_mem>>)
      } else {
      }
      %add3A_277 = arith.constant 4 : i32
      %add3A_278 = arith.addi %mul3A_248, %add3A_277 : i32
      %lt3A_279 = arith.constant 98 : i32
      %lt3A_280 = arith.cmpi slt, %add3A_278, %lt3A_279 : i32
      %convert_element_type3A_281 = arith.extui %lt3A_280 : i1 to i32
      %cond3A_282 = arith.constant 0 : i32
      %cond3A_283 = arith.cmpi ne, %convert_element_type3A_281, %cond3A_282 : i32
      scf.if %cond3A_283 {
        %dma_wait3A = arith.constant 0 : i32
        %dma_wait3A_410 = tpu.memref_slice %arg7[%dma_wait3A] : memref<12544xi32, #tpu.memory_space<vmem>> -> memref<128xi32, #tpu.memory_space<vmem>>
        %dma_wait3A_411 = arith.constant 0 : i32
        %dma_wait3A_412 = arith.constant 0 : i32
        %dma_wait3A_413 = tpu.memref_slice %arg2[%dma_wait3A_411, %dma_wait3A_412] : memref<100000x128xf32, #tpu.memory_space<hbm>> -> memref<100000x128xf32, #tpu.memory_space<hbm>>
        tpu.wait_indirect_dma semaphore(%arg19 : memref<!tpu.dma_semaphore, #tpu.memory_space<semaphore_mem>>) src(%dma_wait3A_413 : memref<100000x128xf32, #tpu.memory_space<hbm>>) dst(%arg12 : memref<128x128xf32, #tpu.memory_space<vmem>>)
        %add3A_414 = arith.constant 4 : i32
        %add3A_415 = arith.addi %mul3A_248, %add3A_414 : i32
        %add3A_416 = arith.addi %mul3A_2, %add3A_415 : i32
        %mul3A_417 = arith.constant 128 : i32
        %mul3A_418 = arith.muli %add3A_416, %mul3A_417 : i32
        %dma_start3A_419 = arith.constant 0 : i32
        %dma_start3A_420 = tpu.memref_slice %arg5[%mul3A_418, %dma_start3A_419] : memref<401408x128xf32, #tpu.memory_space<hbm>> -> memref<128x128xf32, #tpu.memory_space<hbm>>
        %dma_start3A_421 = arith.constant 0 : i32
        %dma_start3A_422 = tpu.memref_slice %arg5[%mul3A_418, %dma_start3A_421] : memref<401408x128xf32, #tpu.memory_space<hbm>> -> memref<128x128xf32, #tpu.memory_space<hbm>>
        tpu.enqueue_dma source(%arg12 : memref<128x128xf32, #tpu.memory_space<vmem>>) target(%dma_start3A_422 : memref<128x128xf32, #tpu.memory_space<hbm>>) target_semaphore(%arg26 : memref<!tpu.dma_semaphore, #tpu.memory_space<semaphore_mem>>)
      } else {
      }
      %add3A_284 = arith.constant 5 : i32
      %add3A_285 = arith.addi %mul3A_248, %add3A_284 : i32
      %lt3A_286 = arith.constant 98 : i32
      %lt3A_287 = arith.cmpi slt, %add3A_285, %lt3A_286 : i32
      %convert_element_type3A_288 = arith.extui %lt3A_287 : i1 to i32
      %cond3A_289 = arith.constant 0 : i32
      %cond3A_290 = arith.cmpi ne, %convert_element_type3A_288, %cond3A_289 : i32
      scf.if %cond3A_290 {
        %dma_wait3A = arith.constant 0 : i32
        %dma_wait3A_410 = tpu.memref_slice %arg7[%dma_wait3A] : memref<12544xi32, #tpu.memory_space<vmem>> -> memref<128xi32, #tpu.memory_space<vmem>>
        %dma_wait3A_411 = arith.constant 0 : i32
        %dma_wait3A_412 = arith.constant 0 : i32
        %dma_wait3A_413 = tpu.memref_slice %arg2[%dma_wait3A_411, %dma_wait3A_412] : memref<100000x128xf32, #tpu.memory_space<hbm>> -> memref<100000x128xf32, #tpu.memory_space<hbm>>
        tpu.wait_indirect_dma semaphore(%arg20 : memref<!tpu.dma_semaphore, #tpu.memory_space<semaphore_mem>>) src(%dma_wait3A_413 : memref<100000x128xf32, #tpu.memory_space<hbm>>) dst(%arg13 : memref<128x128xf32, #tpu.memory_space<vmem>>)
        %add3A_414 = arith.constant 5 : i32
        %add3A_415 = arith.addi %mul3A_248, %add3A_414 : i32
        %add3A_416 = arith.addi %mul3A_2, %add3A_415 : i32
        %mul3A_417 = arith.constant 128 : i32
        %mul3A_418 = arith.muli %add3A_416, %mul3A_417 : i32
        %dma_start3A_419 = arith.constant 0 : i32
        %dma_start3A_420 = tpu.memref_slice %arg5[%mul3A_418, %dma_start3A_419] : memref<401408x128xf32, #tpu.memory_space<hbm>> -> memref<128x128xf32, #tpu.memory_space<hbm>>
        %dma_start3A_421 = arith.constant 0 : i32
        %dma_start3A_422 = tpu.memref_slice %arg5[%mul3A_418, %dma_start3A_421] : memref<401408x128xf32, #tpu.memory_space<hbm>> -> memref<128x128xf32, #tpu.memory_space<hbm>>
        tpu.enqueue_dma source(%arg13 : memref<128x128xf32, #tpu.memory_space<vmem>>) target(%dma_start3A_422 : memref<128x128xf32, #tpu.memory_space<hbm>>) target_semaphore(%arg27 : memref<!tpu.dma_semaphore, #tpu.memory_space<semaphore_mem>>)
      } else {
      }
      %add3A_291 = arith.constant 6 : i32
      %add3A_292 = arith.addi %mul3A_248, %add3A_291 : i32
      %lt3A_293 = arith.constant 98 : i32
      %lt3A_294 = arith.cmpi slt, %add3A_292, %lt3A_293 : i32
      %convert_element_type3A_295 = arith.extui %lt3A_294 : i1 to i32
      %cond3A_296 = arith.constant 0 : i32
      %cond3A_297 = arith.cmpi ne, %convert_element_type3A_295, %cond3A_296 : i32
      scf.if %cond3A_297 {
        %dma_wait3A = arith.constant 0 : i32
        %dma_wait3A_410 = tpu.memref_slice %arg7[%dma_wait3A] : memref<12544xi32, #tpu.memory_space<vmem>> -> memref<128xi32, #tpu.memory_space<vmem>>
        %dma_wait3A_411 = arith.constant 0 : i32
        %dma_wait3A_412 = arith.constant 0 : i32
        %dma_wait3A_413 = tpu.memref_slice %arg2[%dma_wait3A_411, %dma_wait3A_412] : memref<100000x128xf32, #tpu.memory_space<hbm>> -> memref<100000x128xf32, #tpu.memory_space<hbm>>
        tpu.wait_indirect_dma semaphore(%arg21 : memref<!tpu.dma_semaphore, #tpu.memory_space<semaphore_mem>>) src(%dma_wait3A_413 : memref<100000x128xf32, #tpu.memory_space<hbm>>) dst(%arg14 : memref<128x128xf32, #tpu.memory_space<vmem>>)
        %add3A_414 = arith.constant 6 : i32
        %add3A_415 = arith.addi %mul3A_248, %add3A_414 : i32
        %add3A_416 = arith.addi %mul3A_2, %add3A_415 : i32
        %mul3A_417 = arith.constant 128 : i32
        %mul3A_418 = arith.muli %add3A_416, %mul3A_417 : i32
        %dma_start3A_419 = arith.constant 0 : i32
        %dma_start3A_420 = tpu.memref_slice %arg5[%mul3A_418, %dma_start3A_419] : memref<401408x128xf32, #tpu.memory_space<hbm>> -> memref<128x128xf32, #tpu.memory_space<hbm>>
        %dma_start3A_421 = arith.constant 0 : i32
        %dma_start3A_422 = tpu.memref_slice %arg5[%mul3A_418, %dma_start3A_421] : memref<401408x128xf32, #tpu.memory_space<hbm>> -> memref<128x128xf32, #tpu.memory_space<hbm>>
        tpu.enqueue_dma source(%arg14 : memref<128x128xf32, #tpu.memory_space<vmem>>) target(%dma_start3A_422 : memref<128x128xf32, #tpu.memory_space<hbm>>) target_semaphore(%arg28 : memref<!tpu.dma_semaphore, #tpu.memory_space<semaphore_mem>>)
      } else {
      }
      %add3A_298 = arith.constant 0 : i32
      %add3A_299 = arith.addi %mul3A_248, %add3A_298 : i32
      %lt3A_300 = arith.constant 98 : i32
      %lt3A_301 = arith.cmpi slt, %add3A_299, %lt3A_300 : i32
      %convert_element_type3A_302 = arith.extui %lt3A_301 : i1 to i32
      %cond3A_303 = arith.constant 0 : i32
      %cond3A_304 = arith.cmpi ne, %convert_element_type3A_302, %cond3A_303 : i32
      scf.if %cond3A_304 {
        %add3A_410 = arith.constant 0 : i32
        %add3A_411 = arith.addi %mul3A_248, %add3A_410 : i32
        %add3A_412 = arith.addi %mul3A_2, %add3A_411 : i32
        %mul3A_413 = arith.constant 128 : i32
        %mul3A_414 = arith.muli %add3A_412, %mul3A_413 : i32
        %dma_wait3A = arith.constant 0 : i32
        %dma_wait3A_415 = tpu.memref_slice %arg5[%mul3A_414, %dma_wait3A] : memref<401408x128xf32, #tpu.memory_space<hbm>> -> memref<128x128xf32, #tpu.memory_space<hbm>>
        %dma_wait3A_416 = arith.constant 0 : i32
        %dma_wait3A_417 = tpu.memref_slice %arg5[%mul3A_414, %dma_wait3A_416] : memref<401408x128xf32, #tpu.memory_space<hbm>> -> memref<128x128xf32, #tpu.memory_space<hbm>>
        tpu.wait_dma2 semaphore(%arg22 : memref<!tpu.dma_semaphore, #tpu.memory_space<semaphore_mem>>) src(%arg8 : memref<128x128xf32, #tpu.memory_space<vmem>>) dst(%dma_wait3A_417 : memref<128x128xf32, #tpu.memory_space<hbm>>)
      } else {
      }
      %add3A_305 = arith.constant 7 : i32
      %add3A_306 = arith.addi %mul3A_248, %add3A_305 : i32
      %add3A_307 = arith.constant 0 : i32
      %add3A_308 = arith.addi %add3A_306, %add3A_307 : i32
      %lt3A_309 = arith.constant 98 : i32
      %lt3A_310 = arith.cmpi slt, %add3A_308, %lt3A_309 : i32
      %convert_element_type3A_311 = arith.extui %lt3A_310 : i1 to i32
      %cond3A_312 = arith.constant 0 : i32
      %cond3A_313 = arith.cmpi ne, %convert_element_type3A_311, %cond3A_312 : i32
      scf.if %cond3A_313 {
        %mul3A_410 = arith.constant 128 : i32
        %mul3A_411 = arith.muli %add3A_308, %mul3A_410 : i32
        %dma_start3A_412 = tpu.memref_slice %arg7[%mul3A_411] : memref<12544xi32, #tpu.memory_space<vmem>> -> memref<128xi32, #tpu.memory_space<vmem>>
        %dma_start3A_413 = arith.constant 0 : i32
        %dma_start3A_414 = arith.constant 0 : i32
        %dma_start3A_415 = tpu.memref_slice %arg2[%dma_start3A_413, %dma_start3A_414] : memref<100000x128xf32, #tpu.memory_space<hbm>> -> memref<100000x128xf32, #tpu.memory_space<hbm>>
        tpu.enqueue_indirect_dma source(%dma_start3A_415 : memref<100000x128xf32, #tpu.memory_space<hbm>>) target(%arg8 : memref<128x128xf32, #tpu.memory_space<vmem>>) offsets(%dma_start3A_412 : memref<128xi32, #tpu.memory_space<vmem>>) semaphore(%arg15 : memref<!tpu.dma_semaphore, #tpu.memory_space<semaphore_mem>>)
      } else {
      }
      %add3A_314 = arith.constant 1 : i32
      %add3A_315 = arith.addi %mul3A_248, %add3A_314 : i32
      %lt3A_316 = arith.constant 98 : i32
      %lt3A_317 = arith.cmpi slt, %add3A_315, %lt3A_316 : i32
      %convert_element_type3A_318 = arith.extui %lt3A_317 : i1 to i32
      %cond3A_319 = arith.constant 0 : i32
      %cond3A_320 = arith.cmpi ne, %convert_element_type3A_318, %cond3A_319 : i32
      scf.if %cond3A_320 {
        %add3A_410 = arith.constant 1 : i32
        %add3A_411 = arith.addi %mul3A_248, %add3A_410 : i32
        %add3A_412 = arith.addi %mul3A_2, %add3A_411 : i32
        %mul3A_413 = arith.constant 128 : i32
        %mul3A_414 = arith.muli %add3A_412, %mul3A_413 : i32
        %dma_wait3A = arith.constant 0 : i32
        %dma_wait3A_415 = tpu.memref_slice %arg5[%mul3A_414, %dma_wait3A] : memref<401408x128xf32, #tpu.memory_space<hbm>> -> memref<128x128xf32, #tpu.memory_space<hbm>>
        %dma_wait3A_416 = arith.constant 0 : i32
        %dma_wait3A_417 = tpu.memref_slice %arg5[%mul3A_414, %dma_wait3A_416] : memref<401408x128xf32, #tpu.memory_space<hbm>> -> memref<128x128xf32, #tpu.memory_space<hbm>>
        tpu.wait_dma2 semaphore(%arg23 : memref<!tpu.dma_semaphore, #tpu.memory_space<semaphore_mem>>) src(%arg9 : memref<128x128xf32, #tpu.memory_space<vmem>>) dst(%dma_wait3A_417 : memref<128x128xf32, #tpu.memory_space<hbm>>)
      } else {
      }
      %add3A_321 = arith.constant 7 : i32
      %add3A_322 = arith.addi %mul3A_248, %add3A_321 : i32
      %add3A_323 = arith.constant 1 : i32
      %add3A_324 = arith.addi %add3A_322, %add3A_323 : i32
      %lt3A_325 = arith.constant 98 : i32
      %lt3A_326 = arith.cmpi slt, %add3A_324, %lt3A_325 : i32
      %convert_element_type3A_327 = arith.extui %lt3A_326 : i1 to i32
      %cond3A_328 = arith.constant 0 : i32
      %cond3A_329 = arith.cmpi ne, %convert_element_type3A_327, %cond3A_328 : i32
      scf.if %cond3A_329 {
        %mul3A_410 = arith.constant 128 : i32
        %mul3A_411 = arith.muli %add3A_324, %mul3A_410 : i32
        %dma_start3A_412 = tpu.memref_slice %arg7[%mul3A_411] : memref<12544xi32, #tpu.memory_space<vmem>> -> memref<128xi32, #tpu.memory_space<vmem>>
        %dma_start3A_413 = arith.constant 0 : i32
        %dma_start3A_414 = arith.constant 0 : i32
        %dma_start3A_415 = tpu.memref_slice %arg2[%dma_start3A_413, %dma_start3A_414] : memref<100000x128xf32, #tpu.memory_space<hbm>> -> memref<100000x128xf32, #tpu.memory_space<hbm>>
        tpu.enqueue_indirect_dma source(%dma_start3A_415 : memref<100000x128xf32, #tpu.memory_space<hbm>>) target(%arg9 : memref<128x128xf32, #tpu.memory_space<vmem>>) offsets(%dma_start3A_412 : memref<128xi32, #tpu.memory_space<vmem>>) semaphore(%arg16 : memref<!tpu.dma_semaphore, #tpu.memory_space<semaphore_mem>>)
      } else {
      }
      %add3A_330 = arith.constant 2 : i32
      %add3A_331 = arith.addi %mul3A_248, %add3A_330 : i32
      %lt3A_332 = arith.constant 98 : i32
      %lt3A_333 = arith.cmpi slt, %add3A_331, %lt3A_332 : i32
      %convert_element_type3A_334 = arith.extui %lt3A_333 : i1 to i32
      %cond3A_335 = arith.constant 0 : i32
      %cond3A_336 = arith.cmpi ne, %convert_element_type3A_334, %cond3A_335 : i32
      scf.if %cond3A_336 {
        %add3A_410 = arith.constant 2 : i32
        %add3A_411 = arith.addi %mul3A_248, %add3A_410 : i32
        %add3A_412 = arith.addi %mul3A_2, %add3A_411 : i32
        %mul3A_413 = arith.constant 128 : i32
        %mul3A_414 = arith.muli %add3A_412, %mul3A_413 : i32
        %dma_wait3A = arith.constant 0 : i32
        %dma_wait3A_415 = tpu.memref_slice %arg5[%mul3A_414, %dma_wait3A] : memref<401408x128xf32, #tpu.memory_space<hbm>> -> memref<128x128xf32, #tpu.memory_space<hbm>>
        %dma_wait3A_416 = arith.constant 0 : i32
        %dma_wait3A_417 = tpu.memref_slice %arg5[%mul3A_414, %dma_wait3A_416] : memref<401408x128xf32, #tpu.memory_space<hbm>> -> memref<128x128xf32, #tpu.memory_space<hbm>>
        tpu.wait_dma2 semaphore(%arg24 : memref<!tpu.dma_semaphore, #tpu.memory_space<semaphore_mem>>) src(%arg10 : memref<128x128xf32, #tpu.memory_space<vmem>>) dst(%dma_wait3A_417 : memref<128x128xf32, #tpu.memory_space<hbm>>)
      } else {
      }
      %add3A_337 = arith.constant 7 : i32
      %add3A_338 = arith.addi %mul3A_248, %add3A_337 : i32
      %add3A_339 = arith.constant 2 : i32
      %add3A_340 = arith.addi %add3A_338, %add3A_339 : i32
      %lt3A_341 = arith.constant 98 : i32
      %lt3A_342 = arith.cmpi slt, %add3A_340, %lt3A_341 : i32
      %convert_element_type3A_343 = arith.extui %lt3A_342 : i1 to i32
      %cond3A_344 = arith.constant 0 : i32
      %cond3A_345 = arith.cmpi ne, %convert_element_type3A_343, %cond3A_344 : i32
      scf.if %cond3A_345 {
        %mul3A_410 = arith.constant 128 : i32
        %mul3A_411 = arith.muli %add3A_340, %mul3A_410 : i32
        %dma_start3A_412 = tpu.memref_slice %arg7[%mul3A_411] : memref<12544xi32, #tpu.memory_space<vmem>> -> memref<128xi32, #tpu.memory_space<vmem>>
        %dma_start3A_413 = arith.constant 0 : i32
        %dma_start3A_414 = arith.constant 0 : i32
        %dma_start3A_415 = tpu.memref_slice %arg2[%dma_start3A_413, %dma_start3A_414] : memref<100000x128xf32, #tpu.memory_space<hbm>> -> memref<100000x128xf32, #tpu.memory_space<hbm>>
        tpu.enqueue_indirect_dma source(%dma_start3A_415 : memref<100000x128xf32, #tpu.memory_space<hbm>>) target(%arg10 : memref<128x128xf32, #tpu.memory_space<vmem>>) offsets(%dma_start3A_412 : memref<128xi32, #tpu.memory_space<vmem>>) semaphore(%arg17 : memref<!tpu.dma_semaphore, #tpu.memory_space<semaphore_mem>>)
      } else {
      }
      %add3A_346 = arith.constant 3 : i32
      %add3A_347 = arith.addi %mul3A_248, %add3A_346 : i32
      %lt3A_348 = arith.constant 98 : i32
      %lt3A_349 = arith.cmpi slt, %add3A_347, %lt3A_348 : i32
      %convert_element_type3A_350 = arith.extui %lt3A_349 : i1 to i32
      %cond3A_351 = arith.constant 0 : i32
      %cond3A_352 = arith.cmpi ne, %convert_element_type3A_350, %cond3A_351 : i32
      scf.if %cond3A_352 {
        %add3A_410 = arith.constant 3 : i32
        %add3A_411 = arith.addi %mul3A_248, %add3A_410 : i32
        %add3A_412 = arith.addi %mul3A_2, %add3A_411 : i32
        %mul3A_413 = arith.constant 128 : i32
        %mul3A_414 = arith.muli %add3A_412, %mul3A_413 : i32
        %dma_wait3A = arith.constant 0 : i32
        %dma_wait3A_415 = tpu.memref_slice %arg5[%mul3A_414, %dma_wait3A] : memref<401408x128xf32, #tpu.memory_space<hbm>> -> memref<128x128xf32, #tpu.memory_space<hbm>>
        %dma_wait3A_416 = arith.constant 0 : i32
        %dma_wait3A_417 = tpu.memref_slice %arg5[%mul3A_414, %dma_wait3A_416] : memref<401408x128xf32, #tpu.memory_space<hbm>> -> memref<128x128xf32, #tpu.memory_space<hbm>>
        tpu.wait_dma2 semaphore(%arg25 : memref<!tpu.dma_semaphore, #tpu.memory_space<semaphore_mem>>) src(%arg11 : memref<128x128xf32, #tpu.memory_space<vmem>>) dst(%dma_wait3A_417 : memref<128x128xf32, #tpu.memory_space<hbm>>)
      } else {
      }
      %add3A_353 = arith.constant 7 : i32
      %add3A_354 = arith.addi %mul3A_248, %add3A_353 : i32
      %add3A_355 = arith.constant 3 : i32
      %add3A_356 = arith.addi %add3A_354, %add3A_355 : i32
      %lt3A_357 = arith.constant 98 : i32
      %lt3A_358 = arith.cmpi slt, %add3A_356, %lt3A_357 : i32
      %convert_element_type3A_359 = arith.extui %lt3A_358 : i1 to i32
      %cond3A_360 = arith.constant 0 : i32
      %cond3A_361 = arith.cmpi ne, %convert_element_type3A_359, %cond3A_360 : i32
      scf.if %cond3A_361 {
        %mul3A_410 = arith.constant 128 : i32
        %mul3A_411 = arith.muli %add3A_356, %mul3A_410 : i32
        %dma_start3A_412 = tpu.memref_slice %arg7[%mul3A_411] : memref<12544xi32, #tpu.memory_space<vmem>> -> memref<128xi32, #tpu.memory_space<vmem>>
        %dma_start3A_413 = arith.constant 0 : i32
        %dma_start3A_414 = arith.constant 0 : i32
        %dma_start3A_415 = tpu.memref_slice %arg2[%dma_start3A_413, %dma_start3A_414] : memref<100000x128xf32, #tpu.memory_space<hbm>> -> memref<100000x128xf32, #tpu.memory_space<hbm>>
        tpu.enqueue_indirect_dma source(%dma_start3A_415 : memref<100000x128xf32, #tpu.memory_space<hbm>>) target(%arg11 : memref<128x128xf32, #tpu.memory_space<vmem>>) offsets(%dma_start3A_412 : memref<128xi32, #tpu.memory_space<vmem>>) semaphore(%arg18 : memref<!tpu.dma_semaphore, #tpu.memory_space<semaphore_mem>>)
      } else {
      }
      %add3A_362 = arith.constant 4 : i32
      %add3A_363 = arith.addi %mul3A_248, %add3A_362 : i32
      %lt3A_364 = arith.constant 98 : i32
      %lt3A_365 = arith.cmpi slt, %add3A_363, %lt3A_364 : i32
      %convert_element_type3A_366 = arith.extui %lt3A_365 : i1 to i32
      %cond3A_367 = arith.constant 0 : i32
      %cond3A_368 = arith.cmpi ne, %convert_element_type3A_366, %cond3A_367 : i32
      scf.if %cond3A_368 {
        %add3A_410 = arith.constant 4 : i32
        %add3A_411 = arith.addi %mul3A_248, %add3A_410 : i32
        %add3A_412 = arith.addi %mul3A_2, %add3A_411 : i32
        %mul3A_413 = arith.constant 128 : i32
        %mul3A_414 = arith.muli %add3A_412, %mul3A_413 : i32
        %dma_wait3A = arith.constant 0 : i32
        %dma_wait3A_415 = tpu.memref_slice %arg5[%mul3A_414, %dma_wait3A] : memref<401408x128xf32, #tpu.memory_space<hbm>> -> memref<128x128xf32, #tpu.memory_space<hbm>>
        %dma_wait3A_416 = arith.constant 0 : i32
        %dma_wait3A_417 = tpu.memref_slice %arg5[%mul3A_414, %dma_wait3A_416] : memref<401408x128xf32, #tpu.memory_space<hbm>> -> memref<128x128xf32, #tpu.memory_space<hbm>>
        tpu.wait_dma2 semaphore(%arg26 : memref<!tpu.dma_semaphore, #tpu.memory_space<semaphore_mem>>) src(%arg12 : memref<128x128xf32, #tpu.memory_space<vmem>>) dst(%dma_wait3A_417 : memref<128x128xf32, #tpu.memory_space<hbm>>)
      } else {
      }
      %add3A_369 = arith.constant 7 : i32
      %add3A_370 = arith.addi %mul3A_248, %add3A_369 : i32
      %add3A_371 = arith.constant 4 : i32
      %add3A_372 = arith.addi %add3A_370, %add3A_371 : i32
      %lt3A_373 = arith.constant 98 : i32
      %lt3A_374 = arith.cmpi slt, %add3A_372, %lt3A_373 : i32
      %convert_element_type3A_375 = arith.extui %lt3A_374 : i1 to i32
      %cond3A_376 = arith.constant 0 : i32
      %cond3A_377 = arith.cmpi ne, %convert_element_type3A_375, %cond3A_376 : i32
      scf.if %cond3A_377 {
        %mul3A_410 = arith.constant 128 : i32
        %mul3A_411 = arith.muli %add3A_372, %mul3A_410 : i32
        %dma_start3A_412 = tpu.memref_slice %arg7[%mul3A_411] : memref<12544xi32, #tpu.memory_space<vmem>> -> memref<128xi32, #tpu.memory_space<vmem>>
        %dma_start3A_413 = arith.constant 0 : i32
        %dma_start3A_414 = arith.constant 0 : i32
        %dma_start3A_415 = tpu.memref_slice %arg2[%dma_start3A_413, %dma_start3A_414] : memref<100000x128xf32, #tpu.memory_space<hbm>> -> memref<100000x128xf32, #tpu.memory_space<hbm>>
        tpu.enqueue_indirect_dma source(%dma_start3A_415 : memref<100000x128xf32, #tpu.memory_space<hbm>>) target(%arg12 : memref<128x128xf32, #tpu.memory_space<vmem>>) offsets(%dma_start3A_412 : memref<128xi32, #tpu.memory_space<vmem>>) semaphore(%arg19 : memref<!tpu.dma_semaphore, #tpu.memory_space<semaphore_mem>>)
      } else {
      }
      %add3A_378 = arith.constant 5 : i32
      %add3A_379 = arith.addi %mul3A_248, %add3A_378 : i32
      %lt3A_380 = arith.constant 98 : i32
      %lt3A_381 = arith.cmpi slt, %add3A_379, %lt3A_380 : i32
      %convert_element_type3A_382 = arith.extui %lt3A_381 : i1 to i32
      %cond3A_383 = arith.constant 0 : i32
      %cond3A_384 = arith.cmpi ne, %convert_element_type3A_382, %cond3A_383 : i32
      scf.if %cond3A_384 {
        %add3A_410 = arith.constant 5 : i32
        %add3A_411 = arith.addi %mul3A_248, %add3A_410 : i32
        %add3A_412 = arith.addi %mul3A_2, %add3A_411 : i32
        %mul3A_413 = arith.constant 128 : i32
        %mul3A_414 = arith.muli %add3A_412, %mul3A_413 : i32
        %dma_wait3A = arith.constant 0 : i32
        %dma_wait3A_415 = tpu.memref_slice %arg5[%mul3A_414, %dma_wait3A] : memref<401408x128xf32, #tpu.memory_space<hbm>> -> memref<128x128xf32, #tpu.memory_space<hbm>>
        %dma_wait3A_416 = arith.constant 0 : i32
        %dma_wait3A_417 = tpu.memref_slice %arg5[%mul3A_414, %dma_wait3A_416] : memref<401408x128xf32, #tpu.memory_space<hbm>> -> memref<128x128xf32, #tpu.memory_space<hbm>>
        tpu.wait_dma2 semaphore(%arg27 : memref<!tpu.dma_semaphore, #tpu.memory_space<semaphore_mem>>) src(%arg13 : memref<128x128xf32, #tpu.memory_space<vmem>>) dst(%dma_wait3A_417 : memref<128x128xf32, #tpu.memory_space<hbm>>)
      } else {
      }
      %add3A_385 = arith.constant 7 : i32
      %add3A_386 = arith.addi %mul3A_248, %add3A_385 : i32
      %add3A_387 = arith.constant 5 : i32
      %add3A_388 = arith.addi %add3A_386, %add3A_387 : i32
      %lt3A_389 = arith.constant 98 : i32
      %lt3A_390 = arith.cmpi slt, %add3A_388, %lt3A_389 : i32
      %convert_element_type3A_391 = arith.extui %lt3A_390 : i1 to i32
      %cond3A_392 = arith.constant 0 : i32
      %cond3A_393 = arith.cmpi ne, %convert_element_type3A_391, %cond3A_392 : i32
      scf.if %cond3A_393 {
        %mul3A_410 = arith.constant 128 : i32
        %mul3A_411 = arith.muli %add3A_388, %mul3A_410 : i32
        %dma_start3A_412 = tpu.memref_slice %arg7[%mul3A_411] : memref<12544xi32, #tpu.memory_space<vmem>> -> memref<128xi32, #tpu.memory_space<vmem>>
        %dma_start3A_413 = arith.constant 0 : i32
        %dma_start3A_414 = arith.constant 0 : i32
        %dma_start3A_415 = tpu.memref_slice %arg2[%dma_start3A_413, %dma_start3A_414] : memref<100000x128xf32, #tpu.memory_space<hbm>> -> memref<100000x128xf32, #tpu.memory_space<hbm>>
        tpu.enqueue_indirect_dma source(%dma_start3A_415 : memref<100000x128xf32, #tpu.memory_space<hbm>>) target(%arg13 : memref<128x128xf32, #tpu.memory_space<vmem>>) offsets(%dma_start3A_412 : memref<128xi32, #tpu.memory_space<vmem>>) semaphore(%arg20 : memref<!tpu.dma_semaphore, #tpu.memory_space<semaphore_mem>>)
      } else {
      }
      %add3A_394 = arith.constant 6 : i32
      %add3A_395 = arith.addi %mul3A_248, %add3A_394 : i32
      %lt3A_396 = arith.constant 98 : i32
      %lt3A_397 = arith.cmpi slt, %add3A_395, %lt3A_396 : i32
      %convert_element_type3A_398 = arith.extui %lt3A_397 : i1 to i32
      %cond3A_399 = arith.constant 0 : i32
      %cond3A_400 = arith.cmpi ne, %convert_element_type3A_398, %cond3A_399 : i32
      scf.if %cond3A_400 {
        %add3A_410 = arith.constant 6 : i32
        %add3A_411 = arith.addi %mul3A_248, %add3A_410 : i32
        %add3A_412 = arith.addi %mul3A_2, %add3A_411 : i32
        %mul3A_413 = arith.constant 128 : i32
        %mul3A_414 = arith.muli %add3A_412, %mul3A_413 : i32
        %dma_wait3A = arith.constant 0 : i32
        %dma_wait3A_415 = tpu.memref_slice %arg5[%mul3A_414, %dma_wait3A] : memref<401408x128xf32, #tpu.memory_space<hbm>> -> memref<128x128xf32, #tpu.memory_space<hbm>>
        %dma_wait3A_416 = arith.constant 0 : i32
        %dma_wait3A_417 = tpu.memref_slice %arg5[%mul3A_414, %dma_wait3A_416] : memref<401408x128xf32, #tpu.memory_space<hbm>> -> memref<128x128xf32, #tpu.memory_space<hbm>>
        tpu.wait_dma2 semaphore(%arg28 : memref<!tpu.dma_semaphore, #tpu.memory_space<semaphore_mem>>) src(%arg14 : memref<128x128xf32, #tpu.memory_space<vmem>>) dst(%dma_wait3A_417 : memref<128x128xf32, #tpu.memory_space<hbm>>)
      } else {
      }
      %add3A_401 = arith.constant 7 : i32
      %add3A_402 = arith.addi %mul3A_248, %add3A_401 : i32
      %add3A_403 = arith.constant 6 : i32
      %add3A_404 = arith.addi %add3A_402, %add3A_403 : i32
      %lt3A_405 = arith.constant 98 : i32
      %lt3A_406 = arith.cmpi slt, %add3A_404, %lt3A_405 : i32
      %convert_element_type3A_407 = arith.extui %lt3A_406 : i1 to i32
      %cond3A_408 = arith.constant 0 : i32
      %cond3A_409 = arith.cmpi ne, %convert_element_type3A_407, %cond3A_408 : i32
      scf.if %cond3A_409 {
        %mul3A_410 = arith.constant 128 : i32
        %mul3A_411 = arith.muli %add3A_404, %mul3A_410 : i32
        %dma_start3A_412 = tpu.memref_slice %arg7[%mul3A_411] : memref<12544xi32, #tpu.memory_space<vmem>> -> memref<128xi32, #tpu.memory_space<vmem>>
        %dma_start3A_413 = arith.constant 0 : i32
        %dma_start3A_414 = arith.constant 0 : i32
        %dma_start3A_415 = tpu.memref_slice %arg2[%dma_start3A_413, %dma_start3A_414] : memref<100000x128xf32, #tpu.memory_space<hbm>> -> memref<100000x128xf32, #tpu.memory_space<hbm>>
        tpu.enqueue_indirect_dma source(%dma_start3A_415 : memref<100000x128xf32, #tpu.memory_space<hbm>>) target(%arg14 : memref<128x128xf32, #tpu.memory_space<vmem>>) offsets(%dma_start3A_412 : memref<128xi32, #tpu.memory_space<vmem>>) semaphore(%arg21 : memref<!tpu.dma_semaphore, #tpu.memory_space<semaphore_mem>>)
      } else {
      }
    }
    %scan3A_43 = arith.constant 14 : i32
    %mul3A_44 = arith.constant 7 : i32
    %mul3A_45 = arith.muli %add3A, %mul3A_44 : i32
    %mul3A_46 = arith.constant 128 : i32
    %mul3A_47 = arith.muli %mul3A_45, %mul3A_46 : i32
    "tpu.region"() ({
      %run_scoped3A = tpu.sem_alloc : memref<!tpu.dma_semaphore, #tpu.memory_space<semaphore_mem>>
      %dma_start3A_246 = arith.constant 0 : i32
      %dma_start3A_247 = tpu.memref_slice %arg7[%dma_start3A_246] : memref<12544xi32, #tpu.memory_space<vmem>> -> memref<896xi32, #tpu.memory_space<vmem>>
      %dma_start3A_248 = tpu.memref_slice %arg4[%mul3A_47] : memref<28672xi32, #tpu.memory_space<hbm>> -> memref<896xi32, #tpu.memory_space<hbm>>
      %dma_start3A_249 = arith.constant 0 : i32
      %dma_start3A_250 = tpu.memref_slice %arg7[%dma_start3A_249] : memref<12544xi32, #tpu.memory_space<vmem>> -> memref<896xi32, #tpu.memory_space<vmem>>
      %dma_start3A_251 = tpu.memref_slice %arg4[%mul3A_47] : memref<28672xi32, #tpu.memory_space<hbm>> -> memref<896xi32, #tpu.memory_space<hbm>>
      tpu.enqueue_dma source(%dma_start3A_251 : memref<896xi32, #tpu.memory_space<hbm>>) target(%dma_start3A_250 : memref<896xi32, #tpu.memory_space<vmem>>) target_semaphore(%run_scoped3A : memref<!tpu.dma_semaphore, #tpu.memory_space<semaphore_mem>>)
      %dma_wait3A = arith.constant 0 : i32
      %dma_wait3A_252 = tpu.memref_slice %arg7[%dma_wait3A] : memref<12544xi32, #tpu.memory_space<vmem>> -> memref<896xi32, #tpu.memory_space<vmem>>
      %dma_wait3A_253 = tpu.memref_slice %arg4[%mul3A_47] : memref<28672xi32, #tpu.memory_space<hbm>> -> memref<896xi32, #tpu.memory_space<hbm>>
      %dma_wait3A_254 = arith.constant 0 : i32
      %dma_wait3A_255 = tpu.memref_slice %arg7[%dma_wait3A_254] : memref<12544xi32, #tpu.memory_space<vmem>> -> memref<896xi32, #tpu.memory_space<vmem>>
      %dma_wait3A_256 = tpu.memref_slice %arg4[%mul3A_47] : memref<28672xi32, #tpu.memory_space<hbm>> -> memref<896xi32, #tpu.memory_space<hbm>>
      tpu.wait_dma2 semaphore(%run_scoped3A : memref<!tpu.dma_semaphore, #tpu.memory_space<semaphore_mem>>) src(%dma_wait3A_256 : memref<896xi32, #tpu.memory_space<hbm>>) dst(%dma_wait3A_255 : memref<896xi32, #tpu.memory_space<vmem>>)
      tpu.yield
    }) : () -> ()
    %dma_start3A_48 = arith.constant 0 : i32
    %dma_start3A_49 = tpu.memref_slice %arg7[%dma_start3A_48] : memref<12544xi32, #tpu.memory_space<vmem>> -> memref<128xi32, #tpu.memory_space<vmem>>
    %dma_start3A_50 = arith.constant 0 : i32
    %dma_start3A_51 = arith.constant 0 : i32
    %dma_start3A_52 = tpu.memref_slice %arg2[%dma_start3A_50, %dma_start3A_51] : memref<100000x128xf32, #tpu.memory_space<hbm>> -> memref<100000x128xf32, #tpu.memory_space<hbm>>
    tpu.enqueue_indirect_dma source(%dma_start3A_52 : memref<100000x128xf32, #tpu.memory_space<hbm>>) target(%arg8 : memref<128x128xf32, #tpu.memory_space<vmem>>) offsets(%dma_start3A_49 : memref<128xi32, #tpu.memory_space<vmem>>) semaphore(%arg15 : memref<!tpu.dma_semaphore, #tpu.memory_space<semaphore_mem>>)
    %dma_start3A_53 = arith.constant 128 : i32
    %dma_start3A_54 = tpu.memref_slice %arg7[%dma_start3A_53] : memref<12544xi32, #tpu.memory_space<vmem>> -> memref<128xi32, #tpu.memory_space<vmem>>
    %dma_start3A_55 = arith.constant 0 : i32
    %dma_start3A_56 = arith.constant 0 : i32
    %dma_start3A_57 = tpu.memref_slice %arg2[%dma_start3A_55, %dma_start3A_56] : memref<100000x128xf32, #tpu.memory_space<hbm>> -> memref<100000x128xf32, #tpu.memory_space<hbm>>
    tpu.enqueue_indirect_dma source(%dma_start3A_57 : memref<100000x128xf32, #tpu.memory_space<hbm>>) target(%arg9 : memref<128x128xf32, #tpu.memory_space<vmem>>) offsets(%dma_start3A_54 : memref<128xi32, #tpu.memory_space<vmem>>) semaphore(%arg16 : memref<!tpu.dma_semaphore, #tpu.memory_space<semaphore_mem>>)
    %dma_start3A_58 = arith.constant 256 : i32
    %dma_start3A_59 = tpu.memref_slice %arg7[%dma_start3A_58] : memref<12544xi32, #tpu.memory_space<vmem>> -> memref<128xi32, #tpu.memory_space<vmem>>
    %dma_start3A_60 = arith.constant 0 : i32
    %dma_start3A_61 = arith.constant 0 : i32
    %dma_start3A_62 = tpu.memref_slice %arg2[%dma_start3A_60, %dma_start3A_61] : memref<100000x128xf32, #tpu.memory_space<hbm>> -> memref<100000x128xf32, #tpu.memory_space<hbm>>
    tpu.enqueue_indirect_dma source(%dma_start3A_62 : memref<100000x128xf32, #tpu.memory_space<hbm>>) target(%arg10 : memref<128x128xf32, #tpu.memory_space<vmem>>) offsets(%dma_start3A_59 : memref<128xi32, #tpu.memory_space<vmem>>) semaphore(%arg17 : memref<!tpu.dma_semaphore, #tpu.memory_space<semaphore_mem>>)
    %dma_start3A_63 = arith.constant 384 : i32
    %dma_start3A_64 = tpu.memref_slice %arg7[%dma_start3A_63] : memref<12544xi32, #tpu.memory_space<vmem>> -> memref<128xi32, #tpu.memory_space<vmem>>
    %dma_start3A_65 = arith.constant 0 : i32
    %dma_start3A_66 = arith.constant 0 : i32
    %dma_start3A_67 = tpu.memref_slice %arg2[%dma_start3A_65, %dma_start3A_66] : memref<100000x128xf32, #tpu.memory_space<hbm>> -> memref<100000x128xf32, #tpu.memory_space<hbm>>
    tpu.enqueue_indirect_dma source(%dma_start3A_67 : memref<100000x128xf32, #tpu.memory_space<hbm>>) target(%arg11 : memref<128x128xf32, #tpu.memory_space<vmem>>) offsets(%dma_start3A_64 : memref<128xi32, #tpu.memory_space<vmem>>) semaphore(%arg18 : memref<!tpu.dma_semaphore, #tpu.memory_space<semaphore_mem>>)
    %dma_start3A_68 = arith.constant 512 : i32
    %dma_start3A_69 = tpu.memref_slice %arg7[%dma_start3A_68] : memref<12544xi32, #tpu.memory_space<vmem>> -> memref<128xi32, #tpu.memory_space<vmem>>
    %dma_start3A_70 = arith.constant 0 : i32
    %dma_start3A_71 = arith.constant 0 : i32
    %dma_start3A_72 = tpu.memref_slice %arg2[%dma_start3A_70, %dma_start3A_71] : memref<100000x128xf32, #tpu.memory_space<hbm>> -> memref<100000x128xf32, #tpu.memory_space<hbm>>
    tpu.enqueue_indirect_dma source(%dma_start3A_72 : memref<100000x128xf32, #tpu.memory_space<hbm>>) target(%arg12 : memref<128x128xf32, #tpu.memory_space<vmem>>) offsets(%dma_start3A_69 : memref<128xi32, #tpu.memory_space<vmem>>) semaphore(%arg19 : memref<!tpu.dma_semaphore, #tpu.memory_space<semaphore_mem>>)
    %dma_start3A_73 = arith.constant 640 : i32
    %dma_start3A_74 = tpu.memref_slice %arg7[%dma_start3A_73] : memref<12544xi32, #tpu.memory_space<vmem>> -> memref<128xi32, #tpu.memory_space<vmem>>
    %dma_start3A_75 = arith.constant 0 : i32
    %dma_start3A_76 = arith.constant 0 : i32
    %dma_start3A_77 = tpu.memref_slice %arg2[%dma_start3A_75, %dma_start3A_76] : memref<100000x128xf32, #tpu.memory_space<hbm>> -> memref<100000x128xf32, #tpu.memory_space<hbm>>
    tpu.enqueue_indirect_dma source(%dma_start3A_77 : memref<100000x128xf32, #tpu.memory_space<hbm>>) target(%arg13 : memref<128x128xf32, #tpu.memory_space<vmem>>) offsets(%dma_start3A_74 : memref<128xi32, #tpu.memory_space<vmem>>) semaphore(%arg20 : memref<!tpu.dma_semaphore, #tpu.memory_space<semaphore_mem>>)
    %dma_start3A_78 = arith.constant 768 : i32
    %dma_start3A_79 = tpu.memref_slice %arg7[%dma_start3A_78] : memref<12544xi32, #tpu.memory_space<vmem>> -> memref<128xi32, #tpu.memory_space<vmem>>
    %dma_start3A_80 = arith.constant 0 : i32
    %dma_start3A_81 = arith.constant 0 : i32
    %dma_start3A_82 = tpu.memref_slice %arg2[%dma_start3A_80, %dma_start3A_81] : memref<100000x128xf32, #tpu.memory_space<hbm>> -> memref<100000x128xf32, #tpu.memory_space<hbm>>
    tpu.enqueue_indirect_dma source(%dma_start3A_82 : memref<100000x128xf32, #tpu.memory_space<hbm>>) target(%arg14 : memref<128x128xf32, #tpu.memory_space<vmem>>) offsets(%dma_start3A_79 : memref<128xi32, #tpu.memory_space<vmem>>) semaphore(%arg21 : memref<!tpu.dma_semaphore, #tpu.memory_space<semaphore_mem>>)
    %scan3A_83 = arith.constant 0 : i32
    %scan3A_84 = arith.constant 0 : i32
    %mul3A_85 = arith.constant 7 : i32
    %mul3A_86 = arith.muli %scan3A_84, %mul3A_85 : i32
    %add3A_87 = arith.constant 0 : i32
    %add3A_88 = arith.addi %mul3A_86, %add3A_87 : i32
    %lt3A = arith.constant 7 : i32
    %lt3A_89 = arith.cmpi slt, %add3A_88, %lt3A : i32
    %convert_element_type3A = arith.extui %lt3A_89 : i1 to i32
    %cond3A = arith.constant 0 : i32
    %cond3A_90 = arith.cmpi ne, %convert_element_type3A, %cond3A : i32
    scf.if %cond3A_90 {
      %dma_wait3A = arith.constant 0 : i32
      %dma_wait3A_246 = tpu.memref_slice %arg7[%dma_wait3A] : memref<12544xi32, #tpu.memory_space<vmem>> -> memref<128xi32, #tpu.memory_space<vmem>>
      %dma_wait3A_247 = arith.constant 0 : i32
      %dma_wait3A_248 = arith.constant 0 : i32
      %dma_wait3A_249 = tpu.memref_slice %arg2[%dma_wait3A_247, %dma_wait3A_248] : memref<100000x128xf32, #tpu.memory_space<hbm>> -> memref<100000x128xf32, #tpu.memory_space<hbm>>
      tpu.wait_indirect_dma semaphore(%arg15 : memref<!tpu.dma_semaphore, #tpu.memory_space<semaphore_mem>>) src(%dma_wait3A_249 : memref<100000x128xf32, #tpu.memory_space<hbm>>) dst(%arg8 : memref<128x128xf32, #tpu.memory_space<vmem>>)
      %add3A_250 = arith.constant 0 : i32
      %add3A_251 = arith.addi %mul3A_86, %add3A_250 : i32
      %add3A_252 = arith.addi %mul3A_45, %add3A_251 : i32
      %mul3A_253 = arith.constant 128 : i32
      %mul3A_254 = arith.muli %add3A_252, %mul3A_253 : i32
      %dma_start3A_255 = arith.constant 0 : i32
      %dma_start3A_256 = tpu.memref_slice %arg6[%mul3A_254, %dma_start3A_255] : memref<28672x128xf32, #tpu.memory_space<hbm>> -> memref<128x128xf32, #tpu.memory_space<hbm>>
      %dma_start3A_257 = arith.constant 0 : i32
      %dma_start3A_258 = tpu.memref_slice %arg6[%mul3A_254, %dma_start3A_257] : memref<28672x128xf32, #tpu.memory_space<hbm>> -> memref<128x128xf32, #tpu.memory_space<hbm>>
      tpu.enqueue_dma source(%arg8 : memref<128x128xf32, #tpu.memory_space<vmem>>) target(%dma_start3A_258 : memref<128x128xf32, #tpu.memory_space<hbm>>) target_semaphore(%arg22 : memref<!tpu.dma_semaphore, #tpu.memory_space<semaphore_mem>>)
    } else {
    }
    %add3A_91 = arith.constant 1 : i32
    %add3A_92 = arith.addi %mul3A_86, %add3A_91 : i32
    %lt3A_93 = arith.constant 7 : i32
    %lt3A_94 = arith.cmpi slt, %add3A_92, %lt3A_93 : i32
    %convert_element_type3A_95 = arith.extui %lt3A_94 : i1 to i32
    %cond3A_96 = arith.constant 0 : i32
    %cond3A_97 = arith.cmpi ne, %convert_element_type3A_95, %cond3A_96 : i32
    scf.if %cond3A_97 {
      %dma_wait3A = arith.constant 0 : i32
      %dma_wait3A_246 = tpu.memref_slice %arg7[%dma_wait3A] : memref<12544xi32, #tpu.memory_space<vmem>> -> memref<128xi32, #tpu.memory_space<vmem>>
      %dma_wait3A_247 = arith.constant 0 : i32
      %dma_wait3A_248 = arith.constant 0 : i32
      %dma_wait3A_249 = tpu.memref_slice %arg2[%dma_wait3A_247, %dma_wait3A_248] : memref<100000x128xf32, #tpu.memory_space<hbm>> -> memref<100000x128xf32, #tpu.memory_space<hbm>>
      tpu.wait_indirect_dma semaphore(%arg16 : memref<!tpu.dma_semaphore, #tpu.memory_space<semaphore_mem>>) src(%dma_wait3A_249 : memref<100000x128xf32, #tpu.memory_space<hbm>>) dst(%arg9 : memref<128x128xf32, #tpu.memory_space<vmem>>)
      %add3A_250 = arith.constant 1 : i32
      %add3A_251 = arith.addi %mul3A_86, %add3A_250 : i32
      %add3A_252 = arith.addi %mul3A_45, %add3A_251 : i32
      %mul3A_253 = arith.constant 128 : i32
      %mul3A_254 = arith.muli %add3A_252, %mul3A_253 : i32
      %dma_start3A_255 = arith.constant 0 : i32
      %dma_start3A_256 = tpu.memref_slice %arg6[%mul3A_254, %dma_start3A_255] : memref<28672x128xf32, #tpu.memory_space<hbm>> -> memref<128x128xf32, #tpu.memory_space<hbm>>
      %dma_start3A_257 = arith.constant 0 : i32
      %dma_start3A_258 = tpu.memref_slice %arg6[%mul3A_254, %dma_start3A_257] : memref<28672x128xf32, #tpu.memory_space<hbm>> -> memref<128x128xf32, #tpu.memory_space<hbm>>
      tpu.enqueue_dma source(%arg9 : memref<128x128xf32, #tpu.memory_space<vmem>>) target(%dma_start3A_258 : memref<128x128xf32, #tpu.memory_space<hbm>>) target_semaphore(%arg23 : memref<!tpu.dma_semaphore, #tpu.memory_space<semaphore_mem>>)
    } else {
    }
    %add3A_98 = arith.constant 2 : i32
    %add3A_99 = arith.addi %mul3A_86, %add3A_98 : i32
    %lt3A_100 = arith.constant 7 : i32
    %lt3A_101 = arith.cmpi slt, %add3A_99, %lt3A_100 : i32
    %convert_element_type3A_102 = arith.extui %lt3A_101 : i1 to i32
    %cond3A_103 = arith.constant 0 : i32
    %cond3A_104 = arith.cmpi ne, %convert_element_type3A_102, %cond3A_103 : i32
    scf.if %cond3A_104 {
      %dma_wait3A = arith.constant 0 : i32
      %dma_wait3A_246 = tpu.memref_slice %arg7[%dma_wait3A] : memref<12544xi32, #tpu.memory_space<vmem>> -> memref<128xi32, #tpu.memory_space<vmem>>
      %dma_wait3A_247 = arith.constant 0 : i32
      %dma_wait3A_248 = arith.constant 0 : i32
      %dma_wait3A_249 = tpu.memref_slice %arg2[%dma_wait3A_247, %dma_wait3A_248] : memref<100000x128xf32, #tpu.memory_space<hbm>> -> memref<100000x128xf32, #tpu.memory_space<hbm>>
      tpu.wait_indirect_dma semaphore(%arg17 : memref<!tpu.dma_semaphore, #tpu.memory_space<semaphore_mem>>) src(%dma_wait3A_249 : memref<100000x128xf32, #tpu.memory_space<hbm>>) dst(%arg10 : memref<128x128xf32, #tpu.memory_space<vmem>>)
      %add3A_250 = arith.constant 2 : i32
      %add3A_251 = arith.addi %mul3A_86, %add3A_250 : i32
      %add3A_252 = arith.addi %mul3A_45, %add3A_251 : i32
      %mul3A_253 = arith.constant 128 : i32
      %mul3A_254 = arith.muli %add3A_252, %mul3A_253 : i32
      %dma_start3A_255 = arith.constant 0 : i32
      %dma_start3A_256 = tpu.memref_slice %arg6[%mul3A_254, %dma_start3A_255] : memref<28672x128xf32, #tpu.memory_space<hbm>> -> memref<128x128xf32, #tpu.memory_space<hbm>>
      %dma_start3A_257 = arith.constant 0 : i32
      %dma_start3A_258 = tpu.memref_slice %arg6[%mul3A_254, %dma_start3A_257] : memref<28672x128xf32, #tpu.memory_space<hbm>> -> memref<128x128xf32, #tpu.memory_space<hbm>>
      tpu.enqueue_dma source(%arg10 : memref<128x128xf32, #tpu.memory_space<vmem>>) target(%dma_start3A_258 : memref<128x128xf32, #tpu.memory_space<hbm>>) target_semaphore(%arg24 : memref<!tpu.dma_semaphore, #tpu.memory_space<semaphore_mem>>)
    } else {
    }
    %add3A_105 = arith.constant 3 : i32
    %add3A_106 = arith.addi %mul3A_86, %add3A_105 : i32
    %lt3A_107 = arith.constant 7 : i32
    %lt3A_108 = arith.cmpi slt, %add3A_106, %lt3A_107 : i32
    %convert_element_type3A_109 = arith.extui %lt3A_108 : i1 to i32
    %cond3A_110 = arith.constant 0 : i32
    %cond3A_111 = arith.cmpi ne, %convert_element_type3A_109, %cond3A_110 : i32
    scf.if %cond3A_111 {
      %dma_wait3A = arith.constant 0 : i32
      %dma_wait3A_246 = tpu.memref_slice %arg7[%dma_wait3A] : memref<12544xi32, #tpu.memory_space<vmem>> -> memref<128xi32, #tpu.memory_space<vmem>>
      %dma_wait3A_247 = arith.constant 0 : i32
      %dma_wait3A_248 = arith.constant 0 : i32
      %dma_wait3A_249 = tpu.memref_slice %arg2[%dma_wait3A_247, %dma_wait3A_248] : memref<100000x128xf32, #tpu.memory_space<hbm>> -> memref<100000x128xf32, #tpu.memory_space<hbm>>
      tpu.wait_indirect_dma semaphore(%arg18 : memref<!tpu.dma_semaphore, #tpu.memory_space<semaphore_mem>>) src(%dma_wait3A_249 : memref<100000x128xf32, #tpu.memory_space<hbm>>) dst(%arg11 : memref<128x128xf32, #tpu.memory_space<vmem>>)
      %add3A_250 = arith.constant 3 : i32
      %add3A_251 = arith.addi %mul3A_86, %add3A_250 : i32
      %add3A_252 = arith.addi %mul3A_45, %add3A_251 : i32
      %mul3A_253 = arith.constant 128 : i32
      %mul3A_254 = arith.muli %add3A_252, %mul3A_253 : i32
      %dma_start3A_255 = arith.constant 0 : i32
      %dma_start3A_256 = tpu.memref_slice %arg6[%mul3A_254, %dma_start3A_255] : memref<28672x128xf32, #tpu.memory_space<hbm>> -> memref<128x128xf32, #tpu.memory_space<hbm>>
      %dma_start3A_257 = arith.constant 0 : i32
      %dma_start3A_258 = tpu.memref_slice %arg6[%mul3A_254, %dma_start3A_257] : memref<28672x128xf32, #tpu.memory_space<hbm>> -> memref<128x128xf32, #tpu.memory_space<hbm>>
      tpu.enqueue_dma source(%arg11 : memref<128x128xf32, #tpu.memory_space<vmem>>) target(%dma_start3A_258 : memref<128x128xf32, #tpu.memory_space<hbm>>) target_semaphore(%arg25 : memref<!tpu.dma_semaphore, #tpu.memory_space<semaphore_mem>>)
    } else {
    }
    %add3A_112 = arith.constant 4 : i32
    %add3A_113 = arith.addi %mul3A_86, %add3A_112 : i32
    %lt3A_114 = arith.constant 7 : i32
    %lt3A_115 = arith.cmpi slt, %add3A_113, %lt3A_114 : i32
    %convert_element_type3A_116 = arith.extui %lt3A_115 : i1 to i32
    %cond3A_117 = arith.constant 0 : i32
    %cond3A_118 = arith.cmpi ne, %convert_element_type3A_116, %cond3A_117 : i32
    scf.if %cond3A_118 {
      %dma_wait3A = arith.constant 0 : i32
      %dma_wait3A_246 = tpu.memref_slice %arg7[%dma_wait3A] : memref<12544xi32, #tpu.memory_space<vmem>> -> memref<128xi32, #tpu.memory_space<vmem>>
      %dma_wait3A_247 = arith.constant 0 : i32
      %dma_wait3A_248 = arith.constant 0 : i32
      %dma_wait3A_249 = tpu.memref_slice %arg2[%dma_wait3A_247, %dma_wait3A_248] : memref<100000x128xf32, #tpu.memory_space<hbm>> -> memref<100000x128xf32, #tpu.memory_space<hbm>>
      tpu.wait_indirect_dma semaphore(%arg19 : memref<!tpu.dma_semaphore, #tpu.memory_space<semaphore_mem>>) src(%dma_wait3A_249 : memref<100000x128xf32, #tpu.memory_space<hbm>>) dst(%arg12 : memref<128x128xf32, #tpu.memory_space<vmem>>)
      %add3A_250 = arith.constant 4 : i32
      %add3A_251 = arith.addi %mul3A_86, %add3A_250 : i32
      %add3A_252 = arith.addi %mul3A_45, %add3A_251 : i32
      %mul3A_253 = arith.constant 128 : i32
      %mul3A_254 = arith.muli %add3A_252, %mul3A_253 : i32
      %dma_start3A_255 = arith.constant 0 : i32
      %dma_start3A_256 = tpu.memref_slice %arg6[%mul3A_254, %dma_start3A_255] : memref<28672x128xf32, #tpu.memory_space<hbm>> -> memref<128x128xf32, #tpu.memory_space<hbm>>
      %dma_start3A_257 = arith.constant 0 : i32
      %dma_start3A_258 = tpu.memref_slice %arg6[%mul3A_254, %dma_start3A_257] : memref<28672x128xf32, #tpu.memory_space<hbm>> -> memref<128x128xf32, #tpu.memory_space<hbm>>
      tpu.enqueue_dma source(%arg12 : memref<128x128xf32, #tpu.memory_space<vmem>>) target(%dma_start3A_258 : memref<128x128xf32, #tpu.memory_space<hbm>>) target_semaphore(%arg26 : memref<!tpu.dma_semaphore, #tpu.memory_space<semaphore_mem>>)
    } else {
    }
    %add3A_119 = arith.constant 5 : i32
    %add3A_120 = arith.addi %mul3A_86, %add3A_119 : i32
    %lt3A_121 = arith.constant 7 : i32
    %lt3A_122 = arith.cmpi slt, %add3A_120, %lt3A_121 : i32
    %convert_element_type3A_123 = arith.extui %lt3A_122 : i1 to i32
    %cond3A_124 = arith.constant 0 : i32
    %cond3A_125 = arith.cmpi ne, %convert_element_type3A_123, %cond3A_124 : i32
    scf.if %cond3A_125 {
      %dma_wait3A = arith.constant 0 : i32
      %dma_wait3A_246 = tpu.memref_slice %arg7[%dma_wait3A] : memref<12544xi32, #tpu.memory_space<vmem>> -> memref<128xi32, #tpu.memory_space<vmem>>
      %dma_wait3A_247 = arith.constant 0 : i32
      %dma_wait3A_248 = arith.constant 0 : i32
      %dma_wait3A_249 = tpu.memref_slice %arg2[%dma_wait3A_247, %dma_wait3A_248] : memref<100000x128xf32, #tpu.memory_space<hbm>> -> memref<100000x128xf32, #tpu.memory_space<hbm>>
      tpu.wait_indirect_dma semaphore(%arg20 : memref<!tpu.dma_semaphore, #tpu.memory_space<semaphore_mem>>) src(%dma_wait3A_249 : memref<100000x128xf32, #tpu.memory_space<hbm>>) dst(%arg13 : memref<128x128xf32, #tpu.memory_space<vmem>>)
      %add3A_250 = arith.constant 5 : i32
      %add3A_251 = arith.addi %mul3A_86, %add3A_250 : i32
      %add3A_252 = arith.addi %mul3A_45, %add3A_251 : i32
      %mul3A_253 = arith.constant 128 : i32
      %mul3A_254 = arith.muli %add3A_252, %mul3A_253 : i32
      %dma_start3A_255 = arith.constant 0 : i32
      %dma_start3A_256 = tpu.memref_slice %arg6[%mul3A_254, %dma_start3A_255] : memref<28672x128xf32, #tpu.memory_space<hbm>> -> memref<128x128xf32, #tpu.memory_space<hbm>>
      %dma_start3A_257 = arith.constant 0 : i32
      %dma_start3A_258 = tpu.memref_slice %arg6[%mul3A_254, %dma_start3A_257] : memref<28672x128xf32, #tpu.memory_space<hbm>> -> memref<128x128xf32, #tpu.memory_space<hbm>>
      tpu.enqueue_dma source(%arg13 : memref<128x128xf32, #tpu.memory_space<vmem>>) target(%dma_start3A_258 : memref<128x128xf32, #tpu.memory_space<hbm>>) target_semaphore(%arg27 : memref<!tpu.dma_semaphore, #tpu.memory_space<semaphore_mem>>)
    } else {
    }
    %add3A_126 = arith.constant 6 : i32
    %add3A_127 = arith.addi %mul3A_86, %add3A_126 : i32
    %lt3A_128 = arith.constant 7 : i32
    %lt3A_129 = arith.cmpi slt, %add3A_127, %lt3A_128 : i32
    %convert_element_type3A_130 = arith.extui %lt3A_129 : i1 to i32
    %cond3A_131 = arith.constant 0 : i32
    %cond3A_132 = arith.cmpi ne, %convert_element_type3A_130, %cond3A_131 : i32
    scf.if %cond3A_132 {
      %dma_wait3A = arith.constant 0 : i32
      %dma_wait3A_246 = tpu.memref_slice %arg7[%dma_wait3A] : memref<12544xi32, #tpu.memory_space<vmem>> -> memref<128xi32, #tpu.memory_space<vmem>>
      %dma_wait3A_247 = arith.constant 0 : i32
      %dma_wait3A_248 = arith.constant 0 : i32
      %dma_wait3A_249 = tpu.memref_slice %arg2[%dma_wait3A_247, %dma_wait3A_248] : memref<100000x128xf32, #tpu.memory_space<hbm>> -> memref<100000x128xf32, #tpu.memory_space<hbm>>
      tpu.wait_indirect_dma semaphore(%arg21 : memref<!tpu.dma_semaphore, #tpu.memory_space<semaphore_mem>>) src(%dma_wait3A_249 : memref<100000x128xf32, #tpu.memory_space<hbm>>) dst(%arg14 : memref<128x128xf32, #tpu.memory_space<vmem>>)
      %add3A_250 = arith.constant 6 : i32
      %add3A_251 = arith.addi %mul3A_86, %add3A_250 : i32
      %add3A_252 = arith.addi %mul3A_45, %add3A_251 : i32
      %mul3A_253 = arith.constant 128 : i32
      %mul3A_254 = arith.muli %add3A_252, %mul3A_253 : i32
      %dma_start3A_255 = arith.constant 0 : i32
      %dma_start3A_256 = tpu.memref_slice %arg6[%mul3A_254, %dma_start3A_255] : memref<28672x128xf32, #tpu.memory_space<hbm>> -> memref<128x128xf32, #tpu.memory_space<hbm>>
      %dma_start3A_257 = arith.constant 0 : i32
      %dma_start3A_258 = tpu.memref_slice %arg6[%mul3A_254, %dma_start3A_257] : memref<28672x128xf32, #tpu.memory_space<hbm>> -> memref<128x128xf32, #tpu.memory_space<hbm>>
      tpu.enqueue_dma source(%arg14 : memref<128x128xf32, #tpu.memory_space<vmem>>) target(%dma_start3A_258 : memref<128x128xf32, #tpu.memory_space<hbm>>) target_semaphore(%arg28 : memref<!tpu.dma_semaphore, #tpu.memory_space<semaphore_mem>>)
    } else {
    }
    %add3A_133 = arith.constant 0 : i32
    %add3A_134 = arith.addi %mul3A_86, %add3A_133 : i32
    %lt3A_135 = arith.constant 7 : i32
    %lt3A_136 = arith.cmpi slt, %add3A_134, %lt3A_135 : i32
    %convert_element_type3A_137 = arith.extui %lt3A_136 : i1 to i32
    %cond3A_138 = arith.constant 0 : i32
    %cond3A_139 = arith.cmpi ne, %convert_element_type3A_137, %cond3A_138 : i32
    scf.if %cond3A_139 {
      %add3A_246 = arith.constant 0 : i32
      %add3A_247 = arith.addi %mul3A_86, %add3A_246 : i32
      %add3A_248 = arith.addi %mul3A_45, %add3A_247 : i32
      %mul3A_249 = arith.constant 128 : i32
      %mul3A_250 = arith.muli %add3A_248, %mul3A_249 : i32
      %dma_wait3A = arith.constant 0 : i32
      %dma_wait3A_251 = tpu.memref_slice %arg6[%mul3A_250, %dma_wait3A] : memref<28672x128xf32, #tpu.memory_space<hbm>> -> memref<128x128xf32, #tpu.memory_space<hbm>>
      %dma_wait3A_252 = arith.constant 0 : i32
      %dma_wait3A_253 = tpu.memref_slice %arg6[%mul3A_250, %dma_wait3A_252] : memref<28672x128xf32, #tpu.memory_space<hbm>> -> memref<128x128xf32, #tpu.memory_space<hbm>>
      tpu.wait_dma2 semaphore(%arg22 : memref<!tpu.dma_semaphore, #tpu.memory_space<semaphore_mem>>) src(%arg8 : memref<128x128xf32, #tpu.memory_space<vmem>>) dst(%dma_wait3A_253 : memref<128x128xf32, #tpu.memory_space<hbm>>)
    } else {
    }
    %add3A_140 = arith.constant 7 : i32
    %add3A_141 = arith.addi %mul3A_86, %add3A_140 : i32
    %add3A_142 = arith.constant 0 : i32
    %add3A_143 = arith.addi %add3A_141, %add3A_142 : i32
    %lt3A_144 = arith.constant 7 : i32
    %lt3A_145 = arith.cmpi slt, %add3A_143, %lt3A_144 : i32
    %convert_element_type3A_146 = arith.extui %lt3A_145 : i1 to i32
    %cond3A_147 = arith.constant 0 : i32
    %cond3A_148 = arith.cmpi ne, %convert_element_type3A_146, %cond3A_147 : i32
    scf.if %cond3A_148 {
      %mul3A_246 = arith.constant 128 : i32
      %mul3A_247 = arith.muli %add3A_143, %mul3A_246 : i32
      %dma_start3A_248 = tpu.memref_slice %arg7[%mul3A_247] : memref<12544xi32, #tpu.memory_space<vmem>> -> memref<128xi32, #tpu.memory_space<vmem>>
      %dma_start3A_249 = arith.constant 0 : i32
      %dma_start3A_250 = arith.constant 0 : i32
      %dma_start3A_251 = tpu.memref_slice %arg2[%dma_start3A_249, %dma_start3A_250] : memref<100000x128xf32, #tpu.memory_space<hbm>> -> memref<100000x128xf32, #tpu.memory_space<hbm>>
      tpu.enqueue_indirect_dma source(%dma_start3A_251 : memref<100000x128xf32, #tpu.memory_space<hbm>>) target(%arg8 : memref<128x128xf32, #tpu.memory_space<vmem>>) offsets(%dma_start3A_248 : memref<128xi32, #tpu.memory_space<vmem>>) semaphore(%arg15 : memref<!tpu.dma_semaphore, #tpu.memory_space<semaphore_mem>>)
    } else {
    }
    %add3A_149 = arith.constant 1 : i32
    %add3A_150 = arith.addi %mul3A_86, %add3A_149 : i32
    %lt3A_151 = arith.constant 7 : i32
    %lt3A_152 = arith.cmpi slt, %add3A_150, %lt3A_151 : i32
    %convert_element_type3A_153 = arith.extui %lt3A_152 : i1 to i32
    %cond3A_154 = arith.constant 0 : i32
    %cond3A_155 = arith.cmpi ne, %convert_element_type3A_153, %cond3A_154 : i32
    scf.if %cond3A_155 {
      %add3A_246 = arith.constant 1 : i32
      %add3A_247 = arith.addi %mul3A_86, %add3A_246 : i32
      %add3A_248 = arith.addi %mul3A_45, %add3A_247 : i32
      %mul3A_249 = arith.constant 128 : i32
      %mul3A_250 = arith.muli %add3A_248, %mul3A_249 : i32
      %dma_wait3A = arith.constant 0 : i32
      %dma_wait3A_251 = tpu.memref_slice %arg6[%mul3A_250, %dma_wait3A] : memref<28672x128xf32, #tpu.memory_space<hbm>> -> memref<128x128xf32, #tpu.memory_space<hbm>>
      %dma_wait3A_252 = arith.constant 0 : i32
      %dma_wait3A_253 = tpu.memref_slice %arg6[%mul3A_250, %dma_wait3A_252] : memref<28672x128xf32, #tpu.memory_space<hbm>> -> memref<128x128xf32, #tpu.memory_space<hbm>>
      tpu.wait_dma2 semaphore(%arg23 : memref<!tpu.dma_semaphore, #tpu.memory_space<semaphore_mem>>) src(%arg9 : memref<128x128xf32, #tpu.memory_space<vmem>>) dst(%dma_wait3A_253 : memref<128x128xf32, #tpu.memory_space<hbm>>)
    } else {
    }
    %add3A_156 = arith.constant 7 : i32
    %add3A_157 = arith.addi %mul3A_86, %add3A_156 : i32
    %add3A_158 = arith.constant 1 : i32
    %add3A_159 = arith.addi %add3A_157, %add3A_158 : i32
    %lt3A_160 = arith.constant 7 : i32
    %lt3A_161 = arith.cmpi slt, %add3A_159, %lt3A_160 : i32
    %convert_element_type3A_162 = arith.extui %lt3A_161 : i1 to i32
    %cond3A_163 = arith.constant 0 : i32
    %cond3A_164 = arith.cmpi ne, %convert_element_type3A_162, %cond3A_163 : i32
    scf.if %cond3A_164 {
      %mul3A_246 = arith.constant 128 : i32
      %mul3A_247 = arith.muli %add3A_159, %mul3A_246 : i32
      %dma_start3A_248 = tpu.memref_slice %arg7[%mul3A_247] : memref<12544xi32, #tpu.memory_space<vmem>> -> memref<128xi32, #tpu.memory_space<vmem>>
      %dma_start3A_249 = arith.constant 0 : i32
      %dma_start3A_250 = arith.constant 0 : i32
      %dma_start3A_251 = tpu.memref_slice %arg2[%dma_start3A_249, %dma_start3A_250] : memref<100000x128xf32, #tpu.memory_space<hbm>> -> memref<100000x128xf32, #tpu.memory_space<hbm>>
      tpu.enqueue_indirect_dma source(%dma_start3A_251 : memref<100000x128xf32, #tpu.memory_space<hbm>>) target(%arg9 : memref<128x128xf32, #tpu.memory_space<vmem>>) offsets(%dma_start3A_248 : memref<128xi32, #tpu.memory_space<vmem>>) semaphore(%arg16 : memref<!tpu.dma_semaphore, #tpu.memory_space<semaphore_mem>>)
    } else {
    }
    %add3A_165 = arith.constant 2 : i32
    %add3A_166 = arith.addi %mul3A_86, %add3A_165 : i32
    %lt3A_167 = arith.constant 7 : i32
    %lt3A_168 = arith.cmpi slt, %add3A_166, %lt3A_167 : i32
    %convert_element_type3A_169 = arith.extui %lt3A_168 : i1 to i32
    %cond3A_170 = arith.constant 0 : i32
    %cond3A_171 = arith.cmpi ne, %convert_element_type3A_169, %cond3A_170 : i32
    scf.if %cond3A_171 {
      %add3A_246 = arith.constant 2 : i32
      %add3A_247 = arith.addi %mul3A_86, %add3A_246 : i32
      %add3A_248 = arith.addi %mul3A_45, %add3A_247 : i32
      %mul3A_249 = arith.constant 128 : i32
      %mul3A_250 = arith.muli %add3A_248, %mul3A_249 : i32
      %dma_wait3A = arith.constant 0 : i32
      %dma_wait3A_251 = tpu.memref_slice %arg6[%mul3A_250, %dma_wait3A] : memref<28672x128xf32, #tpu.memory_space<hbm>> -> memref<128x128xf32, #tpu.memory_space<hbm>>
      %dma_wait3A_252 = arith.constant 0 : i32
      %dma_wait3A_253 = tpu.memref_slice %arg6[%mul3A_250, %dma_wait3A_252] : memref<28672x128xf32, #tpu.memory_space<hbm>> -> memref<128x128xf32, #tpu.memory_space<hbm>>
      tpu.wait_dma2 semaphore(%arg24 : memref<!tpu.dma_semaphore, #tpu.memory_space<semaphore_mem>>) src(%arg10 : memref<128x128xf32, #tpu.memory_space<vmem>>) dst(%dma_wait3A_253 : memref<128x128xf32, #tpu.memory_space<hbm>>)
    } else {
    }
    %add3A_172 = arith.constant 7 : i32
    %add3A_173 = arith.addi %mul3A_86, %add3A_172 : i32
    %add3A_174 = arith.constant 2 : i32
    %add3A_175 = arith.addi %add3A_173, %add3A_174 : i32
    %lt3A_176 = arith.constant 7 : i32
    %lt3A_177 = arith.cmpi slt, %add3A_175, %lt3A_176 : i32
    %convert_element_type3A_178 = arith.extui %lt3A_177 : i1 to i32
    %cond3A_179 = arith.constant 0 : i32
    %cond3A_180 = arith.cmpi ne, %convert_element_type3A_178, %cond3A_179 : i32
    scf.if %cond3A_180 {
      %mul3A_246 = arith.constant 128 : i32
      %mul3A_247 = arith.muli %add3A_175, %mul3A_246 : i32
      %dma_start3A_248 = tpu.memref_slice %arg7[%mul3A_247] : memref<12544xi32, #tpu.memory_space<vmem>> -> memref<128xi32, #tpu.memory_space<vmem>>
      %dma_start3A_249 = arith.constant 0 : i32
      %dma_start3A_250 = arith.constant 0 : i32
      %dma_start3A_251 = tpu.memref_slice %arg2[%dma_start3A_249, %dma_start3A_250] : memref<100000x128xf32, #tpu.memory_space<hbm>> -> memref<100000x128xf32, #tpu.memory_space<hbm>>
      tpu.enqueue_indirect_dma source(%dma_start3A_251 : memref<100000x128xf32, #tpu.memory_space<hbm>>) target(%arg10 : memref<128x128xf32, #tpu.memory_space<vmem>>) offsets(%dma_start3A_248 : memref<128xi32, #tpu.memory_space<vmem>>) semaphore(%arg17 : memref<!tpu.dma_semaphore, #tpu.memory_space<semaphore_mem>>)
    } else {
    }
    %add3A_181 = arith.constant 3 : i32
    %add3A_182 = arith.addi %mul3A_86, %add3A_181 : i32
    %lt3A_183 = arith.constant 7 : i32
    %lt3A_184 = arith.cmpi slt, %add3A_182, %lt3A_183 : i32
    %convert_element_type3A_185 = arith.extui %lt3A_184 : i1 to i32
    %cond3A_186 = arith.constant 0 : i32
    %cond3A_187 = arith.cmpi ne, %convert_element_type3A_185, %cond3A_186 : i32
    scf.if %cond3A_187 {
      %add3A_246 = arith.constant 3 : i32
      %add3A_247 = arith.addi %mul3A_86, %add3A_246 : i32
      %add3A_248 = arith.addi %mul3A_45, %add3A_247 : i32
      %mul3A_249 = arith.constant 128 : i32
      %mul3A_250 = arith.muli %add3A_248, %mul3A_249 : i32
      %dma_wait3A = arith.constant 0 : i32
      %dma_wait3A_251 = tpu.memref_slice %arg6[%mul3A_250, %dma_wait3A] : memref<28672x128xf32, #tpu.memory_space<hbm>> -> memref<128x128xf32, #tpu.memory_space<hbm>>
      %dma_wait3A_252 = arith.constant 0 : i32
      %dma_wait3A_253 = tpu.memref_slice %arg6[%mul3A_250, %dma_wait3A_252] : memref<28672x128xf32, #tpu.memory_space<hbm>> -> memref<128x128xf32, #tpu.memory_space<hbm>>
      tpu.wait_dma2 semaphore(%arg25 : memref<!tpu.dma_semaphore, #tpu.memory_space<semaphore_mem>>) src(%arg11 : memref<128x128xf32, #tpu.memory_space<vmem>>) dst(%dma_wait3A_253 : memref<128x128xf32, #tpu.memory_space<hbm>>)
    } else {
    }
    %add3A_188 = arith.constant 7 : i32
    %add3A_189 = arith.addi %mul3A_86, %add3A_188 : i32
    %add3A_190 = arith.constant 3 : i32
    %add3A_191 = arith.addi %add3A_189, %add3A_190 : i32
    %lt3A_192 = arith.constant 7 : i32
    %lt3A_193 = arith.cmpi slt, %add3A_191, %lt3A_192 : i32
    %convert_element_type3A_194 = arith.extui %lt3A_193 : i1 to i32
    %cond3A_195 = arith.constant 0 : i32
    %cond3A_196 = arith.cmpi ne, %convert_element_type3A_194, %cond3A_195 : i32
    scf.if %cond3A_196 {
      %mul3A_246 = arith.constant 128 : i32
      %mul3A_247 = arith.muli %add3A_191, %mul3A_246 : i32
      %dma_start3A_248 = tpu.memref_slice %arg7[%mul3A_247] : memref<12544xi32, #tpu.memory_space<vmem>> -> memref<128xi32, #tpu.memory_space<vmem>>
      %dma_start3A_249 = arith.constant 0 : i32
      %dma_start3A_250 = arith.constant 0 : i32
      %dma_start3A_251 = tpu.memref_slice %arg2[%dma_start3A_249, %dma_start3A_250] : memref<100000x128xf32, #tpu.memory_space<hbm>> -> memref<100000x128xf32, #tpu.memory_space<hbm>>
      tpu.enqueue_indirect_dma source(%dma_start3A_251 : memref<100000x128xf32, #tpu.memory_space<hbm>>) target(%arg11 : memref<128x128xf32, #tpu.memory_space<vmem>>) offsets(%dma_start3A_248 : memref<128xi32, #tpu.memory_space<vmem>>) semaphore(%arg18 : memref<!tpu.dma_semaphore, #tpu.memory_space<semaphore_mem>>)
    } else {
    }
    %add3A_197 = arith.constant 4 : i32
    %add3A_198 = arith.addi %mul3A_86, %add3A_197 : i32
    %lt3A_199 = arith.constant 7 : i32
    %lt3A_200 = arith.cmpi slt, %add3A_198, %lt3A_199 : i32
    %convert_element_type3A_201 = arith.extui %lt3A_200 : i1 to i32
    %cond3A_202 = arith.constant 0 : i32
    %cond3A_203 = arith.cmpi ne, %convert_element_type3A_201, %cond3A_202 : i32
    scf.if %cond3A_203 {
      %add3A_246 = arith.constant 4 : i32
      %add3A_247 = arith.addi %mul3A_86, %add3A_246 : i32
      %add3A_248 = arith.addi %mul3A_45, %add3A_247 : i32
      %mul3A_249 = arith.constant 128 : i32
      %mul3A_250 = arith.muli %add3A_248, %mul3A_249 : i32
      %dma_wait3A = arith.constant 0 : i32
      %dma_wait3A_251 = tpu.memref_slice %arg6[%mul3A_250, %dma_wait3A] : memref<28672x128xf32, #tpu.memory_space<hbm>> -> memref<128x128xf32, #tpu.memory_space<hbm>>
      %dma_wait3A_252 = arith.constant 0 : i32
      %dma_wait3A_253 = tpu.memref_slice %arg6[%mul3A_250, %dma_wait3A_252] : memref<28672x128xf32, #tpu.memory_space<hbm>> -> memref<128x128xf32, #tpu.memory_space<hbm>>
      tpu.wait_dma2 semaphore(%arg26 : memref<!tpu.dma_semaphore, #tpu.memory_space<semaphore_mem>>) src(%arg12 : memref<128x128xf32, #tpu.memory_space<vmem>>) dst(%dma_wait3A_253 : memref<128x128xf32, #tpu.memory_space<hbm>>)
    } else {
    }
    %add3A_204 = arith.constant 7 : i32
    %add3A_205 = arith.addi %mul3A_86, %add3A_204 : i32
    %add3A_206 = arith.constant 4 : i32
    %add3A_207 = arith.addi %add3A_205, %add3A_206 : i32
    %lt3A_208 = arith.constant 7 : i32
    %lt3A_209 = arith.cmpi slt, %add3A_207, %lt3A_208 : i32
    %convert_element_type3A_210 = arith.extui %lt3A_209 : i1 to i32
    %cond3A_211 = arith.constant 0 : i32
    %cond3A_212 = arith.cmpi ne, %convert_element_type3A_210, %cond3A_211 : i32
    scf.if %cond3A_212 {
      %mul3A_246 = arith.constant 128 : i32
      %mul3A_247 = arith.muli %add3A_207, %mul3A_246 : i32
      %dma_start3A_248 = tpu.memref_slice %arg7[%mul3A_247] : memref<12544xi32, #tpu.memory_space<vmem>> -> memref<128xi32, #tpu.memory_space<vmem>>
      %dma_start3A_249 = arith.constant 0 : i32
      %dma_start3A_250 = arith.constant 0 : i32
      %dma_start3A_251 = tpu.memref_slice %arg2[%dma_start3A_249, %dma_start3A_250] : memref<100000x128xf32, #tpu.memory_space<hbm>> -> memref<100000x128xf32, #tpu.memory_space<hbm>>
      tpu.enqueue_indirect_dma source(%dma_start3A_251 : memref<100000x128xf32, #tpu.memory_space<hbm>>) target(%arg12 : memref<128x128xf32, #tpu.memory_space<vmem>>) offsets(%dma_start3A_248 : memref<128xi32, #tpu.memory_space<vmem>>) semaphore(%arg19 : memref<!tpu.dma_semaphore, #tpu.memory_space<semaphore_mem>>)
    } else {
    }
    %add3A_213 = arith.constant 5 : i32
    %add3A_214 = arith.addi %mul3A_86, %add3A_213 : i32
    %lt3A_215 = arith.constant 7 : i32
    %lt3A_216 = arith.cmpi slt, %add3A_214, %lt3A_215 : i32
    %convert_element_type3A_217 = arith.extui %lt3A_216 : i1 to i32
    %cond3A_218 = arith.constant 0 : i32
    %cond3A_219 = arith.cmpi ne, %convert_element_type3A_217, %cond3A_218 : i32
    scf.if %cond3A_219 {
      %add3A_246 = arith.constant 5 : i32
      %add3A_247 = arith.addi %mul3A_86, %add3A_246 : i32
      %add3A_248 = arith.addi %mul3A_45, %add3A_247 : i32
      %mul3A_249 = arith.constant 128 : i32
      %mul3A_250 = arith.muli %add3A_248, %mul3A_249 : i32
      %dma_wait3A = arith.constant 0 : i32
      %dma_wait3A_251 = tpu.memref_slice %arg6[%mul3A_250, %dma_wait3A] : memref<28672x128xf32, #tpu.memory_space<hbm>> -> memref<128x128xf32, #tpu.memory_space<hbm>>
      %dma_wait3A_252 = arith.constant 0 : i32
      %dma_wait3A_253 = tpu.memref_slice %arg6[%mul3A_250, %dma_wait3A_252] : memref<28672x128xf32, #tpu.memory_space<hbm>> -> memref<128x128xf32, #tpu.memory_space<hbm>>
      tpu.wait_dma2 semaphore(%arg27 : memref<!tpu.dma_semaphore, #tpu.memory_space<semaphore_mem>>) src(%arg13 : memref<128x128xf32, #tpu.memory_space<vmem>>) dst(%dma_wait3A_253 : memref<128x128xf32, #tpu.memory_space<hbm>>)
    } else {
    }
    %add3A_220 = arith.constant 7 : i32
    %add3A_221 = arith.addi %mul3A_86, %add3A_220 : i32
    %add3A_222 = arith.constant 5 : i32
    %add3A_223 = arith.addi %add3A_221, %add3A_222 : i32
    %lt3A_224 = arith.constant 7 : i32
    %lt3A_225 = arith.cmpi slt, %add3A_223, %lt3A_224 : i32
    %convert_element_type3A_226 = arith.extui %lt3A_225 : i1 to i32
    %cond3A_227 = arith.constant 0 : i32
    %cond3A_228 = arith.cmpi ne, %convert_element_type3A_226, %cond3A_227 : i32
    scf.if %cond3A_228 {
      %mul3A_246 = arith.constant 128 : i32
      %mul3A_247 = arith.muli %add3A_223, %mul3A_246 : i32
      %dma_start3A_248 = tpu.memref_slice %arg7[%mul3A_247] : memref<12544xi32, #tpu.memory_space<vmem>> -> memref<128xi32, #tpu.memory_space<vmem>>
      %dma_start3A_249 = arith.constant 0 : i32
      %dma_start3A_250 = arith.constant 0 : i32
      %dma_start3A_251 = tpu.memref_slice %arg2[%dma_start3A_249, %dma_start3A_250] : memref<100000x128xf32, #tpu.memory_space<hbm>> -> memref<100000x128xf32, #tpu.memory_space<hbm>>
      tpu.enqueue_indirect_dma source(%dma_start3A_251 : memref<100000x128xf32, #tpu.memory_space<hbm>>) target(%arg13 : memref<128x128xf32, #tpu.memory_space<vmem>>) offsets(%dma_start3A_248 : memref<128xi32, #tpu.memory_space<vmem>>) semaphore(%arg20 : memref<!tpu.dma_semaphore, #tpu.memory_space<semaphore_mem>>)
    } else {
    }
    %add3A_229 = arith.constant 6 : i32
    %add3A_230 = arith.addi %mul3A_86, %add3A_229 : i32
    %lt3A_231 = arith.constant 7 : i32
    %lt3A_232 = arith.cmpi slt, %add3A_230, %lt3A_231 : i32
    %convert_element_type3A_233 = arith.extui %lt3A_232 : i1 to i32
    %cond3A_234 = arith.constant 0 : i32
    %cond3A_235 = arith.cmpi ne, %convert_element_type3A_233, %cond3A_234 : i32
    scf.if %cond3A_235 {
      %add3A_246 = arith.constant 6 : i32
      %add3A_247 = arith.addi %mul3A_86, %add3A_246 : i32
      %add3A_248 = arith.addi %mul3A_45, %add3A_247 : i32
      %mul3A_249 = arith.constant 128 : i32
      %mul3A_250 = arith.muli %add3A_248, %mul3A_249 : i32
      %dma_wait3A = arith.constant 0 : i32
      %dma_wait3A_251 = tpu.memref_slice %arg6[%mul3A_250, %dma_wait3A] : memref<28672x128xf32, #tpu.memory_space<hbm>> -> memref<128x128xf32, #tpu.memory_space<hbm>>
      %dma_wait3A_252 = arith.constant 0 : i32
      %dma_wait3A_253 = tpu.memref_slice %arg6[%mul3A_250, %dma_wait3A_252] : memref<28672x128xf32, #tpu.memory_space<hbm>> -> memref<128x128xf32, #tpu.memory_space<hbm>>
      tpu.wait_dma2 semaphore(%arg28 : memref<!tpu.dma_semaphore, #tpu.memory_space<semaphore_mem>>) src(%arg14 : memref<128x128xf32, #tpu.memory_space<vmem>>) dst(%dma_wait3A_253 : memref<128x128xf32, #tpu.memory_space<hbm>>)
    } else {
    }
    %add3A_236 = arith.constant 7 : i32
    %add3A_237 = arith.addi %mul3A_86, %add3A_236 : i32
    %add3A_238 = arith.constant 6 : i32
    %add3A_239 = arith.addi %add3A_237, %add3A_238 : i32
    %lt3A_240 = arith.constant 7 : i32
    %lt3A_241 = arith.cmpi slt, %add3A_239, %lt3A_240 : i32
    %convert_element_type3A_242 = arith.extui %lt3A_241 : i1 to i32
    %cond3A_243 = arith.constant 0 : i32
    %cond3A_244 = arith.cmpi ne, %convert_element_type3A_242, %cond3A_243 : i32
    scf.if %cond3A_244 {
      %mul3A_246 = arith.constant 128 : i32
      %mul3A_247 = arith.muli %add3A_239, %mul3A_246 : i32
      %dma_start3A_248 = tpu.memref_slice %arg7[%mul3A_247] : memref<12544xi32, #tpu.memory_space<vmem>> -> memref<128xi32, #tpu.memory_space<vmem>>
      %dma_start3A_249 = arith.constant 0 : i32
      %dma_start3A_250 = arith.constant 0 : i32
      %dma_start3A_251 = tpu.memref_slice %arg2[%dma_start3A_249, %dma_start3A_250] : memref<100000x128xf32, #tpu.memory_space<hbm>> -> memref<100000x128xf32, #tpu.memory_space<hbm>>
      tpu.enqueue_indirect_dma source(%dma_start3A_251 : memref<100000x128xf32, #tpu.memory_space<hbm>>) target(%arg14 : memref<128x128xf32, #tpu.memory_space<vmem>>) offsets(%dma_start3A_248 : memref<128xi32, #tpu.memory_space<vmem>>) semaphore(%arg21 : memref<!tpu.dma_semaphore, #tpu.memory_space<semaphore_mem>>)
    } else {
    }
    %scan3A_245 = arith.constant 1 : i32
    return
  }
}

#map = affine_map<(d0, d1) -> (0, 0)>
#map1 = affine_map<(d0, d1) -> (0)>
module attributes {stable_mosaic.version = 14 : i64} {
  func.func @gk(%arg0: i32, %arg1: i32, %arg2: memref<25000x128xf32, #tpu.memory_space<hbm>>, %arg3: memref<401408xi32, #tpu.memory_space<hbm>>, %arg4: memref<401408x128xf32, #tpu.memory_space<hbm>>, %arg5: memref<12544xi32, #tpu.memory_space<vmem>>, %arg6: memref<128x128xf32, #tpu.memory_space<vmem>>, %arg7: memref<128x128xf32, #tpu.memory_space<vmem>>, %arg8: memref<128x128xf32, #tpu.memory_space<vmem>>, %arg9: memref<128x128xf32, #tpu.memory_space<vmem>>, %arg10: memref<128x128xf32, #tpu.memory_space<vmem>>, %arg11: memref<128x128xf32, #tpu.memory_space<vmem>>, %arg12: memref<128x128xf32, #tpu.memory_space<vmem>>, %arg13: memref<!tpu.dma_semaphore, #tpu.memory_space<semaphore_mem>>, %arg14: memref<!tpu.dma_semaphore, #tpu.memory_space<semaphore_mem>>, %arg15: memref<!tpu.dma_semaphore, #tpu.memory_space<semaphore_mem>>, %arg16: memref<!tpu.dma_semaphore, #tpu.memory_space<semaphore_mem>>, %arg17: memref<!tpu.dma_semaphore, #tpu.memory_space<semaphore_mem>>, %arg18: memref<!tpu.dma_semaphore, #tpu.memory_space<semaphore_mem>>, %arg19: memref<!tpu.dma_semaphore, #tpu.memory_space<semaphore_mem>>, %arg20: memref<!tpu.dma_semaphore, #tpu.memory_space<semaphore_mem>>, %arg21: memref<!tpu.dma_semaphore, #tpu.memory_space<semaphore_mem>>, %arg22: memref<!tpu.dma_semaphore, #tpu.memory_space<semaphore_mem>>, %arg23: memref<!tpu.dma_semaphore, #tpu.memory_space<semaphore_mem>>, %arg24: memref<!tpu.dma_semaphore, #tpu.memory_space<semaphore_mem>>, %arg25: memref<!tpu.dma_semaphore, #tpu.memory_space<semaphore_mem>>, %arg26: memref<!tpu.dma_semaphore, #tpu.memory_space<semaphore_mem>>) attributes {dimension_semantics = [#tpu.dimension_semantics<core_parallel>, #tpu.dimension_semantics<subcore_parallel>], iteration_bounds = array<i64: 2, 16>, scalar_prefetch = 0 : i64, scratch_operands = 22 : i64, tpu.core_type = #tpu.core_type<sc_vector_subcore>, window_params = [{transform_indices = #map}, {transform_indices = #map1}, {transform_indices = #map}]} {
    %mul3A = arith.constant 2 : i32
    %mul3A_0 = arith.muli %arg1, %mul3A : i32
    %add3A = arith.addi %mul3A_0, %arg0 : i32
    %mul3A_1 = arith.constant 98 : i32
    %mul3A_2 = arith.muli %add3A, %mul3A_1 : i32
    %mul3A_3 = arith.constant 128 : i32
    %mul3A_4 = arith.muli %mul3A_2, %mul3A_3 : i32
    "tpu.region"() ({
      %run_scoped3A = tpu.sem_alloc : memref<!tpu.dma_semaphore, #tpu.memory_space<semaphore_mem>>
      %dma_start3A_44 = arith.constant 0 : i32
      %dma_start3A_45 = tpu.memref_slice %arg5[%dma_start3A_44] : memref<12544xi32, #tpu.memory_space<vmem>> -> memref<12544xi32, #tpu.memory_space<vmem>>
      %dma_start3A_46 = tpu.memref_slice %arg3[%mul3A_4] : memref<401408xi32, #tpu.memory_space<hbm>> -> memref<12544xi32, #tpu.memory_space<hbm>>
      %dma_start3A_47 = arith.constant 0 : i32
      %dma_start3A_48 = tpu.memref_slice %arg5[%dma_start3A_47] : memref<12544xi32, #tpu.memory_space<vmem>> -> memref<12544xi32, #tpu.memory_space<vmem>>
      %dma_start3A_49 = tpu.memref_slice %arg3[%mul3A_4] : memref<401408xi32, #tpu.memory_space<hbm>> -> memref<12544xi32, #tpu.memory_space<hbm>>
      tpu.enqueue_dma source(%dma_start3A_49 : memref<12544xi32, #tpu.memory_space<hbm>>) target(%dma_start3A_48 : memref<12544xi32, #tpu.memory_space<vmem>>) target_semaphore(%run_scoped3A : memref<!tpu.dma_semaphore, #tpu.memory_space<semaphore_mem>>)
      %dma_wait3A = arith.constant 0 : i32
      %dma_wait3A_50 = tpu.memref_slice %arg5[%dma_wait3A] : memref<12544xi32, #tpu.memory_space<vmem>> -> memref<12544xi32, #tpu.memory_space<vmem>>
      %dma_wait3A_51 = tpu.memref_slice %arg3[%mul3A_4] : memref<401408xi32, #tpu.memory_space<hbm>> -> memref<12544xi32, #tpu.memory_space<hbm>>
      %dma_wait3A_52 = arith.constant 0 : i32
      %dma_wait3A_53 = tpu.memref_slice %arg5[%dma_wait3A_52] : memref<12544xi32, #tpu.memory_space<vmem>> -> memref<12544xi32, #tpu.memory_space<vmem>>
      %dma_wait3A_54 = tpu.memref_slice %arg3[%mul3A_4] : memref<401408xi32, #tpu.memory_space<hbm>> -> memref<12544xi32, #tpu.memory_space<hbm>>
      tpu.wait_dma2 semaphore(%run_scoped3A : memref<!tpu.dma_semaphore, #tpu.memory_space<semaphore_mem>>) src(%dma_wait3A_54 : memref<12544xi32, #tpu.memory_space<hbm>>) dst(%dma_wait3A_53 : memref<12544xi32, #tpu.memory_space<vmem>>)
      tpu.yield
    }) : () -> ()
    %dma_start3A = arith.constant 0 : i32
    %dma_start3A_5 = tpu.memref_slice %arg5[%dma_start3A] : memref<12544xi32, #tpu.memory_space<vmem>> -> memref<128xi32, #tpu.memory_space<vmem>>
    %dma_start3A_6 = arith.constant 0 : i32
    %dma_start3A_7 = arith.constant 0 : i32
    %dma_start3A_8 = tpu.memref_slice %arg2[%dma_start3A_6, %dma_start3A_7] : memref<25000x128xf32, #tpu.memory_space<hbm>> -> memref<25000x128xf32, #tpu.memory_space<hbm>>
    tpu.enqueue_indirect_dma source(%dma_start3A_8 : memref<25000x128xf32, #tpu.memory_space<hbm>>) target(%arg6 : memref<128x128xf32, #tpu.memory_space<vmem>>) offsets(%dma_start3A_5 : memref<128xi32, #tpu.memory_space<vmem>>) semaphore(%arg13 : memref<!tpu.dma_semaphore, #tpu.memory_space<semaphore_mem>>)
    %dma_start3A_9 = arith.constant 128 : i32
    %dma_start3A_10 = tpu.memref_slice %arg5[%dma_start3A_9] : memref<12544xi32, #tpu.memory_space<vmem>> -> memref<128xi32, #tpu.memory_space<vmem>>
    %dma_start3A_11 = arith.constant 0 : i32
    %dma_start3A_12 = arith.constant 0 : i32
    %dma_start3A_13 = tpu.memref_slice %arg2[%dma_start3A_11, %dma_start3A_12] : memref<25000x128xf32, #tpu.memory_space<hbm>> -> memref<25000x128xf32, #tpu.memory_space<hbm>>
    tpu.enqueue_indirect_dma source(%dma_start3A_13 : memref<25000x128xf32, #tpu.memory_space<hbm>>) target(%arg7 : memref<128x128xf32, #tpu.memory_space<vmem>>) offsets(%dma_start3A_10 : memref<128xi32, #tpu.memory_space<vmem>>) semaphore(%arg14 : memref<!tpu.dma_semaphore, #tpu.memory_space<semaphore_mem>>)
    %dma_start3A_14 = arith.constant 256 : i32
    %dma_start3A_15 = tpu.memref_slice %arg5[%dma_start3A_14] : memref<12544xi32, #tpu.memory_space<vmem>> -> memref<128xi32, #tpu.memory_space<vmem>>
    %dma_start3A_16 = arith.constant 0 : i32
    %dma_start3A_17 = arith.constant 0 : i32
    %dma_start3A_18 = tpu.memref_slice %arg2[%dma_start3A_16, %dma_start3A_17] : memref<25000x128xf32, #tpu.memory_space<hbm>> -> memref<25000x128xf32, #tpu.memory_space<hbm>>
    tpu.enqueue_indirect_dma source(%dma_start3A_18 : memref<25000x128xf32, #tpu.memory_space<hbm>>) target(%arg8 : memref<128x128xf32, #tpu.memory_space<vmem>>) offsets(%dma_start3A_15 : memref<128xi32, #tpu.memory_space<vmem>>) semaphore(%arg15 : memref<!tpu.dma_semaphore, #tpu.memory_space<semaphore_mem>>)
    %dma_start3A_19 = arith.constant 384 : i32
    %dma_start3A_20 = tpu.memref_slice %arg5[%dma_start3A_19] : memref<12544xi32, #tpu.memory_space<vmem>> -> memref<128xi32, #tpu.memory_space<vmem>>
    %dma_start3A_21 = arith.constant 0 : i32
    %dma_start3A_22 = arith.constant 0 : i32
    %dma_start3A_23 = tpu.memref_slice %arg2[%dma_start3A_21, %dma_start3A_22] : memref<25000x128xf32, #tpu.memory_space<hbm>> -> memref<25000x128xf32, #tpu.memory_space<hbm>>
    tpu.enqueue_indirect_dma source(%dma_start3A_23 : memref<25000x128xf32, #tpu.memory_space<hbm>>) target(%arg9 : memref<128x128xf32, #tpu.memory_space<vmem>>) offsets(%dma_start3A_20 : memref<128xi32, #tpu.memory_space<vmem>>) semaphore(%arg16 : memref<!tpu.dma_semaphore, #tpu.memory_space<semaphore_mem>>)
    %dma_start3A_24 = arith.constant 512 : i32
    %dma_start3A_25 = tpu.memref_slice %arg5[%dma_start3A_24] : memref<12544xi32, #tpu.memory_space<vmem>> -> memref<128xi32, #tpu.memory_space<vmem>>
    %dma_start3A_26 = arith.constant 0 : i32
    %dma_start3A_27 = arith.constant 0 : i32
    %dma_start3A_28 = tpu.memref_slice %arg2[%dma_start3A_26, %dma_start3A_27] : memref<25000x128xf32, #tpu.memory_space<hbm>> -> memref<25000x128xf32, #tpu.memory_space<hbm>>
    tpu.enqueue_indirect_dma source(%dma_start3A_28 : memref<25000x128xf32, #tpu.memory_space<hbm>>) target(%arg10 : memref<128x128xf32, #tpu.memory_space<vmem>>) offsets(%dma_start3A_25 : memref<128xi32, #tpu.memory_space<vmem>>) semaphore(%arg17 : memref<!tpu.dma_semaphore, #tpu.memory_space<semaphore_mem>>)
    %dma_start3A_29 = arith.constant 640 : i32
    %dma_start3A_30 = tpu.memref_slice %arg5[%dma_start3A_29] : memref<12544xi32, #tpu.memory_space<vmem>> -> memref<128xi32, #tpu.memory_space<vmem>>
    %dma_start3A_31 = arith.constant 0 : i32
    %dma_start3A_32 = arith.constant 0 : i32
    %dma_start3A_33 = tpu.memref_slice %arg2[%dma_start3A_31, %dma_start3A_32] : memref<25000x128xf32, #tpu.memory_space<hbm>> -> memref<25000x128xf32, #tpu.memory_space<hbm>>
    tpu.enqueue_indirect_dma source(%dma_start3A_33 : memref<25000x128xf32, #tpu.memory_space<hbm>>) target(%arg11 : memref<128x128xf32, #tpu.memory_space<vmem>>) offsets(%dma_start3A_30 : memref<128xi32, #tpu.memory_space<vmem>>) semaphore(%arg18 : memref<!tpu.dma_semaphore, #tpu.memory_space<semaphore_mem>>)
    %dma_start3A_34 = arith.constant 768 : i32
    %dma_start3A_35 = tpu.memref_slice %arg5[%dma_start3A_34] : memref<12544xi32, #tpu.memory_space<vmem>> -> memref<128xi32, #tpu.memory_space<vmem>>
    %dma_start3A_36 = arith.constant 0 : i32
    %dma_start3A_37 = arith.constant 0 : i32
    %dma_start3A_38 = tpu.memref_slice %arg2[%dma_start3A_36, %dma_start3A_37] : memref<25000x128xf32, #tpu.memory_space<hbm>> -> memref<25000x128xf32, #tpu.memory_space<hbm>>
    tpu.enqueue_indirect_dma source(%dma_start3A_38 : memref<25000x128xf32, #tpu.memory_space<hbm>>) target(%arg12 : memref<128x128xf32, #tpu.memory_space<vmem>>) offsets(%dma_start3A_35 : memref<128xi32, #tpu.memory_space<vmem>>) semaphore(%arg19 : memref<!tpu.dma_semaphore, #tpu.memory_space<semaphore_mem>>)
    %scan3A = arith.constant 0 : i32
    %scan3A_39 = arith.constant 0 : i32
    %scan3A_40 = arith.constant 14 : i32
    %scan3A_41 = arith.addi %scan3A_39, %scan3A_40 : i32
    %scan3A_42 = arith.constant 1 : i32
    scf.for %scan3A_44 = %scan3A_39 to %scan3A_41 step %scan3A_42  : i32 {
      %mul3A_45 = arith.constant 7 : i32
      %mul3A_46 = arith.muli %scan3A_44, %mul3A_45 : i32
      %add3A_47 = arith.constant 0 : i32
      %add3A_48 = arith.addi %mul3A_46, %add3A_47 : i32
      %lt3A = arith.constant 98 : i32
      %lt3A_49 = arith.cmpi slt, %add3A_48, %lt3A : i32
      %convert_element_type3A = arith.extui %lt3A_49 : i1 to i32
      %cond3A = arith.constant 0 : i32
      %cond3A_50 = arith.cmpi ne, %convert_element_type3A, %cond3A : i32
      scf.if %cond3A_50 {
        %dma_wait3A = arith.constant 0 : i32
        %dma_wait3A_205 = tpu.memref_slice %arg5[%dma_wait3A] : memref<12544xi32, #tpu.memory_space<vmem>> -> memref<128xi32, #tpu.memory_space<vmem>>
        %dma_wait3A_206 = arith.constant 0 : i32
        %dma_wait3A_207 = arith.constant 0 : i32
        %dma_wait3A_208 = tpu.memref_slice %arg2[%dma_wait3A_206, %dma_wait3A_207] : memref<25000x128xf32, #tpu.memory_space<hbm>> -> memref<25000x128xf32, #tpu.memory_space<hbm>>
        tpu.wait_indirect_dma semaphore(%arg13 : memref<!tpu.dma_semaphore, #tpu.memory_space<semaphore_mem>>) src(%dma_wait3A_208 : memref<25000x128xf32, #tpu.memory_space<hbm>>) dst(%arg6 : memref<128x128xf32, #tpu.memory_space<vmem>>)
        %add3A_209 = arith.constant 0 : i32
        %add3A_210 = arith.addi %mul3A_46, %add3A_209 : i32
        %add3A_211 = arith.addi %mul3A_2, %add3A_210 : i32
        %mul3A_212 = arith.constant 128 : i32
        %mul3A_213 = arith.muli %add3A_211, %mul3A_212 : i32
        %dma_start3A_214 = arith.constant 0 : i32
        %dma_start3A_215 = tpu.memref_slice %arg4[%mul3A_213, %dma_start3A_214] : memref<401408x128xf32, #tpu.memory_space<hbm>> -> memref<128x128xf32, #tpu.memory_space<hbm>>
        %dma_start3A_216 = arith.constant 0 : i32
        %dma_start3A_217 = tpu.memref_slice %arg4[%mul3A_213, %dma_start3A_216] : memref<401408x128xf32, #tpu.memory_space<hbm>> -> memref<128x128xf32, #tpu.memory_space<hbm>>
        tpu.enqueue_dma source(%arg6 : memref<128x128xf32, #tpu.memory_space<vmem>>) target(%dma_start3A_217 : memref<128x128xf32, #tpu.memory_space<hbm>>) target_semaphore(%arg20 : memref<!tpu.dma_semaphore, #tpu.memory_space<semaphore_mem>>)
      } else {
      }
      %add3A_51 = arith.constant 1 : i32
      %add3A_52 = arith.addi %mul3A_46, %add3A_51 : i32
      %lt3A_53 = arith.constant 98 : i32
      %lt3A_54 = arith.cmpi slt, %add3A_52, %lt3A_53 : i32
      %convert_element_type3A_55 = arith.extui %lt3A_54 : i1 to i32
      %cond3A_56 = arith.constant 0 : i32
      %cond3A_57 = arith.cmpi ne, %convert_element_type3A_55, %cond3A_56 : i32
      scf.if %cond3A_57 {
        %dma_wait3A = arith.constant 0 : i32
        %dma_wait3A_205 = tpu.memref_slice %arg5[%dma_wait3A] : memref<12544xi32, #tpu.memory_space<vmem>> -> memref<128xi32, #tpu.memory_space<vmem>>
        %dma_wait3A_206 = arith.constant 0 : i32
        %dma_wait3A_207 = arith.constant 0 : i32
        %dma_wait3A_208 = tpu.memref_slice %arg2[%dma_wait3A_206, %dma_wait3A_207] : memref<25000x128xf32, #tpu.memory_space<hbm>> -> memref<25000x128xf32, #tpu.memory_space<hbm>>
        tpu.wait_indirect_dma semaphore(%arg14 : memref<!tpu.dma_semaphore, #tpu.memory_space<semaphore_mem>>) src(%dma_wait3A_208 : memref<25000x128xf32, #tpu.memory_space<hbm>>) dst(%arg7 : memref<128x128xf32, #tpu.memory_space<vmem>>)
        %add3A_209 = arith.constant 1 : i32
        %add3A_210 = arith.addi %mul3A_46, %add3A_209 : i32
        %add3A_211 = arith.addi %mul3A_2, %add3A_210 : i32
        %mul3A_212 = arith.constant 128 : i32
        %mul3A_213 = arith.muli %add3A_211, %mul3A_212 : i32
        %dma_start3A_214 = arith.constant 0 : i32
        %dma_start3A_215 = tpu.memref_slice %arg4[%mul3A_213, %dma_start3A_214] : memref<401408x128xf32, #tpu.memory_space<hbm>> -> memref<128x128xf32, #tpu.memory_space<hbm>>
        %dma_start3A_216 = arith.constant 0 : i32
        %dma_start3A_217 = tpu.memref_slice %arg4[%mul3A_213, %dma_start3A_216] : memref<401408x128xf32, #tpu.memory_space<hbm>> -> memref<128x128xf32, #tpu.memory_space<hbm>>
        tpu.enqueue_dma source(%arg7 : memref<128x128xf32, #tpu.memory_space<vmem>>) target(%dma_start3A_217 : memref<128x128xf32, #tpu.memory_space<hbm>>) target_semaphore(%arg21 : memref<!tpu.dma_semaphore, #tpu.memory_space<semaphore_mem>>)
      } else {
      }
      %add3A_58 = arith.constant 2 : i32
      %add3A_59 = arith.addi %mul3A_46, %add3A_58 : i32
      %lt3A_60 = arith.constant 98 : i32
      %lt3A_61 = arith.cmpi slt, %add3A_59, %lt3A_60 : i32
      %convert_element_type3A_62 = arith.extui %lt3A_61 : i1 to i32
      %cond3A_63 = arith.constant 0 : i32
      %cond3A_64 = arith.cmpi ne, %convert_element_type3A_62, %cond3A_63 : i32
      scf.if %cond3A_64 {
        %dma_wait3A = arith.constant 0 : i32
        %dma_wait3A_205 = tpu.memref_slice %arg5[%dma_wait3A] : memref<12544xi32, #tpu.memory_space<vmem>> -> memref<128xi32, #tpu.memory_space<vmem>>
        %dma_wait3A_206 = arith.constant 0 : i32
        %dma_wait3A_207 = arith.constant 0 : i32
        %dma_wait3A_208 = tpu.memref_slice %arg2[%dma_wait3A_206, %dma_wait3A_207] : memref<25000x128xf32, #tpu.memory_space<hbm>> -> memref<25000x128xf32, #tpu.memory_space<hbm>>
        tpu.wait_indirect_dma semaphore(%arg15 : memref<!tpu.dma_semaphore, #tpu.memory_space<semaphore_mem>>) src(%dma_wait3A_208 : memref<25000x128xf32, #tpu.memory_space<hbm>>) dst(%arg8 : memref<128x128xf32, #tpu.memory_space<vmem>>)
        %add3A_209 = arith.constant 2 : i32
        %add3A_210 = arith.addi %mul3A_46, %add3A_209 : i32
        %add3A_211 = arith.addi %mul3A_2, %add3A_210 : i32
        %mul3A_212 = arith.constant 128 : i32
        %mul3A_213 = arith.muli %add3A_211, %mul3A_212 : i32
        %dma_start3A_214 = arith.constant 0 : i32
        %dma_start3A_215 = tpu.memref_slice %arg4[%mul3A_213, %dma_start3A_214] : memref<401408x128xf32, #tpu.memory_space<hbm>> -> memref<128x128xf32, #tpu.memory_space<hbm>>
        %dma_start3A_216 = arith.constant 0 : i32
        %dma_start3A_217 = tpu.memref_slice %arg4[%mul3A_213, %dma_start3A_216] : memref<401408x128xf32, #tpu.memory_space<hbm>> -> memref<128x128xf32, #tpu.memory_space<hbm>>
        tpu.enqueue_dma source(%arg8 : memref<128x128xf32, #tpu.memory_space<vmem>>) target(%dma_start3A_217 : memref<128x128xf32, #tpu.memory_space<hbm>>) target_semaphore(%arg22 : memref<!tpu.dma_semaphore, #tpu.memory_space<semaphore_mem>>)
      } else {
      }
      %add3A_65 = arith.constant 3 : i32
      %add3A_66 = arith.addi %mul3A_46, %add3A_65 : i32
      %lt3A_67 = arith.constant 98 : i32
      %lt3A_68 = arith.cmpi slt, %add3A_66, %lt3A_67 : i32
      %convert_element_type3A_69 = arith.extui %lt3A_68 : i1 to i32
      %cond3A_70 = arith.constant 0 : i32
      %cond3A_71 = arith.cmpi ne, %convert_element_type3A_69, %cond3A_70 : i32
      scf.if %cond3A_71 {
        %dma_wait3A = arith.constant 0 : i32
        %dma_wait3A_205 = tpu.memref_slice %arg5[%dma_wait3A] : memref<12544xi32, #tpu.memory_space<vmem>> -> memref<128xi32, #tpu.memory_space<vmem>>
        %dma_wait3A_206 = arith.constant 0 : i32
        %dma_wait3A_207 = arith.constant 0 : i32
        %dma_wait3A_208 = tpu.memref_slice %arg2[%dma_wait3A_206, %dma_wait3A_207] : memref<25000x128xf32, #tpu.memory_space<hbm>> -> memref<25000x128xf32, #tpu.memory_space<hbm>>
        tpu.wait_indirect_dma semaphore(%arg16 : memref<!tpu.dma_semaphore, #tpu.memory_space<semaphore_mem>>) src(%dma_wait3A_208 : memref<25000x128xf32, #tpu.memory_space<hbm>>) dst(%arg9 : memref<128x128xf32, #tpu.memory_space<vmem>>)
        %add3A_209 = arith.constant 3 : i32
        %add3A_210 = arith.addi %mul3A_46, %add3A_209 : i32
        %add3A_211 = arith.addi %mul3A_2, %add3A_210 : i32
        %mul3A_212 = arith.constant 128 : i32
        %mul3A_213 = arith.muli %add3A_211, %mul3A_212 : i32
        %dma_start3A_214 = arith.constant 0 : i32
        %dma_start3A_215 = tpu.memref_slice %arg4[%mul3A_213, %dma_start3A_214] : memref<401408x128xf32, #tpu.memory_space<hbm>> -> memref<128x128xf32, #tpu.memory_space<hbm>>
        %dma_start3A_216 = arith.constant 0 : i32
        %dma_start3A_217 = tpu.memref_slice %arg4[%mul3A_213, %dma_start3A_216] : memref<401408x128xf32, #tpu.memory_space<hbm>> -> memref<128x128xf32, #tpu.memory_space<hbm>>
        tpu.enqueue_dma source(%arg9 : memref<128x128xf32, #tpu.memory_space<vmem>>) target(%dma_start3A_217 : memref<128x128xf32, #tpu.memory_space<hbm>>) target_semaphore(%arg23 : memref<!tpu.dma_semaphore, #tpu.memory_space<semaphore_mem>>)
      } else {
      }
      %add3A_72 = arith.constant 4 : i32
      %add3A_73 = arith.addi %mul3A_46, %add3A_72 : i32
      %lt3A_74 = arith.constant 98 : i32
      %lt3A_75 = arith.cmpi slt, %add3A_73, %lt3A_74 : i32
      %convert_element_type3A_76 = arith.extui %lt3A_75 : i1 to i32
      %cond3A_77 = arith.constant 0 : i32
      %cond3A_78 = arith.cmpi ne, %convert_element_type3A_76, %cond3A_77 : i32
      scf.if %cond3A_78 {
        %dma_wait3A = arith.constant 0 : i32
        %dma_wait3A_205 = tpu.memref_slice %arg5[%dma_wait3A] : memref<12544xi32, #tpu.memory_space<vmem>> -> memref<128xi32, #tpu.memory_space<vmem>>
        %dma_wait3A_206 = arith.constant 0 : i32
        %dma_wait3A_207 = arith.constant 0 : i32
        %dma_wait3A_208 = tpu.memref_slice %arg2[%dma_wait3A_206, %dma_wait3A_207] : memref<25000x128xf32, #tpu.memory_space<hbm>> -> memref<25000x128xf32, #tpu.memory_space<hbm>>
        tpu.wait_indirect_dma semaphore(%arg17 : memref<!tpu.dma_semaphore, #tpu.memory_space<semaphore_mem>>) src(%dma_wait3A_208 : memref<25000x128xf32, #tpu.memory_space<hbm>>) dst(%arg10 : memref<128x128xf32, #tpu.memory_space<vmem>>)
        %add3A_209 = arith.constant 4 : i32
        %add3A_210 = arith.addi %mul3A_46, %add3A_209 : i32
        %add3A_211 = arith.addi %mul3A_2, %add3A_210 : i32
        %mul3A_212 = arith.constant 128 : i32
        %mul3A_213 = arith.muli %add3A_211, %mul3A_212 : i32
        %dma_start3A_214 = arith.constant 0 : i32
        %dma_start3A_215 = tpu.memref_slice %arg4[%mul3A_213, %dma_start3A_214] : memref<401408x128xf32, #tpu.memory_space<hbm>> -> memref<128x128xf32, #tpu.memory_space<hbm>>
        %dma_start3A_216 = arith.constant 0 : i32
        %dma_start3A_217 = tpu.memref_slice %arg4[%mul3A_213, %dma_start3A_216] : memref<401408x128xf32, #tpu.memory_space<hbm>> -> memref<128x128xf32, #tpu.memory_space<hbm>>
        tpu.enqueue_dma source(%arg10 : memref<128x128xf32, #tpu.memory_space<vmem>>) target(%dma_start3A_217 : memref<128x128xf32, #tpu.memory_space<hbm>>) target_semaphore(%arg24 : memref<!tpu.dma_semaphore, #tpu.memory_space<semaphore_mem>>)
      } else {
      }
      %add3A_79 = arith.constant 5 : i32
      %add3A_80 = arith.addi %mul3A_46, %add3A_79 : i32
      %lt3A_81 = arith.constant 98 : i32
      %lt3A_82 = arith.cmpi slt, %add3A_80, %lt3A_81 : i32
      %convert_element_type3A_83 = arith.extui %lt3A_82 : i1 to i32
      %cond3A_84 = arith.constant 0 : i32
      %cond3A_85 = arith.cmpi ne, %convert_element_type3A_83, %cond3A_84 : i32
      scf.if %cond3A_85 {
        %dma_wait3A = arith.constant 0 : i32
        %dma_wait3A_205 = tpu.memref_slice %arg5[%dma_wait3A] : memref<12544xi32, #tpu.memory_space<vmem>> -> memref<128xi32, #tpu.memory_space<vmem>>
        %dma_wait3A_206 = arith.constant 0 : i32
        %dma_wait3A_207 = arith.constant 0 : i32
        %dma_wait3A_208 = tpu.memref_slice %arg2[%dma_wait3A_206, %dma_wait3A_207] : memref<25000x128xf32, #tpu.memory_space<hbm>> -> memref<25000x128xf32, #tpu.memory_space<hbm>>
        tpu.wait_indirect_dma semaphore(%arg18 : memref<!tpu.dma_semaphore, #tpu.memory_space<semaphore_mem>>) src(%dma_wait3A_208 : memref<25000x128xf32, #tpu.memory_space<hbm>>) dst(%arg11 : memref<128x128xf32, #tpu.memory_space<vmem>>)
        %add3A_209 = arith.constant 5 : i32
        %add3A_210 = arith.addi %mul3A_46, %add3A_209 : i32
        %add3A_211 = arith.addi %mul3A_2, %add3A_210 : i32
        %mul3A_212 = arith.constant 128 : i32
        %mul3A_213 = arith.muli %add3A_211, %mul3A_212 : i32
        %dma_start3A_214 = arith.constant 0 : i32
        %dma_start3A_215 = tpu.memref_slice %arg4[%mul3A_213, %dma_start3A_214] : memref<401408x128xf32, #tpu.memory_space<hbm>> -> memref<128x128xf32, #tpu.memory_space<hbm>>
        %dma_start3A_216 = arith.constant 0 : i32
        %dma_start3A_217 = tpu.memref_slice %arg4[%mul3A_213, %dma_start3A_216] : memref<401408x128xf32, #tpu.memory_space<hbm>> -> memref<128x128xf32, #tpu.memory_space<hbm>>
        tpu.enqueue_dma source(%arg11 : memref<128x128xf32, #tpu.memory_space<vmem>>) target(%dma_start3A_217 : memref<128x128xf32, #tpu.memory_space<hbm>>) target_semaphore(%arg25 : memref<!tpu.dma_semaphore, #tpu.memory_space<semaphore_mem>>)
      } else {
      }
      %add3A_86 = arith.constant 6 : i32
      %add3A_87 = arith.addi %mul3A_46, %add3A_86 : i32
      %lt3A_88 = arith.constant 98 : i32
      %lt3A_89 = arith.cmpi slt, %add3A_87, %lt3A_88 : i32
      %convert_element_type3A_90 = arith.extui %lt3A_89 : i1 to i32
      %cond3A_91 = arith.constant 0 : i32
      %cond3A_92 = arith.cmpi ne, %convert_element_type3A_90, %cond3A_91 : i32
      scf.if %cond3A_92 {
        %dma_wait3A = arith.constant 0 : i32
        %dma_wait3A_205 = tpu.memref_slice %arg5[%dma_wait3A] : memref<12544xi32, #tpu.memory_space<vmem>> -> memref<128xi32, #tpu.memory_space<vmem>>
        %dma_wait3A_206 = arith.constant 0 : i32
        %dma_wait3A_207 = arith.constant 0 : i32
        %dma_wait3A_208 = tpu.memref_slice %arg2[%dma_wait3A_206, %dma_wait3A_207] : memref<25000x128xf32, #tpu.memory_space<hbm>> -> memref<25000x128xf32, #tpu.memory_space<hbm>>
        tpu.wait_indirect_dma semaphore(%arg19 : memref<!tpu.dma_semaphore, #tpu.memory_space<semaphore_mem>>) src(%dma_wait3A_208 : memref<25000x128xf32, #tpu.memory_space<hbm>>) dst(%arg12 : memref<128x128xf32, #tpu.memory_space<vmem>>)
        %add3A_209 = arith.constant 6 : i32
        %add3A_210 = arith.addi %mul3A_46, %add3A_209 : i32
        %add3A_211 = arith.addi %mul3A_2, %add3A_210 : i32
        %mul3A_212 = arith.constant 128 : i32
        %mul3A_213 = arith.muli %add3A_211, %mul3A_212 : i32
        %dma_start3A_214 = arith.constant 0 : i32
        %dma_start3A_215 = tpu.memref_slice %arg4[%mul3A_213, %dma_start3A_214] : memref<401408x128xf32, #tpu.memory_space<hbm>> -> memref<128x128xf32, #tpu.memory_space<hbm>>
        %dma_start3A_216 = arith.constant 0 : i32
        %dma_start3A_217 = tpu.memref_slice %arg4[%mul3A_213, %dma_start3A_216] : memref<401408x128xf32, #tpu.memory_space<hbm>> -> memref<128x128xf32, #tpu.memory_space<hbm>>
        tpu.enqueue_dma source(%arg12 : memref<128x128xf32, #tpu.memory_space<vmem>>) target(%dma_start3A_217 : memref<128x128xf32, #tpu.memory_space<hbm>>) target_semaphore(%arg26 : memref<!tpu.dma_semaphore, #tpu.memory_space<semaphore_mem>>)
      } else {
      }
      %add3A_93 = arith.constant 0 : i32
      %add3A_94 = arith.addi %mul3A_46, %add3A_93 : i32
      %lt3A_95 = arith.constant 98 : i32
      %lt3A_96 = arith.cmpi slt, %add3A_94, %lt3A_95 : i32
      %convert_element_type3A_97 = arith.extui %lt3A_96 : i1 to i32
      %cond3A_98 = arith.constant 0 : i32
      %cond3A_99 = arith.cmpi ne, %convert_element_type3A_97, %cond3A_98 : i32
      scf.if %cond3A_99 {
        %add3A_205 = arith.constant 0 : i32
        %add3A_206 = arith.addi %mul3A_46, %add3A_205 : i32
        %add3A_207 = arith.addi %mul3A_2, %add3A_206 : i32
        %mul3A_208 = arith.constant 128 : i32
        %mul3A_209 = arith.muli %add3A_207, %mul3A_208 : i32
        %dma_wait3A = arith.constant 0 : i32
        %dma_wait3A_210 = tpu.memref_slice %arg4[%mul3A_209, %dma_wait3A] : memref<401408x128xf32, #tpu.memory_space<hbm>> -> memref<128x128xf32, #tpu.memory_space<hbm>>
        %dma_wait3A_211 = arith.constant 0 : i32
        %dma_wait3A_212 = tpu.memref_slice %arg4[%mul3A_209, %dma_wait3A_211] : memref<401408x128xf32, #tpu.memory_space<hbm>> -> memref<128x128xf32, #tpu.memory_space<hbm>>
        tpu.wait_dma2 semaphore(%arg20 : memref<!tpu.dma_semaphore, #tpu.memory_space<semaphore_mem>>) src(%arg6 : memref<128x128xf32, #tpu.memory_space<vmem>>) dst(%dma_wait3A_212 : memref<128x128xf32, #tpu.memory_space<hbm>>)
      } else {
      }
      %add3A_100 = arith.constant 7 : i32
      %add3A_101 = arith.addi %mul3A_46, %add3A_100 : i32
      %add3A_102 = arith.constant 0 : i32
      %add3A_103 = arith.addi %add3A_101, %add3A_102 : i32
      %lt3A_104 = arith.constant 98 : i32
      %lt3A_105 = arith.cmpi slt, %add3A_103, %lt3A_104 : i32
      %convert_element_type3A_106 = arith.extui %lt3A_105 : i1 to i32
      %cond3A_107 = arith.constant 0 : i32
      %cond3A_108 = arith.cmpi ne, %convert_element_type3A_106, %cond3A_107 : i32
      scf.if %cond3A_108 {
        %mul3A_205 = arith.constant 128 : i32
        %mul3A_206 = arith.muli %add3A_103, %mul3A_205 : i32
        %dma_start3A_207 = tpu.memref_slice %arg5[%mul3A_206] : memref<12544xi32, #tpu.memory_space<vmem>> -> memref<128xi32, #tpu.memory_space<vmem>>
        %dma_start3A_208 = arith.constant 0 : i32
        %dma_start3A_209 = arith.constant 0 : i32
        %dma_start3A_210 = tpu.memref_slice %arg2[%dma_start3A_208, %dma_start3A_209] : memref<25000x128xf32, #tpu.memory_space<hbm>> -> memref<25000x128xf32, #tpu.memory_space<hbm>>
        tpu.enqueue_indirect_dma source(%dma_start3A_210 : memref<25000x128xf32, #tpu.memory_space<hbm>>) target(%arg6 : memref<128x128xf32, #tpu.memory_space<vmem>>) offsets(%dma_start3A_207 : memref<128xi32, #tpu.memory_space<vmem>>) semaphore(%arg13 : memref<!tpu.dma_semaphore, #tpu.memory_space<semaphore_mem>>)
      } else {
      }
      %add3A_109 = arith.constant 1 : i32
      %add3A_110 = arith.addi %mul3A_46, %add3A_109 : i32
      %lt3A_111 = arith.constant 98 : i32
      %lt3A_112 = arith.cmpi slt, %add3A_110, %lt3A_111 : i32
      %convert_element_type3A_113 = arith.extui %lt3A_112 : i1 to i32
      %cond3A_114 = arith.constant 0 : i32
      %cond3A_115 = arith.cmpi ne, %convert_element_type3A_113, %cond3A_114 : i32
      scf.if %cond3A_115 {
        %add3A_205 = arith.constant 1 : i32
        %add3A_206 = arith.addi %mul3A_46, %add3A_205 : i32
        %add3A_207 = arith.addi %mul3A_2, %add3A_206 : i32
        %mul3A_208 = arith.constant 128 : i32
        %mul3A_209 = arith.muli %add3A_207, %mul3A_208 : i32
        %dma_wait3A = arith.constant 0 : i32
        %dma_wait3A_210 = tpu.memref_slice %arg4[%mul3A_209, %dma_wait3A] : memref<401408x128xf32, #tpu.memory_space<hbm>> -> memref<128x128xf32, #tpu.memory_space<hbm>>
        %dma_wait3A_211 = arith.constant 0 : i32
        %dma_wait3A_212 = tpu.memref_slice %arg4[%mul3A_209, %dma_wait3A_211] : memref<401408x128xf32, #tpu.memory_space<hbm>> -> memref<128x128xf32, #tpu.memory_space<hbm>>
        tpu.wait_dma2 semaphore(%arg21 : memref<!tpu.dma_semaphore, #tpu.memory_space<semaphore_mem>>) src(%arg7 : memref<128x128xf32, #tpu.memory_space<vmem>>) dst(%dma_wait3A_212 : memref<128x128xf32, #tpu.memory_space<hbm>>)
      } else {
      }
      %add3A_116 = arith.constant 7 : i32
      %add3A_117 = arith.addi %mul3A_46, %add3A_116 : i32
      %add3A_118 = arith.constant 1 : i32
      %add3A_119 = arith.addi %add3A_117, %add3A_118 : i32
      %lt3A_120 = arith.constant 98 : i32
      %lt3A_121 = arith.cmpi slt, %add3A_119, %lt3A_120 : i32
      %convert_element_type3A_122 = arith.extui %lt3A_121 : i1 to i32
      %cond3A_123 = arith.constant 0 : i32
      %cond3A_124 = arith.cmpi ne, %convert_element_type3A_122, %cond3A_123 : i32
      scf.if %cond3A_124 {
        %mul3A_205 = arith.constant 128 : i32
        %mul3A_206 = arith.muli %add3A_119, %mul3A_205 : i32
        %dma_start3A_207 = tpu.memref_slice %arg5[%mul3A_206] : memref<12544xi32, #tpu.memory_space<vmem>> -> memref<128xi32, #tpu.memory_space<vmem>>
        %dma_start3A_208 = arith.constant 0 : i32
        %dma_start3A_209 = arith.constant 0 : i32
        %dma_start3A_210 = tpu.memref_slice %arg2[%dma_start3A_208, %dma_start3A_209] : memref<25000x128xf32, #tpu.memory_space<hbm>> -> memref<25000x128xf32, #tpu.memory_space<hbm>>
        tpu.enqueue_indirect_dma source(%dma_start3A_210 : memref<25000x128xf32, #tpu.memory_space<hbm>>) target(%arg7 : memref<128x128xf32, #tpu.memory_space<vmem>>) offsets(%dma_start3A_207 : memref<128xi32, #tpu.memory_space<vmem>>) semaphore(%arg14 : memref<!tpu.dma_semaphore, #tpu.memory_space<semaphore_mem>>)
      } else {
      }
      %add3A_125 = arith.constant 2 : i32
      %add3A_126 = arith.addi %mul3A_46, %add3A_125 : i32
      %lt3A_127 = arith.constant 98 : i32
      %lt3A_128 = arith.cmpi slt, %add3A_126, %lt3A_127 : i32
      %convert_element_type3A_129 = arith.extui %lt3A_128 : i1 to i32
      %cond3A_130 = arith.constant 0 : i32
      %cond3A_131 = arith.cmpi ne, %convert_element_type3A_129, %cond3A_130 : i32
      scf.if %cond3A_131 {
        %add3A_205 = arith.constant 2 : i32
        %add3A_206 = arith.addi %mul3A_46, %add3A_205 : i32
        %add3A_207 = arith.addi %mul3A_2, %add3A_206 : i32
        %mul3A_208 = arith.constant 128 : i32
        %mul3A_209 = arith.muli %add3A_207, %mul3A_208 : i32
        %dma_wait3A = arith.constant 0 : i32
        %dma_wait3A_210 = tpu.memref_slice %arg4[%mul3A_209, %dma_wait3A] : memref<401408x128xf32, #tpu.memory_space<hbm>> -> memref<128x128xf32, #tpu.memory_space<hbm>>
        %dma_wait3A_211 = arith.constant 0 : i32
        %dma_wait3A_212 = tpu.memref_slice %arg4[%mul3A_209, %dma_wait3A_211] : memref<401408x128xf32, #tpu.memory_space<hbm>> -> memref<128x128xf32, #tpu.memory_space<hbm>>
        tpu.wait_dma2 semaphore(%arg22 : memref<!tpu.dma_semaphore, #tpu.memory_space<semaphore_mem>>) src(%arg8 : memref<128x128xf32, #tpu.memory_space<vmem>>) dst(%dma_wait3A_212 : memref<128x128xf32, #tpu.memory_space<hbm>>)
      } else {
      }
      %add3A_132 = arith.constant 7 : i32
      %add3A_133 = arith.addi %mul3A_46, %add3A_132 : i32
      %add3A_134 = arith.constant 2 : i32
      %add3A_135 = arith.addi %add3A_133, %add3A_134 : i32
      %lt3A_136 = arith.constant 98 : i32
      %lt3A_137 = arith.cmpi slt, %add3A_135, %lt3A_136 : i32
      %convert_element_type3A_138 = arith.extui %lt3A_137 : i1 to i32
      %cond3A_139 = arith.constant 0 : i32
      %cond3A_140 = arith.cmpi ne, %convert_element_type3A_138, %cond3A_139 : i32
      scf.if %cond3A_140 {
        %mul3A_205 = arith.constant 128 : i32
        %mul3A_206 = arith.muli %add3A_135, %mul3A_205 : i32
        %dma_start3A_207 = tpu.memref_slice %arg5[%mul3A_206] : memref<12544xi32, #tpu.memory_space<vmem>> -> memref<128xi32, #tpu.memory_space<vmem>>
        %dma_start3A_208 = arith.constant 0 : i32
        %dma_start3A_209 = arith.constant 0 : i32
        %dma_start3A_210 = tpu.memref_slice %arg2[%dma_start3A_208, %dma_start3A_209] : memref<25000x128xf32, #tpu.memory_space<hbm>> -> memref<25000x128xf32, #tpu.memory_space<hbm>>
        tpu.enqueue_indirect_dma source(%dma_start3A_210 : memref<25000x128xf32, #tpu.memory_space<hbm>>) target(%arg8 : memref<128x128xf32, #tpu.memory_space<vmem>>) offsets(%dma_start3A_207 : memref<128xi32, #tpu.memory_space<vmem>>) semaphore(%arg15 : memref<!tpu.dma_semaphore, #tpu.memory_space<semaphore_mem>>)
      } else {
      }
      %add3A_141 = arith.constant 3 : i32
      %add3A_142 = arith.addi %mul3A_46, %add3A_141 : i32
      %lt3A_143 = arith.constant 98 : i32
      %lt3A_144 = arith.cmpi slt, %add3A_142, %lt3A_143 : i32
      %convert_element_type3A_145 = arith.extui %lt3A_144 : i1 to i32
      %cond3A_146 = arith.constant 0 : i32
      %cond3A_147 = arith.cmpi ne, %convert_element_type3A_145, %cond3A_146 : i32
      scf.if %cond3A_147 {
        %add3A_205 = arith.constant 3 : i32
        %add3A_206 = arith.addi %mul3A_46, %add3A_205 : i32
        %add3A_207 = arith.addi %mul3A_2, %add3A_206 : i32
        %mul3A_208 = arith.constant 128 : i32
        %mul3A_209 = arith.muli %add3A_207, %mul3A_208 : i32
        %dma_wait3A = arith.constant 0 : i32
        %dma_wait3A_210 = tpu.memref_slice %arg4[%mul3A_209, %dma_wait3A] : memref<401408x128xf32, #tpu.memory_space<hbm>> -> memref<128x128xf32, #tpu.memory_space<hbm>>
        %dma_wait3A_211 = arith.constant 0 : i32
        %dma_wait3A_212 = tpu.memref_slice %arg4[%mul3A_209, %dma_wait3A_211] : memref<401408x128xf32, #tpu.memory_space<hbm>> -> memref<128x128xf32, #tpu.memory_space<hbm>>
        tpu.wait_dma2 semaphore(%arg23 : memref<!tpu.dma_semaphore, #tpu.memory_space<semaphore_mem>>) src(%arg9 : memref<128x128xf32, #tpu.memory_space<vmem>>) dst(%dma_wait3A_212 : memref<128x128xf32, #tpu.memory_space<hbm>>)
      } else {
      }
      %add3A_148 = arith.constant 7 : i32
      %add3A_149 = arith.addi %mul3A_46, %add3A_148 : i32
      %add3A_150 = arith.constant 3 : i32
      %add3A_151 = arith.addi %add3A_149, %add3A_150 : i32
      %lt3A_152 = arith.constant 98 : i32
      %lt3A_153 = arith.cmpi slt, %add3A_151, %lt3A_152 : i32
      %convert_element_type3A_154 = arith.extui %lt3A_153 : i1 to i32
      %cond3A_155 = arith.constant 0 : i32
      %cond3A_156 = arith.cmpi ne, %convert_element_type3A_154, %cond3A_155 : i32
      scf.if %cond3A_156 {
        %mul3A_205 = arith.constant 128 : i32
        %mul3A_206 = arith.muli %add3A_151, %mul3A_205 : i32
        %dma_start3A_207 = tpu.memref_slice %arg5[%mul3A_206] : memref<12544xi32, #tpu.memory_space<vmem>> -> memref<128xi32, #tpu.memory_space<vmem>>
        %dma_start3A_208 = arith.constant 0 : i32
        %dma_start3A_209 = arith.constant 0 : i32
        %dma_start3A_210 = tpu.memref_slice %arg2[%dma_start3A_208, %dma_start3A_209] : memref<25000x128xf32, #tpu.memory_space<hbm>> -> memref<25000x128xf32, #tpu.memory_space<hbm>>
        tpu.enqueue_indirect_dma source(%dma_start3A_210 : memref<25000x128xf32, #tpu.memory_space<hbm>>) target(%arg9 : memref<128x128xf32, #tpu.memory_space<vmem>>) offsets(%dma_start3A_207 : memref<128xi32, #tpu.memory_space<vmem>>) semaphore(%arg16 : memref<!tpu.dma_semaphore, #tpu.memory_space<semaphore_mem>>)
      } else {
      }
      %add3A_157 = arith.constant 4 : i32
      %add3A_158 = arith.addi %mul3A_46, %add3A_157 : i32
      %lt3A_159 = arith.constant 98 : i32
      %lt3A_160 = arith.cmpi slt, %add3A_158, %lt3A_159 : i32
      %convert_element_type3A_161 = arith.extui %lt3A_160 : i1 to i32
      %cond3A_162 = arith.constant 0 : i32
      %cond3A_163 = arith.cmpi ne, %convert_element_type3A_161, %cond3A_162 : i32
      scf.if %cond3A_163 {
        %add3A_205 = arith.constant 4 : i32
        %add3A_206 = arith.addi %mul3A_46, %add3A_205 : i32
        %add3A_207 = arith.addi %mul3A_2, %add3A_206 : i32
        %mul3A_208 = arith.constant 128 : i32
        %mul3A_209 = arith.muli %add3A_207, %mul3A_208 : i32
        %dma_wait3A = arith.constant 0 : i32
        %dma_wait3A_210 = tpu.memref_slice %arg4[%mul3A_209, %dma_wait3A] : memref<401408x128xf32, #tpu.memory_space<hbm>> -> memref<128x128xf32, #tpu.memory_space<hbm>>
        %dma_wait3A_211 = arith.constant 0 : i32
        %dma_wait3A_212 = tpu.memref_slice %arg4[%mul3A_209, %dma_wait3A_211] : memref<401408x128xf32, #tpu.memory_space<hbm>> -> memref<128x128xf32, #tpu.memory_space<hbm>>
        tpu.wait_dma2 semaphore(%arg24 : memref<!tpu.dma_semaphore, #tpu.memory_space<semaphore_mem>>) src(%arg10 : memref<128x128xf32, #tpu.memory_space<vmem>>) dst(%dma_wait3A_212 : memref<128x128xf32, #tpu.memory_space<hbm>>)
      } else {
      }
      %add3A_164 = arith.constant 7 : i32
      %add3A_165 = arith.addi %mul3A_46, %add3A_164 : i32
      %add3A_166 = arith.constant 4 : i32
      %add3A_167 = arith.addi %add3A_165, %add3A_166 : i32
      %lt3A_168 = arith.constant 98 : i32
      %lt3A_169 = arith.cmpi slt, %add3A_167, %lt3A_168 : i32
      %convert_element_type3A_170 = arith.extui %lt3A_169 : i1 to i32
      %cond3A_171 = arith.constant 0 : i32
      %cond3A_172 = arith.cmpi ne, %convert_element_type3A_170, %cond3A_171 : i32
      scf.if %cond3A_172 {
        %mul3A_205 = arith.constant 128 : i32
        %mul3A_206 = arith.muli %add3A_167, %mul3A_205 : i32
        %dma_start3A_207 = tpu.memref_slice %arg5[%mul3A_206] : memref<12544xi32, #tpu.memory_space<vmem>> -> memref<128xi32, #tpu.memory_space<vmem>>
        %dma_start3A_208 = arith.constant 0 : i32
        %dma_start3A_209 = arith.constant 0 : i32
        %dma_start3A_210 = tpu.memref_slice %arg2[%dma_start3A_208, %dma_start3A_209] : memref<25000x128xf32, #tpu.memory_space<hbm>> -> memref<25000x128xf32, #tpu.memory_space<hbm>>
        tpu.enqueue_indirect_dma source(%dma_start3A_210 : memref<25000x128xf32, #tpu.memory_space<hbm>>) target(%arg10 : memref<128x128xf32, #tpu.memory_space<vmem>>) offsets(%dma_start3A_207 : memref<128xi32, #tpu.memory_space<vmem>>) semaphore(%arg17 : memref<!tpu.dma_semaphore, #tpu.memory_space<semaphore_mem>>)
      } else {
      }
      %add3A_173 = arith.constant 5 : i32
      %add3A_174 = arith.addi %mul3A_46, %add3A_173 : i32
      %lt3A_175 = arith.constant 98 : i32
      %lt3A_176 = arith.cmpi slt, %add3A_174, %lt3A_175 : i32
      %convert_element_type3A_177 = arith.extui %lt3A_176 : i1 to i32
      %cond3A_178 = arith.constant 0 : i32
      %cond3A_179 = arith.cmpi ne, %convert_element_type3A_177, %cond3A_178 : i32
      scf.if %cond3A_179 {
        %add3A_205 = arith.constant 5 : i32
        %add3A_206 = arith.addi %mul3A_46, %add3A_205 : i32
        %add3A_207 = arith.addi %mul3A_2, %add3A_206 : i32
        %mul3A_208 = arith.constant 128 : i32
        %mul3A_209 = arith.muli %add3A_207, %mul3A_208 : i32
        %dma_wait3A = arith.constant 0 : i32
        %dma_wait3A_210 = tpu.memref_slice %arg4[%mul3A_209, %dma_wait3A] : memref<401408x128xf32, #tpu.memory_space<hbm>> -> memref<128x128xf32, #tpu.memory_space<hbm>>
        %dma_wait3A_211 = arith.constant 0 : i32
        %dma_wait3A_212 = tpu.memref_slice %arg4[%mul3A_209, %dma_wait3A_211] : memref<401408x128xf32, #tpu.memory_space<hbm>> -> memref<128x128xf32, #tpu.memory_space<hbm>>
        tpu.wait_dma2 semaphore(%arg25 : memref<!tpu.dma_semaphore, #tpu.memory_space<semaphore_mem>>) src(%arg11 : memref<128x128xf32, #tpu.memory_space<vmem>>) dst(%dma_wait3A_212 : memref<128x128xf32, #tpu.memory_space<hbm>>)
      } else {
      }
      %add3A_180 = arith.constant 7 : i32
      %add3A_181 = arith.addi %mul3A_46, %add3A_180 : i32
      %add3A_182 = arith.constant 5 : i32
      %add3A_183 = arith.addi %add3A_181, %add3A_182 : i32
      %lt3A_184 = arith.constant 98 : i32
      %lt3A_185 = arith.cmpi slt, %add3A_183, %lt3A_184 : i32
      %convert_element_type3A_186 = arith.extui %lt3A_185 : i1 to i32
      %cond3A_187 = arith.constant 0 : i32
      %cond3A_188 = arith.cmpi ne, %convert_element_type3A_186, %cond3A_187 : i32
      scf.if %cond3A_188 {
        %mul3A_205 = arith.constant 128 : i32
        %mul3A_206 = arith.muli %add3A_183, %mul3A_205 : i32
        %dma_start3A_207 = tpu.memref_slice %arg5[%mul3A_206] : memref<12544xi32, #tpu.memory_space<vmem>> -> memref<128xi32, #tpu.memory_space<vmem>>
        %dma_start3A_208 = arith.constant 0 : i32
        %dma_start3A_209 = arith.constant 0 : i32
        %dma_start3A_210 = tpu.memref_slice %arg2[%dma_start3A_208, %dma_start3A_209] : memref<25000x128xf32, #tpu.memory_space<hbm>> -> memref<25000x128xf32, #tpu.memory_space<hbm>>
        tpu.enqueue_indirect_dma source(%dma_start3A_210 : memref<25000x128xf32, #tpu.memory_space<hbm>>) target(%arg11 : memref<128x128xf32, #tpu.memory_space<vmem>>) offsets(%dma_start3A_207 : memref<128xi32, #tpu.memory_space<vmem>>) semaphore(%arg18 : memref<!tpu.dma_semaphore, #tpu.memory_space<semaphore_mem>>)
      } else {
      }
      %add3A_189 = arith.constant 6 : i32
      %add3A_190 = arith.addi %mul3A_46, %add3A_189 : i32
      %lt3A_191 = arith.constant 98 : i32
      %lt3A_192 = arith.cmpi slt, %add3A_190, %lt3A_191 : i32
      %convert_element_type3A_193 = arith.extui %lt3A_192 : i1 to i32
      %cond3A_194 = arith.constant 0 : i32
      %cond3A_195 = arith.cmpi ne, %convert_element_type3A_193, %cond3A_194 : i32
      scf.if %cond3A_195 {
        %add3A_205 = arith.constant 6 : i32
        %add3A_206 = arith.addi %mul3A_46, %add3A_205 : i32
        %add3A_207 = arith.addi %mul3A_2, %add3A_206 : i32
        %mul3A_208 = arith.constant 128 : i32
        %mul3A_209 = arith.muli %add3A_207, %mul3A_208 : i32
        %dma_wait3A = arith.constant 0 : i32
        %dma_wait3A_210 = tpu.memref_slice %arg4[%mul3A_209, %dma_wait3A] : memref<401408x128xf32, #tpu.memory_space<hbm>> -> memref<128x128xf32, #tpu.memory_space<hbm>>
        %dma_wait3A_211 = arith.constant 0 : i32
        %dma_wait3A_212 = tpu.memref_slice %arg4[%mul3A_209, %dma_wait3A_211] : memref<401408x128xf32, #tpu.memory_space<hbm>> -> memref<128x128xf32, #tpu.memory_space<hbm>>
        tpu.wait_dma2 semaphore(%arg26 : memref<!tpu.dma_semaphore, #tpu.memory_space<semaphore_mem>>) src(%arg12 : memref<128x128xf32, #tpu.memory_space<vmem>>) dst(%dma_wait3A_212 : memref<128x128xf32, #tpu.memory_space<hbm>>)
      } else {
      }
      %add3A_196 = arith.constant 7 : i32
      %add3A_197 = arith.addi %mul3A_46, %add3A_196 : i32
      %add3A_198 = arith.constant 6 : i32
      %add3A_199 = arith.addi %add3A_197, %add3A_198 : i32
      %lt3A_200 = arith.constant 98 : i32
      %lt3A_201 = arith.cmpi slt, %add3A_199, %lt3A_200 : i32
      %convert_element_type3A_202 = arith.extui %lt3A_201 : i1 to i32
      %cond3A_203 = arith.constant 0 : i32
      %cond3A_204 = arith.cmpi ne, %convert_element_type3A_202, %cond3A_203 : i32
      scf.if %cond3A_204 {
        %mul3A_205 = arith.constant 128 : i32
        %mul3A_206 = arith.muli %add3A_199, %mul3A_205 : i32
        %dma_start3A_207 = tpu.memref_slice %arg5[%mul3A_206] : memref<12544xi32, #tpu.memory_space<vmem>> -> memref<128xi32, #tpu.memory_space<vmem>>
        %dma_start3A_208 = arith.constant 0 : i32
        %dma_start3A_209 = arith.constant 0 : i32
        %dma_start3A_210 = tpu.memref_slice %arg2[%dma_start3A_208, %dma_start3A_209] : memref<25000x128xf32, #tpu.memory_space<hbm>> -> memref<25000x128xf32, #tpu.memory_space<hbm>>
        tpu.enqueue_indirect_dma source(%dma_start3A_210 : memref<25000x128xf32, #tpu.memory_space<hbm>>) target(%arg12 : memref<128x128xf32, #tpu.memory_space<vmem>>) offsets(%dma_start3A_207 : memref<128xi32, #tpu.memory_space<vmem>>) semaphore(%arg19 : memref<!tpu.dma_semaphore, #tpu.memory_space<semaphore_mem>>)
      } else {
      }
    }
    %scan3A_43 = arith.constant 14 : i32
    return
  }
}

module attributes {stable_mosaic.version = 14 : i64} {
  func.func @body(%arg0: i32, %arg1: memref<1000x128xf32, #tpu.memory_space<vmem>>, %arg2: memref<1000x128xf32, #tpu.memory_space<vmem>>, %arg3: memref<1000x128xf32, #tpu.memory_space<vmem>>, %arg4: memref<1000x128xf32, #tpu.memory_space<vmem>>, %arg5: memref<1000x128xf32, #tpu.memory_space<vmem>>, %arg6: memref<1000x128xf32, #tpu.memory_space<vmem>>, %arg7: memref<1000x128xf32, #tpu.memory_space<vmem>>, %arg8: memref<1000x128xf32, #tpu.memory_space<vmem>>, %arg9: memref<1000x128xf32, #tpu.memory_space<vmem>>, %arg10: memref<1000x128xf32, #tpu.memory_space<vmem>>, %arg11: memref<1000x128xf32, #tpu.memory_space<vmem>>, %arg12: memref<1000x128xf32, #tpu.memory_space<vmem>>, %arg13: memref<1000x128xf32, #tpu.memory_space<vmem>>, %arg14: memref<1000x128xf32, #tpu.memory_space<vmem>>, %arg15: memref<1000x128xf32, #tpu.memory_space<vmem>>, %arg16: memref<1000x128xf32, #tpu.memory_space<vmem>>, %arg17: memref<1000x128xf32, #tpu.memory_space<vmem>>, %arg18: memref<2048x128xf32, #tpu.memory_space<vmem>>, %arg19: memref<128x128xf32, #tpu.memory_space<vmem>>, %arg20: memref<1x128xf32, #tpu.memory_space<vmem>>, %arg21: memref<1x128xf32, #tpu.memory_space<vmem>>, %arg22: memref<1000x128xf32, #tpu.memory_space<vmem>>, %arg23: memref<1000x128xf32, #tpu.memory_space<vmem>>, %arg24: memref<1x4x128xf32, #tpu.memory_space<vmem>>) attributes {dimension_semantics = [#tpu.dimension_semantics<arbitrary>], iteration_bounds = array<i64: 25>, scalar_prefetch = 0 : i64, scratch_operands = 0 : i64, tpu.core_type = #tpu.core_type<tc>, window_params = [{transform_indices = @transform_0, window_bounds = array<i64: 1000, 128>}, {transform_indices = @transform_1, window_bounds = array<i64: 1000, 128>}, {transform_indices = @transform_2, window_bounds = array<i64: 1000, 128>}, {transform_indices = @transform_3, window_bounds = array<i64: 1000, 128>}, {transform_indices = @transform_4, window_bounds = array<i64: 1000, 128>}, {transform_indices = @transform_5, window_bounds = array<i64: 1000, 128>}, {transform_indices = @transform_6, window_bounds = array<i64: 1000, 128>}, {transform_indices = @transform_7, window_bounds = array<i64: 1000, 128>}, {transform_indices = @transform_8, window_bounds = array<i64: 1000, 128>}, {transform_indices = @transform_9, window_bounds = array<i64: 1000, 128>}, {transform_indices = @transform_10, window_bounds = array<i64: 1000, 128>}, {transform_indices = @transform_11, window_bounds = array<i64: 1000, 128>}, {transform_indices = @transform_12, window_bounds = array<i64: 1000, 128>}, {transform_indices = @transform_13, window_bounds = array<i64: 1000, 128>}, {transform_indices = @transform_14, window_bounds = array<i64: 1000, 128>}, {transform_indices = @transform_15, window_bounds = array<i64: 1000, 128>}, {transform_indices = @transform_16, window_bounds = array<i64: 1000, 128>}, {pipeline_mode = #tpu.pipeline_mode<synchronous>, transform_indices = @transform_17, window_bounds = array<i64: 2048, 128>}, {pipeline_mode = #tpu.pipeline_mode<synchronous>, transform_indices = @transform_18, window_bounds = array<i64: 128, 128>}, {pipeline_mode = #tpu.pipeline_mode<synchronous>, transform_indices = @transform_19, window_bounds = array<i64: 1, 128>}, {pipeline_mode = #tpu.pipeline_mode<synchronous>, transform_indices = @transform_20, window_bounds = array<i64: 1, 128>}, {transform_indices = @transform_21, window_bounds = array<i64: 1000, 128>}, {transform_indices = @transform_22, window_bounds = array<i64: 1000, 128>}, {transform_indices = @transform_23, window_bounds = array<i64: 1, 4, 128>}]} {
    %get3A = arith.constant 0 : index
    %get3A_0 = arith.constant 0 : index
    %get3A_1 = vector.load %arg18[%get3A, %get3A_0] : memref<2048x128xf32, #tpu.memory_space<vmem>>, vector<2048x128xf32>
    %get3A_2 = arith.constant 0 : index
    %get3A_3 = arith.constant 0 : index
    %get3A_4 = vector.load %arg20[%get3A_2, %get3A_3] : memref<1x128xf32, #tpu.memory_space<vmem>>, vector<1x128xf32>
    %broadcast_in_dim3A = arith.constant 0.000000e+00 : f32
    %broadcast_in_dim3A_5 = vector.broadcast %broadcast_in_dim3A : f32 to vector<1000x128xf32>
    %add3A = vector.broadcast %get3A_4 : vector<1x128xf32> to vector<1000x128xf32>
    %add3A_6 = arith.addf %add3A, %broadcast_in_dim3A_5 : vector<1000x128xf32>
    %get3A_7 = arith.constant 0 : index
    %get3A_8 = arith.constant 0 : index
    %get3A_9 = vector.load %arg1[%get3A_7, %get3A_8] : memref<1000x128xf32, #tpu.memory_space<vmem>>, vector<1000x128xf32>
    %slice3A = vector.extract_strided_slice %get3A_1 {offsets = [0, 0], sizes = [128, 128], strides = [1, 1]} : vector<2048x128xf32> to vector<128x128xf32>
    %dot_general3A = arith.constant dense<0.000000e+00> : vector<1000x128xf32>
    %dot_general3A_10 = tpu.matmul %get3A_9, %slice3A, %dot_general3A {dimension_numbers = #tpu.dot_dimension_numbers<[1], [0], [0], [1], [0, 0, 1, 1], [], []>, transpose_lhs_hint = false} : vector<1000x128xf32>, vector<128x128xf32>, vector<1000x128xf32> -> vector<1000x128xf32>
    %add3A_11 = arith.addf %add3A_6, %dot_general3A_10 : vector<1000x128xf32>
    %get3A_12 = arith.constant 0 : index
    %get3A_13 = arith.constant 0 : index
    %get3A_14 = vector.load %arg2[%get3A_12, %get3A_13] : memref<1000x128xf32, #tpu.memory_space<vmem>>, vector<1000x128xf32>
    %slice3A_15 = vector.extract_strided_slice %get3A_1 {offsets = [128, 0], sizes = [128, 128], strides = [1, 1]} : vector<2048x128xf32> to vector<128x128xf32>
    %dot_general3A_16 = arith.constant dense<0.000000e+00> : vector<1000x128xf32>
    %dot_general3A_17 = tpu.matmul %get3A_14, %slice3A_15, %dot_general3A_16 {dimension_numbers = #tpu.dot_dimension_numbers<[1], [0], [0], [1], [0, 0, 1, 1], [], []>, transpose_lhs_hint = false} : vector<1000x128xf32>, vector<128x128xf32>, vector<1000x128xf32> -> vector<1000x128xf32>
    %add3A_18 = arith.addf %add3A_11, %dot_general3A_17 : vector<1000x128xf32>
    %get3A_19 = arith.constant 0 : index
    %get3A_20 = arith.constant 0 : index
    %get3A_21 = vector.load %arg3[%get3A_19, %get3A_20] : memref<1000x128xf32, #tpu.memory_space<vmem>>, vector<1000x128xf32>
    %slice3A_22 = vector.extract_strided_slice %get3A_1 {offsets = [256, 0], sizes = [128, 128], strides = [1, 1]} : vector<2048x128xf32> to vector<128x128xf32>
    %dot_general3A_23 = arith.constant dense<0.000000e+00> : vector<1000x128xf32>
    %dot_general3A_24 = tpu.matmul %get3A_21, %slice3A_22, %dot_general3A_23 {dimension_numbers = #tpu.dot_dimension_numbers<[1], [0], [0], [1], [0, 0, 1, 1], [], []>, transpose_lhs_hint = false} : vector<1000x128xf32>, vector<128x128xf32>, vector<1000x128xf32> -> vector<1000x128xf32>
    %add3A_25 = arith.addf %add3A_18, %dot_general3A_24 : vector<1000x128xf32>
    %get3A_26 = arith.constant 0 : index
    %get3A_27 = arith.constant 0 : index
    %get3A_28 = vector.load %arg4[%get3A_26, %get3A_27] : memref<1000x128xf32, #tpu.memory_space<vmem>>, vector<1000x128xf32>
    %slice3A_29 = vector.extract_strided_slice %get3A_1 {offsets = [384, 0], sizes = [128, 128], strides = [1, 1]} : vector<2048x128xf32> to vector<128x128xf32>
    %dot_general3A_30 = arith.constant dense<0.000000e+00> : vector<1000x128xf32>
    %dot_general3A_31 = tpu.matmul %get3A_28, %slice3A_29, %dot_general3A_30 {dimension_numbers = #tpu.dot_dimension_numbers<[1], [0], [0], [1], [0, 0, 1, 1], [], []>, transpose_lhs_hint = false} : vector<1000x128xf32>, vector<128x128xf32>, vector<1000x128xf32> -> vector<1000x128xf32>
    %add3A_32 = arith.addf %add3A_25, %dot_general3A_31 : vector<1000x128xf32>
    %get3A_33 = arith.constant 0 : index
    %get3A_34 = arith.constant 0 : index
    %get3A_35 = vector.load %arg5[%get3A_33, %get3A_34] : memref<1000x128xf32, #tpu.memory_space<vmem>>, vector<1000x128xf32>
    %slice3A_36 = vector.extract_strided_slice %get3A_1 {offsets = [512, 0], sizes = [128, 128], strides = [1, 1]} : vector<2048x128xf32> to vector<128x128xf32>
    %dot_general3A_37 = arith.constant dense<0.000000e+00> : vector<1000x128xf32>
    %dot_general3A_38 = tpu.matmul %get3A_35, %slice3A_36, %dot_general3A_37 {dimension_numbers = #tpu.dot_dimension_numbers<[1], [0], [0], [1], [0, 0, 1, 1], [], []>, transpose_lhs_hint = false} : vector<1000x128xf32>, vector<128x128xf32>, vector<1000x128xf32> -> vector<1000x128xf32>
    %add3A_39 = arith.addf %add3A_32, %dot_general3A_38 : vector<1000x128xf32>
    %get3A_40 = arith.constant 0 : index
    %get3A_41 = arith.constant 0 : index
    %get3A_42 = vector.load %arg6[%get3A_40, %get3A_41] : memref<1000x128xf32, #tpu.memory_space<vmem>>, vector<1000x128xf32>
    %slice3A_43 = vector.extract_strided_slice %get3A_1 {offsets = [640, 0], sizes = [128, 128], strides = [1, 1]} : vector<2048x128xf32> to vector<128x128xf32>
    %dot_general3A_44 = arith.constant dense<0.000000e+00> : vector<1000x128xf32>
    %dot_general3A_45 = tpu.matmul %get3A_42, %slice3A_43, %dot_general3A_44 {dimension_numbers = #tpu.dot_dimension_numbers<[1], [0], [0], [1], [0, 0, 1, 1], [], []>, transpose_lhs_hint = false} : vector<1000x128xf32>, vector<128x128xf32>, vector<1000x128xf32> -> vector<1000x128xf32>
    %add3A_46 = arith.addf %add3A_39, %dot_general3A_45 : vector<1000x128xf32>
    %get3A_47 = arith.constant 0 : index
    %get3A_48 = arith.constant 0 : index
    %get3A_49 = vector.load %arg7[%get3A_47, %get3A_48] : memref<1000x128xf32, #tpu.memory_space<vmem>>, vector<1000x128xf32>
    %slice3A_50 = vector.extract_strided_slice %get3A_1 {offsets = [768, 0], sizes = [128, 128], strides = [1, 1]} : vector<2048x128xf32> to vector<128x128xf32>
    %dot_general3A_51 = arith.constant dense<0.000000e+00> : vector<1000x128xf32>
    %dot_general3A_52 = tpu.matmul %get3A_49, %slice3A_50, %dot_general3A_51 {dimension_numbers = #tpu.dot_dimension_numbers<[1], [0], [0], [1], [0, 0, 1, 1], [], []>, transpose_lhs_hint = false} : vector<1000x128xf32>, vector<128x128xf32>, vector<1000x128xf32> -> vector<1000x128xf32>
    %add3A_53 = arith.addf %add3A_46, %dot_general3A_52 : vector<1000x128xf32>
    %get3A_54 = arith.constant 0 : index
    %get3A_55 = arith.constant 0 : index
    %get3A_56 = vector.load %arg8[%get3A_54, %get3A_55] : memref<1000x128xf32, #tpu.memory_space<vmem>>, vector<1000x128xf32>
    %slice3A_57 = vector.extract_strided_slice %get3A_1 {offsets = [896, 0], sizes = [128, 128], strides = [1, 1]} : vector<2048x128xf32> to vector<128x128xf32>
    %dot_general3A_58 = arith.constant dense<0.000000e+00> : vector<1000x128xf32>
    %dot_general3A_59 = tpu.matmul %get3A_56, %slice3A_57, %dot_general3A_58 {dimension_numbers = #tpu.dot_dimension_numbers<[1], [0], [0], [1], [0, 0, 1, 1], [], []>, transpose_lhs_hint = false} : vector<1000x128xf32>, vector<128x128xf32>, vector<1000x128xf32> -> vector<1000x128xf32>
    %add3A_60 = arith.addf %add3A_53, %dot_general3A_59 : vector<1000x128xf32>
    %get3A_61 = arith.constant 0 : index
    %get3A_62 = arith.constant 0 : index
    %get3A_63 = vector.load %arg9[%get3A_61, %get3A_62] : memref<1000x128xf32, #tpu.memory_space<vmem>>, vector<1000x128xf32>
    %slice3A_64 = vector.extract_strided_slice %get3A_1 {offsets = [1024, 0], sizes = [128, 128], strides = [1, 1]} : vector<2048x128xf32> to vector<128x128xf32>
    %dot_general3A_65 = arith.constant dense<0.000000e+00> : vector<1000x128xf32>
    %dot_general3A_66 = tpu.matmul %get3A_63, %slice3A_64, %dot_general3A_65 {dimension_numbers = #tpu.dot_dimension_numbers<[1], [0], [0], [1], [0, 0, 1, 1], [], []>, transpose_lhs_hint = false} : vector<1000x128xf32>, vector<128x128xf32>, vector<1000x128xf32> -> vector<1000x128xf32>
    %add3A_67 = arith.addf %add3A_60, %dot_general3A_66 : vector<1000x128xf32>
    %get3A_68 = arith.constant 0 : index
    %get3A_69 = arith.constant 0 : index
    %get3A_70 = vector.load %arg10[%get3A_68, %get3A_69] : memref<1000x128xf32, #tpu.memory_space<vmem>>, vector<1000x128xf32>
    %slice3A_71 = vector.extract_strided_slice %get3A_1 {offsets = [1152, 0], sizes = [128, 128], strides = [1, 1]} : vector<2048x128xf32> to vector<128x128xf32>
    %dot_general3A_72 = arith.constant dense<0.000000e+00> : vector<1000x128xf32>
    %dot_general3A_73 = tpu.matmul %get3A_70, %slice3A_71, %dot_general3A_72 {dimension_numbers = #tpu.dot_dimension_numbers<[1], [0], [0], [1], [0, 0, 1, 1], [], []>, transpose_lhs_hint = false} : vector<1000x128xf32>, vector<128x128xf32>, vector<1000x128xf32> -> vector<1000x128xf32>
    %add3A_74 = arith.addf %add3A_67, %dot_general3A_73 : vector<1000x128xf32>
    %get3A_75 = arith.constant 0 : index
    %get3A_76 = arith.constant 0 : index
    %get3A_77 = vector.load %arg11[%get3A_75, %get3A_76] : memref<1000x128xf32, #tpu.memory_space<vmem>>, vector<1000x128xf32>
    %slice3A_78 = vector.extract_strided_slice %get3A_1 {offsets = [1280, 0], sizes = [128, 128], strides = [1, 1]} : vector<2048x128xf32> to vector<128x128xf32>
    %dot_general3A_79 = arith.constant dense<0.000000e+00> : vector<1000x128xf32>
    %dot_general3A_80 = tpu.matmul %get3A_77, %slice3A_78, %dot_general3A_79 {dimension_numbers = #tpu.dot_dimension_numbers<[1], [0], [0], [1], [0, 0, 1, 1], [], []>, transpose_lhs_hint = false} : vector<1000x128xf32>, vector<128x128xf32>, vector<1000x128xf32> -> vector<1000x128xf32>
    %add3A_81 = arith.addf %add3A_74, %dot_general3A_80 : vector<1000x128xf32>
    %get3A_82 = arith.constant 0 : index
    %get3A_83 = arith.constant 0 : index
    %get3A_84 = vector.load %arg12[%get3A_82, %get3A_83] : memref<1000x128xf32, #tpu.memory_space<vmem>>, vector<1000x128xf32>
    %slice3A_85 = vector.extract_strided_slice %get3A_1 {offsets = [1408, 0], sizes = [128, 128], strides = [1, 1]} : vector<2048x128xf32> to vector<128x128xf32>
    %dot_general3A_86 = arith.constant dense<0.000000e+00> : vector<1000x128xf32>
    %dot_general3A_87 = tpu.matmul %get3A_84, %slice3A_85, %dot_general3A_86 {dimension_numbers = #tpu.dot_dimension_numbers<[1], [0], [0], [1], [0, 0, 1, 1], [], []>, transpose_lhs_hint = false} : vector<1000x128xf32>, vector<128x128xf32>, vector<1000x128xf32> -> vector<1000x128xf32>
    %add3A_88 = arith.addf %add3A_81, %dot_general3A_87 : vector<1000x128xf32>
    %get3A_89 = arith.constant 0 : index
    %get3A_90 = arith.constant 0 : index
    %get3A_91 = vector.load %arg13[%get3A_89, %get3A_90] : memref<1000x128xf32, #tpu.memory_space<vmem>>, vector<1000x128xf32>
    %slice3A_92 = vector.extract_strided_slice %get3A_1 {offsets = [1536, 0], sizes = [128, 128], strides = [1, 1]} : vector<2048x128xf32> to vector<128x128xf32>
    %dot_general3A_93 = arith.constant dense<0.000000e+00> : vector<1000x128xf32>
    %dot_general3A_94 = tpu.matmul %get3A_91, %slice3A_92, %dot_general3A_93 {dimension_numbers = #tpu.dot_dimension_numbers<[1], [0], [0], [1], [0, 0, 1, 1], [], []>, transpose_lhs_hint = false} : vector<1000x128xf32>, vector<128x128xf32>, vector<1000x128xf32> -> vector<1000x128xf32>
    %add3A_95 = arith.addf %add3A_88, %dot_general3A_94 : vector<1000x128xf32>
    %get3A_96 = arith.constant 0 : index
    %get3A_97 = arith.constant 0 : index
    %get3A_98 = vector.load %arg14[%get3A_96, %get3A_97] : memref<1000x128xf32, #tpu.memory_space<vmem>>, vector<1000x128xf32>
    %slice3A_99 = vector.extract_strided_slice %get3A_1 {offsets = [1664, 0], sizes = [128, 128], strides = [1, 1]} : vector<2048x128xf32> to vector<128x128xf32>
    %dot_general3A_100 = arith.constant dense<0.000000e+00> : vector<1000x128xf32>
    %dot_general3A_101 = tpu.matmul %get3A_98, %slice3A_99, %dot_general3A_100 {dimension_numbers = #tpu.dot_dimension_numbers<[1], [0], [0], [1], [0, 0, 1, 1], [], []>, transpose_lhs_hint = false} : vector<1000x128xf32>, vector<128x128xf32>, vector<1000x128xf32> -> vector<1000x128xf32>
    %add3A_102 = arith.addf %add3A_95, %dot_general3A_101 : vector<1000x128xf32>
    %get3A_103 = arith.constant 0 : index
    %get3A_104 = arith.constant 0 : index
    %get3A_105 = vector.load %arg15[%get3A_103, %get3A_104] : memref<1000x128xf32, #tpu.memory_space<vmem>>, vector<1000x128xf32>
    %slice3A_106 = vector.extract_strided_slice %get3A_1 {offsets = [1792, 0], sizes = [128, 128], strides = [1, 1]} : vector<2048x128xf32> to vector<128x128xf32>
    %dot_general3A_107 = arith.constant dense<0.000000e+00> : vector<1000x128xf32>
    %dot_general3A_108 = tpu.matmul %get3A_105, %slice3A_106, %dot_general3A_107 {dimension_numbers = #tpu.dot_dimension_numbers<[1], [0], [0], [1], [0, 0, 1, 1], [], []>, transpose_lhs_hint = false} : vector<1000x128xf32>, vector<128x128xf32>, vector<1000x128xf32> -> vector<1000x128xf32>
    %add3A_109 = arith.addf %add3A_102, %dot_general3A_108 : vector<1000x128xf32>
    %get3A_110 = arith.constant 0 : index
    %get3A_111 = arith.constant 0 : index
    %get3A_112 = vector.load %arg16[%get3A_110, %get3A_111] : memref<1000x128xf32, #tpu.memory_space<vmem>>, vector<1000x128xf32>
    %slice3A_113 = vector.extract_strided_slice %get3A_1 {offsets = [1920, 0], sizes = [128, 128], strides = [1, 1]} : vector<2048x128xf32> to vector<128x128xf32>
    %dot_general3A_114 = arith.constant dense<0.000000e+00> : vector<1000x128xf32>
    %dot_general3A_115 = tpu.matmul %get3A_112, %slice3A_113, %dot_general3A_114 {dimension_numbers = #tpu.dot_dimension_numbers<[1], [0], [0], [1], [0, 0, 1, 1], [], []>, transpose_lhs_hint = false} : vector<1000x128xf32>, vector<128x128xf32>, vector<1000x128xf32> -> vector<1000x128xf32>
    %add3A_116 = arith.addf %add3A_109, %dot_general3A_115 : vector<1000x128xf32>
    %get3A_117 = arith.constant 0 : index
    %get3A_118 = arith.constant 0 : index
    %get3A_119 = vector.load %arg17[%get3A_117, %get3A_118] : memref<1000x128xf32, #tpu.memory_space<vmem>>, vector<1000x128xf32>
    %get3A_120 = arith.constant 0 : index
    %get3A_121 = arith.constant 0 : index
    %get3A_122 = vector.load %arg19[%get3A_120, %get3A_121] : memref<128x128xf32, #tpu.memory_space<vmem>>, vector<128x128xf32>
    %dot_general3A_123 = arith.constant dense<0.000000e+00> : vector<1000x128xf32>
    %dot_general3A_124 = tpu.matmul %get3A_119, %get3A_122, %dot_general3A_123 {dimension_numbers = #tpu.dot_dimension_numbers<[1], [0], [0], [1], [0, 0, 1, 1], [], []>, transpose_lhs_hint = false} : vector<1000x128xf32>, vector<128x128xf32>, vector<1000x128xf32> -> vector<1000x128xf32>
    %get3A_125 = arith.constant 0 : index
    %get3A_126 = arith.constant 0 : index
    %get3A_127 = vector.load %arg21[%get3A_125, %get3A_126] : memref<1x128xf32, #tpu.memory_space<vmem>>, vector<1x128xf32>
    %add3A_128 = vector.broadcast %get3A_127 : vector<1x128xf32> to vector<1000x128xf32>
    %add3A_129 = arith.addf %dot_general3A_124, %add3A_128 : vector<1000x128xf32>
    %swap3A = arith.constant 0 : index
    %swap3A_130 = arith.constant 0 : index
    %swap3A_131 = vector.load %arg22[%swap3A, %swap3A_130] : memref<1000x128xf32, #tpu.memory_space<vmem>>, vector<1000x128xf32>
    tpu.vector_store %arg22[%swap3A, %swap3A_130], %add3A_116 {strides = array<i32>} : memref<1000x128xf32, #tpu.memory_space<vmem>>, vector<1000x128xf32>,
    %swap3A_132 = arith.constant 0 : index
    %swap3A_133 = arith.constant 0 : index
    %swap3A_134 = vector.load %arg23[%swap3A_132, %swap3A_133] : memref<1000x128xf32, #tpu.memory_space<vmem>>, vector<1000x128xf32>
    tpu.vector_store %arg23[%swap3A_132, %swap3A_133], %add3A_129 {strides = array<i32>} : memref<1000x128xf32, #tpu.memory_space<vmem>>, vector<1000x128xf32>,
    %reduce_sum3A = arith.constant dense<0.000000e+00> : vector<128xf32>
    %reduce_sum3A_135 = vector.multi_reduction <add>, %add3A_116, %reduce_sum3A [0] : vector<1000x128xf32> to vector<128xf32>
    %swap3A_136 = arith.constant 0 : index
    %swap3A_137 = arith.constant 0 : index
    %swap3A_138 = arith.constant 0 : index
    %swap3A_139 = vector.load %arg24[%swap3A_136, %swap3A_137, %swap3A_138] : memref<1x4x128xf32, #tpu.memory_space<vmem>>, vector<1x1x128xf32>
    %swap3A_140 = vector.shape_cast %swap3A_139 : vector<1x1x128xf32> to vector<128xf32>
    %swap3A_141 = vector.shape_cast %reduce_sum3A_135 : vector<128xf32> to vector<1x1x128xf32>
    tpu.vector_store %arg24[%swap3A_136, %swap3A_137, %swap3A_138], %swap3A_141 {strides = array<i32>} : memref<1x4x128xf32, #tpu.memory_space<vmem>>, vector<1x1x128xf32>,
    %mul3A = arith.mulf %add3A_116, %add3A_116 : vector<1000x128xf32>
    %reduce_sum3A_142 = arith.constant dense<0.000000e+00> : vector<128xf32>
    %reduce_sum3A_143 = vector.multi_reduction <add>, %mul3A, %reduce_sum3A_142 [0] : vector<1000x128xf32> to vector<128xf32>
    %swap3A_144 = arith.constant 0 : index
    %swap3A_145 = arith.constant 1 : index
    %swap3A_146 = arith.constant 0 : index
    %swap3A_147 = vector.load %arg24[%swap3A_144, %swap3A_145, %swap3A_146] : memref<1x4x128xf32, #tpu.memory_space<vmem>>, vector<1x1x128xf32>
    %swap3A_148 = vector.shape_cast %swap3A_147 : vector<1x1x128xf32> to vector<128xf32>
    %swap3A_149 = vector.shape_cast %reduce_sum3A_143 : vector<128xf32> to vector<1x1x128xf32>
    tpu.vector_store %arg24[%swap3A_144, %swap3A_145, %swap3A_146], %swap3A_149 {strides = array<i32>} : memref<1x4x128xf32, #tpu.memory_space<vmem>>, vector<1x1x128xf32>,
    %reduce_sum3A_150 = arith.constant dense<0.000000e+00> : vector<128xf32>
    %reduce_sum3A_151 = vector.multi_reduction <add>, %add3A_129, %reduce_sum3A_150 [0] : vector<1000x128xf32> to vector<128xf32>
    %swap3A_152 = arith.constant 0 : index
    %swap3A_153 = arith.constant 2 : index
    %swap3A_154 = arith.constant 0 : index
    %swap3A_155 = vector.load %arg24[%swap3A_152, %swap3A_153, %swap3A_154] : memref<1x4x128xf32, #tpu.memory_space<vmem>>, vector<1x1x128xf32>
    %swap3A_156 = vector.shape_cast %swap3A_155 : vector<1x1x128xf32> to vector<128xf32>
    %swap3A_157 = vector.shape_cast %reduce_sum3A_151 : vector<128xf32> to vector<1x1x128xf32>
    tpu.vector_store %arg24[%swap3A_152, %swap3A_153, %swap3A_154], %swap3A_157 {strides = array<i32>} : memref<1x4x128xf32, #tpu.memory_space<vmem>>, vector<1x1x128xf32>,
    %mul3A_158 = arith.mulf %add3A_129, %add3A_129 : vector<1000x128xf32>
    %reduce_sum3A_159 = arith.constant dense<0.000000e+00> : vector<128xf32>
    %reduce_sum3A_160 = vector.multi_reduction <add>, %mul3A_158, %reduce_sum3A_159 [0] : vector<1000x128xf32> to vector<128xf32>
    %swap3A_161 = arith.constant 0 : index
    %swap3A_162 = arith.constant 3 : index
    %swap3A_163 = arith.constant 0 : index
    %swap3A_164 = vector.load %arg24[%swap3A_161, %swap3A_162, %swap3A_163] : memref<1x4x128xf32, #tpu.memory_space<vmem>>, vector<1x1x128xf32>
    %swap3A_165 = vector.shape_cast %swap3A_164 : vector<1x1x128xf32> to vector<128xf32>
    %swap3A_166 = vector.shape_cast %reduce_sum3A_160 : vector<128xf32> to vector<1x1x128xf32>
    tpu.vector_store %arg24[%swap3A_161, %swap3A_162, %swap3A_163], %swap3A_166 {strides = array<i32>} : memref<1x4x128xf32, #tpu.memory_space<vmem>>, vector<1x1x128xf32>,
    return
  }
  func.func @transform_0(%arg0: i32) -> (i32, i32) {
    %add3A = arith.constant 0 : i32
    %add3A_0 = arith.addi %add3A, %arg0 : i32
    %c0_i32 = arith.constant 0 : i32
    %c0_i32_1 = arith.constant 0 : i32
    return %add3A_0, %c0_i32 : i32, i32
  }
  func.func @transform_1(%arg0: i32) -> (i32, i32) {
    %add3A = arith.constant 25 : i32
    %add3A_0 = arith.addi %add3A, %arg0 : i32
    %c0_i32 = arith.constant 0 : i32
    %c0_i32_1 = arith.constant 0 : i32
    return %add3A_0, %c0_i32 : i32, i32
  }
  func.func @transform_2(%arg0: i32) -> (i32, i32) {
    %add3A = arith.constant 50 : i32
    %add3A_0 = arith.addi %add3A, %arg0 : i32
    %c0_i32 = arith.constant 0 : i32
    %c0_i32_1 = arith.constant 0 : i32
    return %add3A_0, %c0_i32 : i32, i32
  }
  func.func @transform_3(%arg0: i32) -> (i32, i32) {
    %add3A = arith.constant 75 : i32
    %add3A_0 = arith.addi %add3A, %arg0 : i32
    %c0_i32 = arith.constant 0 : i32
    %c0_i32_1 = arith.constant 0 : i32
    return %add3A_0, %c0_i32 : i32, i32
  }
  func.func @transform_4(%arg0: i32) -> (i32, i32) {
    %add3A = arith.constant 100 : i32
    %add3A_0 = arith.addi %add3A, %arg0 : i32
    %c0_i32 = arith.constant 0 : i32
    %c0_i32_1 = arith.constant 0 : i32
    return %add3A_0, %c0_i32 : i32, i32
  }
  func.func @transform_5(%arg0: i32) -> (i32, i32) {
    %add3A = arith.constant 125 : i32
    %add3A_0 = arith.addi %add3A, %arg0 : i32
    %c0_i32 = arith.constant 0 : i32
    %c0_i32_1 = arith.constant 0 : i32
    return %add3A_0, %c0_i32 : i32, i32
  }
  func.func @transform_6(%arg0: i32) -> (i32, i32) {
    %add3A = arith.constant 150 : i32
    %add3A_0 = arith.addi %add3A, %arg0 : i32
    %c0_i32 = arith.constant 0 : i32
    %c0_i32_1 = arith.constant 0 : i32
    return %add3A_0, %c0_i32 : i32, i32
  }
  func.func @transform_7(%arg0: i32) -> (i32, i32) {
    %add3A = arith.constant 175 : i32
    %add3A_0 = arith.addi %add3A, %arg0 : i32
    %c0_i32 = arith.constant 0 : i32
    %c0_i32_1 = arith.constant 0 : i32
    return %add3A_0, %c0_i32 : i32, i32
  }
  func.func @transform_8(%arg0: i32) -> (i32, i32) {
    %add3A = arith.constant 200 : i32
    %add3A_0 = arith.addi %add3A, %arg0 : i32
    %c0_i32 = arith.constant 0 : i32
    %c0_i32_1 = arith.constant 0 : i32
    return %add3A_0, %c0_i32 : i32, i32
  }
  func.func @transform_9(%arg0: i32) -> (i32, i32) {
    %add3A = arith.constant 225 : i32
    %add3A_0 = arith.addi %add3A, %arg0 : i32
    %c0_i32 = arith.constant 0 : i32
    %c0_i32_1 = arith.constant 0 : i32
    return %add3A_0, %c0_i32 : i32, i32
  }
  func.func @transform_10(%arg0: i32) -> (i32, i32) {
    %add3A = arith.constant 250 : i32
    %add3A_0 = arith.addi %add3A, %arg0 : i32
    %c0_i32 = arith.constant 0 : i32
    %c0_i32_1 = arith.constant 0 : i32
    return %add3A_0, %c0_i32 : i32, i32
  }
  func.func @transform_11(%arg0: i32) -> (i32, i32) {
    %add3A = arith.constant 275 : i32
    %add3A_0 = arith.addi %add3A, %arg0 : i32
    %c0_i32 = arith.constant 0 : i32
    %c0_i32_1 = arith.constant 0 : i32
    return %add3A_0, %c0_i32 : i32, i32
  }
  func.func @transform_12(%arg0: i32) -> (i32, i32) {
    %add3A = arith.constant 300 : i32
    %add3A_0 = arith.addi %add3A, %arg0 : i32
    %c0_i32 = arith.constant 0 : i32
    %c0_i32_1 = arith.constant 0 : i32
    return %add3A_0, %c0_i32 : i32, i32
  }
  func.func @transform_13(%arg0: i32) -> (i32, i32) {
    %add3A = arith.constant 325 : i32
    %add3A_0 = arith.addi %add3A, %arg0 : i32
    %c0_i32 = arith.constant 0 : i32
    %c0_i32_1 = arith.constant 0 : i32
    return %add3A_0, %c0_i32 : i32, i32
  }
  func.func @transform_14(%arg0: i32) -> (i32, i32) {
    %add3A = arith.constant 350 : i32
    %add3A_0 = arith.addi %add3A, %arg0 : i32
    %c0_i32 = arith.constant 0 : i32
    %c0_i32_1 = arith.constant 0 : i32
    return %add3A_0, %c0_i32 : i32, i32
  }
  func.func @transform_15(%arg0: i32) -> (i32, i32) {
    %add3A = arith.constant 375 : i32
    %add3A_0 = arith.addi %add3A, %arg0 : i32
    %c0_i32 = arith.constant 0 : i32
    %c0_i32_1 = arith.constant 0 : i32
    return %add3A_0, %c0_i32 : i32, i32
  }
  func.func @transform_16(%arg0: i32) -> (i32, i32) {
    %c0_i32 = arith.constant 0 : i32
    %c0_i32_0 = arith.constant 0 : i32
    return %arg0, %c0_i32 : i32, i32
  }
  func.func @transform_17(%arg0: i32) -> (i32, i32) {
    %c0_i32 = arith.constant 0 : i32
    %c0_i32_0 = arith.constant 0 : i32
    %c0_i32_1 = arith.constant 0 : i32
    return %c0_i32, %c0_i32_0 : i32, i32
  }
  func.func @transform_18(%arg0: i32) -> (i32, i32) {
    %c0_i32 = arith.constant 0 : i32
    %c0_i32_0 = arith.constant 0 : i32
    %c0_i32_1 = arith.constant 0 : i32
    return %c0_i32, %c0_i32_0 : i32, i32
  }
  func.func @transform_19(%arg0: i32) -> (i32, i32) {
    %c0_i32 = arith.constant 0 : i32
    %c0_i32_0 = arith.constant 0 : i32
    %c0_i32_1 = arith.constant 0 : i32
    return %c0_i32, %c0_i32_0 : i32, i32
  }
  func.func @transform_20(%arg0: i32) -> (i32, i32) {
    %c0_i32 = arith.constant 0 : i32
    %c0_i32_0 = arith.constant 0 : i32
    %c0_i32_1 = arith.constant 0 : i32
    return %c0_i32, %c0_i32_0 : i32, i32
  }
  func.func @transform_21(%arg0: i32) -> (i32, i32) {
    %c0_i32 = arith.constant 0 : i32
    %c0_i32_0 = arith.constant 0 : i32
    return %arg0, %c0_i32 : i32, i32
  }
  func.func @transform_22(%arg0: i32) -> (i32, i32) {
    %c0_i32 = arith.constant 0 : i32
    %c0_i32_0 = arith.constant 0 : i32
    return %arg0, %c0_i32 : i32, i32
  }
  func.func @transform_23(%arg0: i32) -> (i32, i32, i32) {
    %c0_i32 = arith.constant 0 : i32
    %c0_i32_0 = arith.constant 0 : i32
    %c0_i32_1 = arith.constant 0 : i32
    return %arg0, %c0_i32, %c0_i32_0 : i32, i32, i32
  }
}

module attributes {stable_mosaic.version = 14 : i64} {
  func.func @body(%arg0: i32, %arg1: memref<1000x128xf32, #tpu.memory_space<vmem>>, %arg2: memref<1000x128xf32, #tpu.memory_space<vmem>>, %arg3: memref<1000x128xf32, #tpu.memory_space<vmem>>, %arg4: memref<1000x128xf32, #tpu.memory_space<vmem>>, %arg5: memref<1000x128xf32, #tpu.memory_space<vmem>>, %arg6: memref<1000x128xf32, #tpu.memory_space<vmem>>, %arg7: memref<1000x128xf32, #tpu.memory_space<vmem>>, %arg8: memref<1000x128xf32, #tpu.memory_space<vmem>>, %arg9: memref<1000x128xf32, #tpu.memory_space<vmem>>, %arg10: memref<1000x128xf32, #tpu.memory_space<vmem>>, %arg11: memref<1000x128xf32, #tpu.memory_space<vmem>>, %arg12: memref<1000x128xf32, #tpu.memory_space<vmem>>, %arg13: memref<1000x128xf32, #tpu.memory_space<vmem>>, %arg14: memref<1000x128xf32, #tpu.memory_space<vmem>>, %arg15: memref<1000x128xf32, #tpu.memory_space<vmem>>, %arg16: memref<1000x128xf32, #tpu.memory_space<vmem>>, %arg17: memref<2048x128xf32, #tpu.memory_space<vmem>>, %arg18: memref<1x128xf32, #tpu.memory_space<vmem>>, %arg19: memref<25x4x128xf32, #tpu.memory_space<vmem>>, %arg20: memref<1x128xf32, #tpu.memory_space<vmem>>, %arg21: memref<1x128xf32, #tpu.memory_space<vmem>>, %arg22: memref<1000x128xf32, #tpu.memory_space<vmem>>, %arg23: memref<1x2x128xf32, #tpu.memory_space<vmem>>) attributes {dimension_semantics = [#tpu.dimension_semantics<arbitrary>], iteration_bounds = array<i64: 25>, scalar_prefetch = 0 : i64, scratch_operands = 0 : i64, tpu.core_type = #tpu.core_type<tc>, window_params = [{transform_indices = @transform_0, window_bounds = array<i64: 1000, 128>}, {transform_indices = @transform_1, window_bounds = array<i64: 1000, 128>}, {transform_indices = @transform_2, window_bounds = array<i64: 1000, 128>}, {transform_indices = @transform_3, window_bounds = array<i64: 1000, 128>}, {transform_indices = @transform_4, window_bounds = array<i64: 1000, 128>}, {transform_indices = @transform_5, window_bounds = array<i64: 1000, 128>}, {transform_indices = @transform_6, window_bounds = array<i64: 1000, 128>}, {transform_indices = @transform_7, window_bounds = array<i64: 1000, 128>}, {transform_indices = @transform_8, window_bounds = array<i64: 1000, 128>}, {transform_indices = @transform_9, window_bounds = array<i64: 1000, 128>}, {transform_indices = @transform_10, window_bounds = array<i64: 1000, 128>}, {transform_indices = @transform_11, window_bounds = array<i64: 1000, 128>}, {transform_indices = @transform_12, window_bounds = array<i64: 1000, 128>}, {transform_indices = @transform_13, window_bounds = array<i64: 1000, 128>}, {transform_indices = @transform_14, window_bounds = array<i64: 1000, 128>}, {transform_indices = @transform_15, window_bounds = array<i64: 1000, 128>}, {pipeline_mode = #tpu.pipeline_mode<synchronous>, transform_indices = @transform_16, window_bounds = array<i64: 2048, 128>}, {pipeline_mode = #tpu.pipeline_mode<synchronous>, transform_indices = @transform_17, window_bounds = array<i64: 1, 128>}, {pipeline_mode = #tpu.pipeline_mode<synchronous>, transform_indices = @transform_18, window_bounds = array<i64: 25, 4, 128>}, {pipeline_mode = #tpu.pipeline_mode<synchronous>, transform_indices = @transform_19, window_bounds = array<i64: 1, 128>}, {pipeline_mode = #tpu.pipeline_mode<synchronous>, transform_indices = @transform_20, window_bounds = array<i64: 1, 128>}, {transform_indices = @transform_21, window_bounds = array<i64: 1000, 128>}, {transform_indices = @transform_22, window_bounds = array<i64: 1, 2, 128>}]} {
    %get3A = arith.constant 0 : index
    %get3A_0 = arith.constant 0 : index
    %get3A_1 = vector.load %arg17[%get3A, %get3A_0] : memref<2048x128xf32, #tpu.memory_space<vmem>>, vector<2048x128xf32>
    %get3A_2 = arith.constant 0 : index
    %get3A_3 = arith.constant 0 : index
    %get3A_4 = arith.constant 0 : index
    %get3A_5 = vector.load %arg19[%get3A_2, %get3A_3, %get3A_4] : memref<25x4x128xf32, #tpu.memory_space<vmem>>, vector<25x4x128xf32>
    %get3A_6 = arith.constant 0 : index
    %get3A_7 = arith.constant 0 : index
    %get3A_8 = vector.load %arg20[%get3A_6, %get3A_7] : memref<1x128xf32, #tpu.memory_space<vmem>>, vector<1x128xf32>
    %get3A_9 = arith.constant 0 : index
    %get3A_10 = arith.constant 0 : index
    %get3A_11 = vector.load %arg21[%get3A_9, %get3A_10] : memref<1x128xf32, #tpu.memory_space<vmem>>, vector<1x128xf32>
    %slice3A = vector.extract_strided_slice %get3A_5 {offsets = [0, 0, 0], sizes = [25, 1, 128], strides = [1, 1, 1]} : vector<25x4x128xf32> to vector<25x1x128xf32>
    %squeeze3A = vector.shape_cast %slice3A : vector<25x1x128xf32> to vector<25x128xf32>
    %reduce_sum3A = arith.constant dense<0.000000e+00> : vector<128xf32>
    %reduce_sum3A_12 = vector.multi_reduction <add>, %squeeze3A, %reduce_sum3A [0] : vector<25x128xf32> to vector<128xf32>
    %broadcast_in_dim3A = vector.shape_cast %reduce_sum3A_12 : vector<128xf32> to vector<1x128xf32>
    %div3A = arith.constant 2.500000e+04 : f32
    %div3A_13 = vector.broadcast %div3A : f32 to vector<1x128xf32>
    %div3A_14 = arith.divf %broadcast_in_dim3A, %div3A_13 : vector<1x128xf32>
    %slice3A_15 = vector.extract_strided_slice %get3A_5 {offsets = [0, 1, 0], sizes = [25, 1, 128], strides = [1, 1, 1]} : vector<25x4x128xf32> to vector<25x1x128xf32>
    %squeeze3A_16 = vector.shape_cast %slice3A_15 : vector<25x1x128xf32> to vector<25x128xf32>
    %reduce_sum3A_17 = arith.constant dense<0.000000e+00> : vector<128xf32>
    %reduce_sum3A_18 = vector.multi_reduction <add>, %squeeze3A_16, %reduce_sum3A_17 [0] : vector<25x128xf32> to vector<128xf32>
    %broadcast_in_dim3A_19 = vector.shape_cast %reduce_sum3A_18 : vector<128xf32> to vector<1x128xf32>
    %div3A_20 = arith.constant 2.500000e+04 : f32
    %div3A_21 = vector.broadcast %div3A_20 : f32 to vector<1x128xf32>
    %div3A_22 = arith.divf %broadcast_in_dim3A_19, %div3A_21 : vector<1x128xf32>
    %mul3A = arith.mulf %div3A_14, %div3A_14 : vector<1x128xf32>
    %sub3A = arith.subf %div3A_22, %mul3A : vector<1x128xf32>
    %add3A = arith.constant 9.99999974E-6 : f32
    %add3A_23 = vector.broadcast %add3A : f32 to vector<1x128xf32>
    %add3A_24 = arith.addf %sub3A, %add3A_23 : vector<1x128xf32>
    %sqrt3A = math.sqrt %add3A_24 : vector<1x128xf32>
    %div3A_25 = arith.divf %get3A_8, %sqrt3A : vector<1x128xf32>
    %mul3A_26 = arith.mulf %div3A_14, %div3A_25 : vector<1x128xf32>
    %sub3A_27 = arith.subf %get3A_11, %mul3A_26 : vector<1x128xf32>
    %get3A_28 = arith.constant 0 : index
    %get3A_29 = arith.constant 0 : index
    %get3A_30 = vector.load %arg18[%get3A_28, %get3A_29] : memref<1x128xf32, #tpu.memory_space<vmem>>, vector<1x128xf32>
    %broadcast_in_dim3A_31 = arith.constant 0.000000e+00 : f32
    %broadcast_in_dim3A_32 = vector.broadcast %broadcast_in_dim3A_31 : f32 to vector<1000x128xf32>
    %add3A_33 = vector.broadcast %get3A_30 : vector<1x128xf32> to vector<1000x128xf32>
    %add3A_34 = arith.addf %add3A_33, %broadcast_in_dim3A_32 : vector<1000x128xf32>
    %get3A_35 = arith.constant 0 : index
    %get3A_36 = arith.constant 0 : index
    %get3A_37 = vector.load %arg1[%get3A_35, %get3A_36] : memref<1000x128xf32, #tpu.memory_space<vmem>>, vector<1000x128xf32>
    %mul3A_38 = vector.broadcast %div3A_25 : vector<1x128xf32> to vector<1000x128xf32>
    %mul3A_39 = arith.mulf %get3A_37, %mul3A_38 : vector<1000x128xf32>
    %add3A_40 = vector.broadcast %sub3A_27 : vector<1x128xf32> to vector<1000x128xf32>
    %add3A_41 = arith.addf %mul3A_39, %add3A_40 : vector<1000x128xf32>
    %max3A = arith.constant 0.000000e+00 : f32
    %max3A_42 = vector.broadcast %max3A : f32 to vector<1000x128xf32>
    %max3A_43 = arith.maximumf %add3A_41, %max3A_42 : vector<1000x128xf32>
    %slice3A_44 = vector.extract_strided_slice %get3A_1 {offsets = [0, 0], sizes = [128, 128], strides = [1, 1]} : vector<2048x128xf32> to vector<128x128xf32>
    %dot_general3A = arith.constant dense<0.000000e+00> : vector<1000x128xf32>
    %dot_general3A_45 = tpu.matmul %max3A_43, %slice3A_44, %dot_general3A {dimension_numbers = #tpu.dot_dimension_numbers<[1], [0], [0], [1], [0, 0, 1, 1], [], []>, transpose_lhs_hint = false} : vector<1000x128xf32>, vector<128x128xf32>, vector<1000x128xf32> -> vector<1000x128xf32>
    %add3A_46 = arith.addf %add3A_34, %dot_general3A_45 : vector<1000x128xf32>
    %get3A_47 = arith.constant 0 : index
    %get3A_48 = arith.constant 0 : index
    %get3A_49 = vector.load %arg2[%get3A_47, %get3A_48] : memref<1000x128xf32, #tpu.memory_space<vmem>>, vector<1000x128xf32>
    %mul3A_50 = vector.broadcast %div3A_25 : vector<1x128xf32> to vector<1000x128xf32>
    %mul3A_51 = arith.mulf %get3A_49, %mul3A_50 : vector<1000x128xf32>
    %add3A_52 = vector.broadcast %sub3A_27 : vector<1x128xf32> to vector<1000x128xf32>
    %add3A_53 = arith.addf %mul3A_51, %add3A_52 : vector<1000x128xf32>
    %max3A_54 = arith.constant 0.000000e+00 : f32
    %max3A_55 = vector.broadcast %max3A_54 : f32 to vector<1000x128xf32>
    %max3A_56 = arith.maximumf %add3A_53, %max3A_55 : vector<1000x128xf32>
    %slice3A_57 = vector.extract_strided_slice %get3A_1 {offsets = [128, 0], sizes = [128, 128], strides = [1, 1]} : vector<2048x128xf32> to vector<128x128xf32>
    %dot_general3A_58 = arith.constant dense<0.000000e+00> : vector<1000x128xf32>
    %dot_general3A_59 = tpu.matmul %max3A_56, %slice3A_57, %dot_general3A_58 {dimension_numbers = #tpu.dot_dimension_numbers<[1], [0], [0], [1], [0, 0, 1, 1], [], []>, transpose_lhs_hint = false} : vector<1000x128xf32>, vector<128x128xf32>, vector<1000x128xf32> -> vector<1000x128xf32>
    %add3A_60 = arith.addf %add3A_46, %dot_general3A_59 : vector<1000x128xf32>
    %get3A_61 = arith.constant 0 : index
    %get3A_62 = arith.constant 0 : index
    %get3A_63 = vector.load %arg3[%get3A_61, %get3A_62] : memref<1000x128xf32, #tpu.memory_space<vmem>>, vector<1000x128xf32>
    %mul3A_64 = vector.broadcast %div3A_25 : vector<1x128xf32> to vector<1000x128xf32>
    %mul3A_65 = arith.mulf %get3A_63, %mul3A_64 : vector<1000x128xf32>
    %add3A_66 = vector.broadcast %sub3A_27 : vector<1x128xf32> to vector<1000x128xf32>
    %add3A_67 = arith.addf %mul3A_65, %add3A_66 : vector<1000x128xf32>
    %max3A_68 = arith.constant 0.000000e+00 : f32
    %max3A_69 = vector.broadcast %max3A_68 : f32 to vector<1000x128xf32>
    %max3A_70 = arith.maximumf %add3A_67, %max3A_69 : vector<1000x128xf32>
    %slice3A_71 = vector.extract_strided_slice %get3A_1 {offsets = [256, 0], sizes = [128, 128], strides = [1, 1]} : vector<2048x128xf32> to vector<128x128xf32>
    %dot_general3A_72 = arith.constant dense<0.000000e+00> : vector<1000x128xf32>
    %dot_general3A_73 = tpu.matmul %max3A_70, %slice3A_71, %dot_general3A_72 {dimension_numbers = #tpu.dot_dimension_numbers<[1], [0], [0], [1], [0, 0, 1, 1], [], []>, transpose_lhs_hint = false} : vector<1000x128xf32>, vector<128x128xf32>, vector<1000x128xf32> -> vector<1000x128xf32>
    %add3A_74 = arith.addf %add3A_60, %dot_general3A_73 : vector<1000x128xf32>
    %get3A_75 = arith.constant 0 : index
    %get3A_76 = arith.constant 0 : index
    %get3A_77 = vector.load %arg4[%get3A_75, %get3A_76] : memref<1000x128xf32, #tpu.memory_space<vmem>>, vector<1000x128xf32>
    %mul3A_78 = vector.broadcast %div3A_25 : vector<1x128xf32> to vector<1000x128xf32>
    %mul3A_79 = arith.mulf %get3A_77, %mul3A_78 : vector<1000x128xf32>
    %add3A_80 = vector.broadcast %sub3A_27 : vector<1x128xf32> to vector<1000x128xf32>
    %add3A_81 = arith.addf %mul3A_79, %add3A_80 : vector<1000x128xf32>
    %max3A_82 = arith.constant 0.000000e+00 : f32
    %max3A_83 = vector.broadcast %max3A_82 : f32 to vector<1000x128xf32>
    %max3A_84 = arith.maximumf %add3A_81, %max3A_83 : vector<1000x128xf32>
    %slice3A_85 = vector.extract_strided_slice %get3A_1 {offsets = [384, 0], sizes = [128, 128], strides = [1, 1]} : vector<2048x128xf32> to vector<128x128xf32>
    %dot_general3A_86 = arith.constant dense<0.000000e+00> : vector<1000x128xf32>
    %dot_general3A_87 = tpu.matmul %max3A_84, %slice3A_85, %dot_general3A_86 {dimension_numbers = #tpu.dot_dimension_numbers<[1], [0], [0], [1], [0, 0, 1, 1], [], []>, transpose_lhs_hint = false} : vector<1000x128xf32>, vector<128x128xf32>, vector<1000x128xf32> -> vector<1000x128xf32>
    %add3A_88 = arith.addf %add3A_74, %dot_general3A_87 : vector<1000x128xf32>
    %get3A_89 = arith.constant 0 : index
    %get3A_90 = arith.constant 0 : index
    %get3A_91 = vector.load %arg5[%get3A_89, %get3A_90] : memref<1000x128xf32, #tpu.memory_space<vmem>>, vector<1000x128xf32>
    %mul3A_92 = vector.broadcast %div3A_25 : vector<1x128xf32> to vector<1000x128xf32>
    %mul3A_93 = arith.mulf %get3A_91, %mul3A_92 : vector<1000x128xf32>
    %add3A_94 = vector.broadcast %sub3A_27 : vector<1x128xf32> to vector<1000x128xf32>
    %add3A_95 = arith.addf %mul3A_93, %add3A_94 : vector<1000x128xf32>
    %max3A_96 = arith.constant 0.000000e+00 : f32
    %max3A_97 = vector.broadcast %max3A_96 : f32 to vector<1000x128xf32>
    %max3A_98 = arith.maximumf %add3A_95, %max3A_97 : vector<1000x128xf32>
    %slice3A_99 = vector.extract_strided_slice %get3A_1 {offsets = [512, 0], sizes = [128, 128], strides = [1, 1]} : vector<2048x128xf32> to vector<128x128xf32>
    %dot_general3A_100 = arith.constant dense<0.000000e+00> : vector<1000x128xf32>
    %dot_general3A_101 = tpu.matmul %max3A_98, %slice3A_99, %dot_general3A_100 {dimension_numbers = #tpu.dot_dimension_numbers<[1], [0], [0], [1], [0, 0, 1, 1], [], []>, transpose_lhs_hint = false} : vector<1000x128xf32>, vector<128x128xf32>, vector<1000x128xf32> -> vector<1000x128xf32>
    %add3A_102 = arith.addf %add3A_88, %dot_general3A_101 : vector<1000x128xf32>
    %get3A_103 = arith.constant 0 : index
    %get3A_104 = arith.constant 0 : index
    %get3A_105 = vector.load %arg6[%get3A_103, %get3A_104] : memref<1000x128xf32, #tpu.memory_space<vmem>>, vector<1000x128xf32>
    %mul3A_106 = vector.broadcast %div3A_25 : vector<1x128xf32> to vector<1000x128xf32>
    %mul3A_107 = arith.mulf %get3A_105, %mul3A_106 : vector<1000x128xf32>
    %add3A_108 = vector.broadcast %sub3A_27 : vector<1x128xf32> to vector<1000x128xf32>
    %add3A_109 = arith.addf %mul3A_107, %add3A_108 : vector<1000x128xf32>
    %max3A_110 = arith.constant 0.000000e+00 : f32
    %max3A_111 = vector.broadcast %max3A_110 : f32 to vector<1000x128xf32>
    %max3A_112 = arith.maximumf %add3A_109, %max3A_111 : vector<1000x128xf32>
    %slice3A_113 = vector.extract_strided_slice %get3A_1 {offsets = [640, 0], sizes = [128, 128], strides = [1, 1]} : vector<2048x128xf32> to vector<128x128xf32>
    %dot_general3A_114 = arith.constant dense<0.000000e+00> : vector<1000x128xf32>
    %dot_general3A_115 = tpu.matmul %max3A_112, %slice3A_113, %dot_general3A_114 {dimension_numbers = #tpu.dot_dimension_numbers<[1], [0], [0], [1], [0, 0, 1, 1], [], []>, transpose_lhs_hint = false} : vector<1000x128xf32>, vector<128x128xf32>, vector<1000x128xf32> -> vector<1000x128xf32>
    %add3A_116 = arith.addf %add3A_102, %dot_general3A_115 : vector<1000x128xf32>
    %get3A_117 = arith.constant 0 : index
    %get3A_118 = arith.constant 0 : index
    %get3A_119 = vector.load %arg7[%get3A_117, %get3A_118] : memref<1000x128xf32, #tpu.memory_space<vmem>>, vector<1000x128xf32>
    %mul3A_120 = vector.broadcast %div3A_25 : vector<1x128xf32> to vector<1000x128xf32>
    %mul3A_121 = arith.mulf %get3A_119, %mul3A_120 : vector<1000x128xf32>
    %add3A_122 = vector.broadcast %sub3A_27 : vector<1x128xf32> to vector<1000x128xf32>
    %add3A_123 = arith.addf %mul3A_121, %add3A_122 : vector<1000x128xf32>
    %max3A_124 = arith.constant 0.000000e+00 : f32
    %max3A_125 = vector.broadcast %max3A_124 : f32 to vector<1000x128xf32>
    %max3A_126 = arith.maximumf %add3A_123, %max3A_125 : vector<1000x128xf32>
    %slice3A_127 = vector.extract_strided_slice %get3A_1 {offsets = [768, 0], sizes = [128, 128], strides = [1, 1]} : vector<2048x128xf32> to vector<128x128xf32>
    %dot_general3A_128 = arith.constant dense<0.000000e+00> : vector<1000x128xf32>
    %dot_general3A_129 = tpu.matmul %max3A_126, %slice3A_127, %dot_general3A_128 {dimension_numbers = #tpu.dot_dimension_numbers<[1], [0], [0], [1], [0, 0, 1, 1], [], []>, transpose_lhs_hint = false} : vector<1000x128xf32>, vector<128x128xf32>, vector<1000x128xf32> -> vector<1000x128xf32>
    %add3A_130 = arith.addf %add3A_116, %dot_general3A_129 : vector<1000x128xf32>
    %get3A_131 = arith.constant 0 : index
    %get3A_132 = arith.constant 0 : index
    %get3A_133 = vector.load %arg8[%get3A_131, %get3A_132] : memref<1000x128xf32, #tpu.memory_space<vmem>>, vector<1000x128xf32>
    %mul3A_134 = vector.broadcast %div3A_25 : vector<1x128xf32> to vector<1000x128xf32>
    %mul3A_135 = arith.mulf %get3A_133, %mul3A_134 : vector<1000x128xf32>
    %add3A_136 = vector.broadcast %sub3A_27 : vector<1x128xf32> to vector<1000x128xf32>
    %add3A_137 = arith.addf %mul3A_135, %add3A_136 : vector<1000x128xf32>
    %max3A_138 = arith.constant 0.000000e+00 : f32
    %max3A_139 = vector.broadcast %max3A_138 : f32 to vector<1000x128xf32>
    %max3A_140 = arith.maximumf %add3A_137, %max3A_139 : vector<1000x128xf32>
    %slice3A_141 = vector.extract_strided_slice %get3A_1 {offsets = [896, 0], sizes = [128, 128], strides = [1, 1]} : vector<2048x128xf32> to vector<128x128xf32>
    %dot_general3A_142 = arith.constant dense<0.000000e+00> : vector<1000x128xf32>
    %dot_general3A_143 = tpu.matmul %max3A_140, %slice3A_141, %dot_general3A_142 {dimension_numbers = #tpu.dot_dimension_numbers<[1], [0], [0], [1], [0, 0, 1, 1], [], []>, transpose_lhs_hint = false} : vector<1000x128xf32>, vector<128x128xf32>, vector<1000x128xf32> -> vector<1000x128xf32>
    %add3A_144 = arith.addf %add3A_130, %dot_general3A_143 : vector<1000x128xf32>
    %get3A_145 = arith.constant 0 : index
    %get3A_146 = arith.constant 0 : index
    %get3A_147 = vector.load %arg9[%get3A_145, %get3A_146] : memref<1000x128xf32, #tpu.memory_space<vmem>>, vector<1000x128xf32>
    %mul3A_148 = vector.broadcast %div3A_25 : vector<1x128xf32> to vector<1000x128xf32>
    %mul3A_149 = arith.mulf %get3A_147, %mul3A_148 : vector<1000x128xf32>
    %add3A_150 = vector.broadcast %sub3A_27 : vector<1x128xf32> to vector<1000x128xf32>
    %add3A_151 = arith.addf %mul3A_149, %add3A_150 : vector<1000x128xf32>
    %max3A_152 = arith.constant 0.000000e+00 : f32
    %max3A_153 = vector.broadcast %max3A_152 : f32 to vector<1000x128xf32>
    %max3A_154 = arith.maximumf %add3A_151, %max3A_153 : vector<1000x128xf32>
    %slice3A_155 = vector.extract_strided_slice %get3A_1 {offsets = [1024, 0], sizes = [128, 128], strides = [1, 1]} : vector<2048x128xf32> to vector<128x128xf32>
    %dot_general3A_156 = arith.constant dense<0.000000e+00> : vector<1000x128xf32>
    %dot_general3A_157 = tpu.matmul %max3A_154, %slice3A_155, %dot_general3A_156 {dimension_numbers = #tpu.dot_dimension_numbers<[1], [0], [0], [1], [0, 0, 1, 1], [], []>, transpose_lhs_hint = false} : vector<1000x128xf32>, vector<128x128xf32>, vector<1000x128xf32> -> vector<1000x128xf32>
    %add3A_158 = arith.addf %add3A_144, %dot_general3A_157 : vector<1000x128xf32>
    %get3A_159 = arith.constant 0 : index
    %get3A_160 = arith.constant 0 : index
    %get3A_161 = vector.load %arg10[%get3A_159, %get3A_160] : memref<1000x128xf32, #tpu.memory_space<vmem>>, vector<1000x128xf32>
    %mul3A_162 = vector.broadcast %div3A_25 : vector<1x128xf32> to vector<1000x128xf32>
    %mul3A_163 = arith.mulf %get3A_161, %mul3A_162 : vector<1000x128xf32>
    %add3A_164 = vector.broadcast %sub3A_27 : vector<1x128xf32> to vector<1000x128xf32>
    %add3A_165 = arith.addf %mul3A_163, %add3A_164 : vector<1000x128xf32>
    %max3A_166 = arith.constant 0.000000e+00 : f32
    %max3A_167 = vector.broadcast %max3A_166 : f32 to vector<1000x128xf32>
    %max3A_168 = arith.maximumf %add3A_165, %max3A_167 : vector<1000x128xf32>
    %slice3A_169 = vector.extract_strided_slice %get3A_1 {offsets = [1152, 0], sizes = [128, 128], strides = [1, 1]} : vector<2048x128xf32> to vector<128x128xf32>
    %dot_general3A_170 = arith.constant dense<0.000000e+00> : vector<1000x128xf32>
    %dot_general3A_171 = tpu.matmul %max3A_168, %slice3A_169, %dot_general3A_170 {dimension_numbers = #tpu.dot_dimension_numbers<[1], [0], [0], [1], [0, 0, 1, 1], [], []>, transpose_lhs_hint = false} : vector<1000x128xf32>, vector<128x128xf32>, vector<1000x128xf32> -> vector<1000x128xf32>
    %add3A_172 = arith.addf %add3A_158, %dot_general3A_171 : vector<1000x128xf32>
    %get3A_173 = arith.constant 0 : index
    %get3A_174 = arith.constant 0 : index
    %get3A_175 = vector.load %arg11[%get3A_173, %get3A_174] : memref<1000x128xf32, #tpu.memory_space<vmem>>, vector<1000x128xf32>
    %mul3A_176 = vector.broadcast %div3A_25 : vector<1x128xf32> to vector<1000x128xf32>
    %mul3A_177 = arith.mulf %get3A_175, %mul3A_176 : vector<1000x128xf32>
    %add3A_178 = vector.broadcast %sub3A_27 : vector<1x128xf32> to vector<1000x128xf32>
    %add3A_179 = arith.addf %mul3A_177, %add3A_178 : vector<1000x128xf32>
    %max3A_180 = arith.constant 0.000000e+00 : f32
    %max3A_181 = vector.broadcast %max3A_180 : f32 to vector<1000x128xf32>
    %max3A_182 = arith.maximumf %add3A_179, %max3A_181 : vector<1000x128xf32>
    %slice3A_183 = vector.extract_strided_slice %get3A_1 {offsets = [1280, 0], sizes = [128, 128], strides = [1, 1]} : vector<2048x128xf32> to vector<128x128xf32>
    %dot_general3A_184 = arith.constant dense<0.000000e+00> : vector<1000x128xf32>
    %dot_general3A_185 = tpu.matmul %max3A_182, %slice3A_183, %dot_general3A_184 {dimension_numbers = #tpu.dot_dimension_numbers<[1], [0], [0], [1], [0, 0, 1, 1], [], []>, transpose_lhs_hint = false} : vector<1000x128xf32>, vector<128x128xf32>, vector<1000x128xf32> -> vector<1000x128xf32>
    %add3A_186 = arith.addf %add3A_172, %dot_general3A_185 : vector<1000x128xf32>
    %get3A_187 = arith.constant 0 : index
    %get3A_188 = arith.constant 0 : index
    %get3A_189 = vector.load %arg12[%get3A_187, %get3A_188] : memref<1000x128xf32, #tpu.memory_space<vmem>>, vector<1000x128xf32>
    %mul3A_190 = vector.broadcast %div3A_25 : vector<1x128xf32> to vector<1000x128xf32>
    %mul3A_191 = arith.mulf %get3A_189, %mul3A_190 : vector<1000x128xf32>
    %add3A_192 = vector.broadcast %sub3A_27 : vector<1x128xf32> to vector<1000x128xf32>
    %add3A_193 = arith.addf %mul3A_191, %add3A_192 : vector<1000x128xf32>
    %max3A_194 = arith.constant 0.000000e+00 : f32
    %max3A_195 = vector.broadcast %max3A_194 : f32 to vector<1000x128xf32>
    %max3A_196 = arith.maximumf %add3A_193, %max3A_195 : vector<1000x128xf32>
    %slice3A_197 = vector.extract_strided_slice %get3A_1 {offsets = [1408, 0], sizes = [128, 128], strides = [1, 1]} : vector<2048x128xf32> to vector<128x128xf32>
    %dot_general3A_198 = arith.constant dense<0.000000e+00> : vector<1000x128xf32>
    %dot_general3A_199 = tpu.matmul %max3A_196, %slice3A_197, %dot_general3A_198 {dimension_numbers = #tpu.dot_dimension_numbers<[1], [0], [0], [1], [0, 0, 1, 1], [], []>, transpose_lhs_hint = false} : vector<1000x128xf32>, vector<128x128xf32>, vector<1000x128xf32> -> vector<1000x128xf32>
    %add3A_200 = arith.addf %add3A_186, %dot_general3A_199 : vector<1000x128xf32>
    %get3A_201 = arith.constant 0 : index
    %get3A_202 = arith.constant 0 : index
    %get3A_203 = vector.load %arg13[%get3A_201, %get3A_202] : memref<1000x128xf32, #tpu.memory_space<vmem>>, vector<1000x128xf32>
    %mul3A_204 = vector.broadcast %div3A_25 : vector<1x128xf32> to vector<1000x128xf32>
    %mul3A_205 = arith.mulf %get3A_203, %mul3A_204 : vector<1000x128xf32>
    %add3A_206 = vector.broadcast %sub3A_27 : vector<1x128xf32> to vector<1000x128xf32>
    %add3A_207 = arith.addf %mul3A_205, %add3A_206 : vector<1000x128xf32>
    %max3A_208 = arith.constant 0.000000e+00 : f32
    %max3A_209 = vector.broadcast %max3A_208 : f32 to vector<1000x128xf32>
    %max3A_210 = arith.maximumf %add3A_207, %max3A_209 : vector<1000x128xf32>
    %slice3A_211 = vector.extract_strided_slice %get3A_1 {offsets = [1536, 0], sizes = [128, 128], strides = [1, 1]} : vector<2048x128xf32> to vector<128x128xf32>
    %dot_general3A_212 = arith.constant dense<0.000000e+00> : vector<1000x128xf32>
    %dot_general3A_213 = tpu.matmul %max3A_210, %slice3A_211, %dot_general3A_212 {dimension_numbers = #tpu.dot_dimension_numbers<[1], [0], [0], [1], [0, 0, 1, 1], [], []>, transpose_lhs_hint = false} : vector<1000x128xf32>, vector<128x128xf32>, vector<1000x128xf32> -> vector<1000x128xf32>
    %add3A_214 = arith.addf %add3A_200, %dot_general3A_213 : vector<1000x128xf32>
    %get3A_215 = arith.constant 0 : index
    %get3A_216 = arith.constant 0 : index
    %get3A_217 = vector.load %arg14[%get3A_215, %get3A_216] : memref<1000x128xf32, #tpu.memory_space<vmem>>, vector<1000x128xf32>
    %mul3A_218 = vector.broadcast %div3A_25 : vector<1x128xf32> to vector<1000x128xf32>
    %mul3A_219 = arith.mulf %get3A_217, %mul3A_218 : vector<1000x128xf32>
    %add3A_220 = vector.broadcast %sub3A_27 : vector<1x128xf32> to vector<1000x128xf32>
    %add3A_221 = arith.addf %mul3A_219, %add3A_220 : vector<1000x128xf32>
    %max3A_222 = arith.constant 0.000000e+00 : f32
    %max3A_223 = vector.broadcast %max3A_222 : f32 to vector<1000x128xf32>
    %max3A_224 = arith.maximumf %add3A_221, %max3A_223 : vector<1000x128xf32>
    %slice3A_225 = vector.extract_strided_slice %get3A_1 {offsets = [1664, 0], sizes = [128, 128], strides = [1, 1]} : vector<2048x128xf32> to vector<128x128xf32>
    %dot_general3A_226 = arith.constant dense<0.000000e+00> : vector<1000x128xf32>
    %dot_general3A_227 = tpu.matmul %max3A_224, %slice3A_225, %dot_general3A_226 {dimension_numbers = #tpu.dot_dimension_numbers<[1], [0], [0], [1], [0, 0, 1, 1], [], []>, transpose_lhs_hint = false} : vector<1000x128xf32>, vector<128x128xf32>, vector<1000x128xf32> -> vector<1000x128xf32>
    %add3A_228 = arith.addf %add3A_214, %dot_general3A_227 : vector<1000x128xf32>
    %get3A_229 = arith.constant 0 : index
    %get3A_230 = arith.constant 0 : index
    %get3A_231 = vector.load %arg15[%get3A_229, %get3A_230] : memref<1000x128xf32, #tpu.memory_space<vmem>>, vector<1000x128xf32>
    %mul3A_232 = vector.broadcast %div3A_25 : vector<1x128xf32> to vector<1000x128xf32>
    %mul3A_233 = arith.mulf %get3A_231, %mul3A_232 : vector<1000x128xf32>
    %add3A_234 = vector.broadcast %sub3A_27 : vector<1x128xf32> to vector<1000x128xf32>
    %add3A_235 = arith.addf %mul3A_233, %add3A_234 : vector<1000x128xf32>
    %max3A_236 = arith.constant 0.000000e+00 : f32
    %max3A_237 = vector.broadcast %max3A_236 : f32 to vector<1000x128xf32>
    %max3A_238 = arith.maximumf %add3A_235, %max3A_237 : vector<1000x128xf32>
    %slice3A_239 = vector.extract_strided_slice %get3A_1 {offsets = [1792, 0], sizes = [128, 128], strides = [1, 1]} : vector<2048x128xf32> to vector<128x128xf32>
    %dot_general3A_240 = arith.constant dense<0.000000e+00> : vector<1000x128xf32>
    %dot_general3A_241 = tpu.matmul %max3A_238, %slice3A_239, %dot_general3A_240 {dimension_numbers = #tpu.dot_dimension_numbers<[1], [0], [0], [1], [0, 0, 1, 1], [], []>, transpose_lhs_hint = false} : vector<1000x128xf32>, vector<128x128xf32>, vector<1000x128xf32> -> vector<1000x128xf32>
    %add3A_242 = arith.addf %add3A_228, %dot_general3A_241 : vector<1000x128xf32>
    %get3A_243 = arith.constant 0 : index
    %get3A_244 = arith.constant 0 : index
    %get3A_245 = vector.load %arg16[%get3A_243, %get3A_244] : memref<1000x128xf32, #tpu.memory_space<vmem>>, vector<1000x128xf32>
    %mul3A_246 = vector.broadcast %div3A_25 : vector<1x128xf32> to vector<1000x128xf32>
    %mul3A_247 = arith.mulf %get3A_245, %mul3A_246 : vector<1000x128xf32>
    %add3A_248 = vector.broadcast %sub3A_27 : vector<1x128xf32> to vector<1000x128xf32>
    %add3A_249 = arith.addf %mul3A_247, %add3A_248 : vector<1000x128xf32>
    %max3A_250 = arith.constant 0.000000e+00 : f32
    %max3A_251 = vector.broadcast %max3A_250 : f32 to vector<1000x128xf32>
    %max3A_252 = arith.maximumf %add3A_249, %max3A_251 : vector<1000x128xf32>
    %slice3A_253 = vector.extract_strided_slice %get3A_1 {offsets = [1920, 0], sizes = [128, 128], strides = [1, 1]} : vector<2048x128xf32> to vector<128x128xf32>
    %dot_general3A_254 = arith.constant dense<0.000000e+00> : vector<1000x128xf32>
    %dot_general3A_255 = tpu.matmul %max3A_252, %slice3A_253, %dot_general3A_254 {dimension_numbers = #tpu.dot_dimension_numbers<[1], [0], [0], [1], [0, 0, 1, 1], [], []>, transpose_lhs_hint = false} : vector<1000x128xf32>, vector<128x128xf32>, vector<1000x128xf32> -> vector<1000x128xf32>
    %add3A_256 = arith.addf %add3A_242, %dot_general3A_255 : vector<1000x128xf32>
    %swap3A = arith.constant 0 : index
    %swap3A_257 = arith.constant 0 : index
    %swap3A_258 = vector.load %arg22[%swap3A, %swap3A_257] : memref<1000x128xf32, #tpu.memory_space<vmem>>, vector<1000x128xf32>
    tpu.vector_store %arg22[%swap3A, %swap3A_257], %add3A_256 {strides = array<i32>} : memref<1000x128xf32, #tpu.memory_space<vmem>>, vector<1000x128xf32>,
    %reduce_sum3A_259 = arith.constant dense<0.000000e+00> : vector<128xf32>
    %reduce_sum3A_260 = vector.multi_reduction <add>, %add3A_256, %reduce_sum3A_259 [0] : vector<1000x128xf32> to vector<128xf32>
    %swap3A_261 = arith.constant 0 : index
    %swap3A_262 = arith.constant 0 : index
    %swap3A_263 = arith.constant 0 : index
    %swap3A_264 = vector.load %arg23[%swap3A_261, %swap3A_262, %swap3A_263] : memref<1x2x128xf32, #tpu.memory_space<vmem>>, vector<1x1x128xf32>
    %swap3A_265 = vector.shape_cast %swap3A_264 : vector<1x1x128xf32> to vector<128xf32>
    %swap3A_266 = vector.shape_cast %reduce_sum3A_260 : vector<128xf32> to vector<1x1x128xf32>
    tpu.vector_store %arg23[%swap3A_261, %swap3A_262, %swap3A_263], %swap3A_266 {strides = array<i32>} : memref<1x2x128xf32, #tpu.memory_space<vmem>>, vector<1x1x128xf32>,
    %mul3A_267 = arith.mulf %add3A_256, %add3A_256 : vector<1000x128xf32>
    %reduce_sum3A_268 = arith.constant dense<0.000000e+00> : vector<128xf32>
    %reduce_sum3A_269 = vector.multi_reduction <add>, %mul3A_267, %reduce_sum3A_268 [0] : vector<1000x128xf32> to vector<128xf32>
    %swap3A_270 = arith.constant 0 : index
    %swap3A_271 = arith.constant 1 : index
    %swap3A_272 = arith.constant 0 : index
    %swap3A_273 = vector.load %arg23[%swap3A_270, %swap3A_271, %swap3A_272] : memref<1x2x128xf32, #tpu.memory_space<vmem>>, vector<1x1x128xf32>
    %swap3A_274 = vector.shape_cast %swap3A_273 : vector<1x1x128xf32> to vector<128xf32>
    %swap3A_275 = vector.shape_cast %reduce_sum3A_269 : vector<128xf32> to vector<1x1x128xf32>
    tpu.vector_store %arg23[%swap3A_270, %swap3A_271, %swap3A_272], %swap3A_275 {strides = array<i32>} : memref<1x2x128xf32, #tpu.memory_space<vmem>>, vector<1x1x128xf32>,
    return
  }
  func.func @transform_0(%arg0: i32) -> (i32, i32) {
    %add3A = arith.constant 0 : i32
    %add3A_0 = arith.addi %add3A, %arg0 : i32
    %c0_i32 = arith.constant 0 : i32
    %c0_i32_1 = arith.constant 0 : i32
    return %add3A_0, %c0_i32 : i32, i32
  }
  func.func @transform_1(%arg0: i32) -> (i32, i32) {
    %add3A = arith.constant 25 : i32
    %add3A_0 = arith.addi %add3A, %arg0 : i32
    %c0_i32 = arith.constant 0 : i32
    %c0_i32_1 = arith.constant 0 : i32
    return %add3A_0, %c0_i32 : i32, i32
  }
  func.func @transform_2(%arg0: i32) -> (i32, i32) {
    %add3A = arith.constant 50 : i32
    %add3A_0 = arith.addi %add3A, %arg0 : i32
    %c0_i32 = arith.constant 0 : i32
    %c0_i32_1 = arith.constant 0 : i32
    return %add3A_0, %c0_i32 : i32, i32
  }
  func.func @transform_3(%arg0: i32) -> (i32, i32) {
    %add3A = arith.constant 75 : i32
    %add3A_0 = arith.addi %add3A, %arg0 : i32
    %c0_i32 = arith.constant 0 : i32
    %c0_i32_1 = arith.constant 0 : i32
    return %add3A_0, %c0_i32 : i32, i32
  }
  func.func @transform_4(%arg0: i32) -> (i32, i32) {
    %add3A = arith.constant 100 : i32
    %add3A_0 = arith.addi %add3A, %arg0 : i32
    %c0_i32 = arith.constant 0 : i32
    %c0_i32_1 = arith.constant 0 : i32
    return %add3A_0, %c0_i32 : i32, i32
  }
  func.func @transform_5(%arg0: i32) -> (i32, i32) {
    %add3A = arith.constant 125 : i32
    %add3A_0 = arith.addi %add3A, %arg0 : i32
    %c0_i32 = arith.constant 0 : i32
    %c0_i32_1 = arith.constant 0 : i32
    return %add3A_0, %c0_i32 : i32, i32
  }
  func.func @transform_6(%arg0: i32) -> (i32, i32) {
    %add3A = arith.constant 150 : i32
    %add3A_0 = arith.addi %add3A, %arg0 : i32
    %c0_i32 = arith.constant 0 : i32
    %c0_i32_1 = arith.constant 0 : i32
    return %add3A_0, %c0_i32 : i32, i32
  }
  func.func @transform_7(%arg0: i32) -> (i32, i32) {
    %add3A = arith.constant 175 : i32
    %add3A_0 = arith.addi %add3A, %arg0 : i32
    %c0_i32 = arith.constant 0 : i32
    %c0_i32_1 = arith.constant 0 : i32
    return %add3A_0, %c0_i32 : i32, i32
  }
  func.func @transform_8(%arg0: i32) -> (i32, i32) {
    %add3A = arith.constant 200 : i32
    %add3A_0 = arith.addi %add3A, %arg0 : i32
    %c0_i32 = arith.constant 0 : i32
    %c0_i32_1 = arith.constant 0 : i32
    return %add3A_0, %c0_i32 : i32, i32
  }
  func.func @transform_9(%arg0: i32) -> (i32, i32) {
    %add3A = arith.constant 225 : i32
    %add3A_0 = arith.addi %add3A, %arg0 : i32
    %c0_i32 = arith.constant 0 : i32
    %c0_i32_1 = arith.constant 0 : i32
    return %add3A_0, %c0_i32 : i32, i32
  }
  func.func @transform_10(%arg0: i32) -> (i32, i32) {
    %add3A = arith.constant 250 : i32
    %add3A_0 = arith.addi %add3A, %arg0 : i32
    %c0_i32 = arith.constant 0 : i32
    %c0_i32_1 = arith.constant 0 : i32
    return %add3A_0, %c0_i32 : i32, i32
  }
  func.func @transform_11(%arg0: i32) -> (i32, i32) {
    %add3A = arith.constant 275 : i32
    %add3A_0 = arith.addi %add3A, %arg0 : i32
    %c0_i32 = arith.constant 0 : i32
    %c0_i32_1 = arith.constant 0 : i32
    return %add3A_0, %c0_i32 : i32, i32
  }
  func.func @transform_12(%arg0: i32) -> (i32, i32) {
    %add3A = arith.constant 300 : i32
    %add3A_0 = arith.addi %add3A, %arg0 : i32
    %c0_i32 = arith.constant 0 : i32
    %c0_i32_1 = arith.constant 0 : i32
    return %add3A_0, %c0_i32 : i32, i32
  }
  func.func @transform_13(%arg0: i32) -> (i32, i32) {
    %add3A = arith.constant 325 : i32
    %add3A_0 = arith.addi %add3A, %arg0 : i32
    %c0_i32 = arith.constant 0 : i32
    %c0_i32_1 = arith.constant 0 : i32
    return %add3A_0, %c0_i32 : i32, i32
  }
  func.func @transform_14(%arg0: i32) -> (i32, i32) {
    %add3A = arith.constant 350 : i32
    %add3A_0 = arith.addi %add3A, %arg0 : i32
    %c0_i32 = arith.constant 0 : i32
    %c0_i32_1 = arith.constant 0 : i32
    return %add3A_0, %c0_i32 : i32, i32
  }
  func.func @transform_15(%arg0: i32) -> (i32, i32) {
    %add3A = arith.constant 375 : i32
    %add3A_0 = arith.addi %add3A, %arg0 : i32
    %c0_i32 = arith.constant 0 : i32
    %c0_i32_1 = arith.constant 0 : i32
    return %add3A_0, %c0_i32 : i32, i32
  }
  func.func @transform_16(%arg0: i32) -> (i32, i32) {
    %c0_i32 = arith.constant 0 : i32
    %c0_i32_0 = arith.constant 0 : i32
    %c0_i32_1 = arith.constant 0 : i32
    return %c0_i32, %c0_i32_0 : i32, i32
  }
  func.func @transform_17(%arg0: i32) -> (i32, i32) {
    %c0_i32 = arith.constant 0 : i32
    %c0_i32_0 = arith.constant 0 : i32
    %c0_i32_1 = arith.constant 0 : i32
    return %c0_i32, %c0_i32_0 : i32, i32
  }
  func.func @transform_18(%arg0: i32) -> (i32, i32, i32) {
    %c0_i32 = arith.constant 0 : i32
    %c0_i32_0 = arith.constant 0 : i32
    %c0_i32_1 = arith.constant 0 : i32
    %c0_i32_2 = arith.constant 0 : i32
    return %c0_i32, %c0_i32_0, %c0_i32_1 : i32, i32, i32
  }
  func.func @transform_19(%arg0: i32) -> (i32, i32) {
    %c0_i32 = arith.constant 0 : i32
    %c0_i32_0 = arith.constant 0 : i32
    %c0_i32_1 = arith.constant 0 : i32
    return %c0_i32, %c0_i32_0 : i32, i32
  }
  func.func @transform_20(%arg0: i32) -> (i32, i32) {
    %c0_i32 = arith.constant 0 : i32
    %c0_i32_0 = arith.constant 0 : i32
    %c0_i32_1 = arith.constant 0 : i32
    return %c0_i32, %c0_i32_0 : i32, i32
  }
  func.func @transform_21(%arg0: i32) -> (i32, i32) {
    %c0_i32 = arith.constant 0 : i32
    %c0_i32_0 = arith.constant 0 : i32
    return %arg0, %c0_i32 : i32, i32
  }
  func.func @transform_22(%arg0: i32) -> (i32, i32, i32) {
    %c0_i32 = arith.constant 0 : i32
    %c0_i32_0 = arith.constant 0 : i32
    %c0_i32_1 = arith.constant 0 : i32
    return %arg0, %c0_i32, %c0_i32_0 : i32, i32, i32
  }
}

module attributes {stable_mosaic.version = 14 : i64} {
  func.func @body(%arg0: i32, %arg1: memref<5000x128xf32, #tpu.memory_space<vmem>>, %arg2: memref<5000x128xf32, #tpu.memory_space<vmem>>, %arg3: memref<25x4x128xf32, #tpu.memory_space<vmem>>, %arg4: memref<25x2x128xf32, #tpu.memory_space<vmem>>, %arg5: memref<1x128xf32, #tpu.memory_space<vmem>>, %arg6: memref<1x128xf32, #tpu.memory_space<vmem>>, %arg7: memref<1x128xf32, #tpu.memory_space<vmem>>, %arg8: memref<1x128xf32, #tpu.memory_space<vmem>>, %arg9: memref<5000x128xf32, #tpu.memory_space<vmem>>) attributes {dimension_semantics = [#tpu.dimension_semantics<arbitrary>], iteration_bounds = array<i64: 5>, scalar_prefetch = 0 : i64, scratch_operands = 0 : i64, tpu.core_type = #tpu.core_type<tc>, window_params = [{transform_indices = @transform_0, window_bounds = array<i64: 5000, 128>}, {transform_indices = @transform_1, window_bounds = array<i64: 5000, 128>}, {pipeline_mode = #tpu.pipeline_mode<synchronous>, transform_indices = @transform_2, window_bounds = array<i64: 25, 4, 128>}, {pipeline_mode = #tpu.pipeline_mode<synchronous>, transform_indices = @transform_3, window_bounds = array<i64: 25, 2, 128>}, {pipeline_mode = #tpu.pipeline_mode<synchronous>, transform_indices = @transform_4, window_bounds = array<i64: 1, 128>}, {pipeline_mode = #tpu.pipeline_mode<synchronous>, transform_indices = @transform_5, window_bounds = array<i64: 1, 128>}, {pipeline_mode = #tpu.pipeline_mode<synchronous>, transform_indices = @transform_6, window_bounds = array<i64: 1, 128>}, {pipeline_mode = #tpu.pipeline_mode<synchronous>, transform_indices = @transform_7, window_bounds = array<i64: 1, 128>}, {transform_indices = @transform_8, window_bounds = array<i64: 5000, 128>}]} {
    %get3A = arith.constant 0 : index
    %get3A_0 = arith.constant 0 : index
    %get3A_1 = arith.constant 0 : index
    %get3A_2 = vector.load %arg4[%get3A, %get3A_0, %get3A_1] : memref<25x2x128xf32, #tpu.memory_space<vmem>>, vector<25x2x128xf32>
    %get3A_3 = arith.constant 0 : index
    %get3A_4 = arith.constant 0 : index
    %get3A_5 = vector.load %arg5[%get3A_3, %get3A_4] : memref<1x128xf32, #tpu.memory_space<vmem>>, vector<1x128xf32>
    %get3A_6 = arith.constant 0 : index
    %get3A_7 = arith.constant 0 : index
    %get3A_8 = vector.load %arg6[%get3A_6, %get3A_7] : memref<1x128xf32, #tpu.memory_space<vmem>>, vector<1x128xf32>
    %slice3A = vector.extract_strided_slice %get3A_2 {offsets = [0, 0, 0], sizes = [25, 1, 128], strides = [1, 1, 1]} : vector<25x2x128xf32> to vector<25x1x128xf32>
    %squeeze3A = vector.shape_cast %slice3A : vector<25x1x128xf32> to vector<25x128xf32>
    %reduce_sum3A = arith.constant dense<0.000000e+00> : vector<128xf32>
    %reduce_sum3A_9 = vector.multi_reduction <add>, %squeeze3A, %reduce_sum3A [0] : vector<25x128xf32> to vector<128xf32>
    %broadcast_in_dim3A = vector.shape_cast %reduce_sum3A_9 : vector<128xf32> to vector<1x128xf32>
    %div3A = arith.constant 2.500000e+04 : f32
    %div3A_10 = vector.broadcast %div3A : f32 to vector<1x128xf32>
    %div3A_11 = arith.divf %broadcast_in_dim3A, %div3A_10 : vector<1x128xf32>
    %slice3A_12 = vector.extract_strided_slice %get3A_2 {offsets = [0, 1, 0], sizes = [25, 1, 128], strides = [1, 1, 1]} : vector<25x2x128xf32> to vector<25x1x128xf32>
    %squeeze3A_13 = vector.shape_cast %slice3A_12 : vector<25x1x128xf32> to vector<25x128xf32>
    %reduce_sum3A_14 = arith.constant dense<0.000000e+00> : vector<128xf32>
    %reduce_sum3A_15 = vector.multi_reduction <add>, %squeeze3A_13, %reduce_sum3A_14 [0] : vector<25x128xf32> to vector<128xf32>
    %broadcast_in_dim3A_16 = vector.shape_cast %reduce_sum3A_15 : vector<128xf32> to vector<1x128xf32>
    %div3A_17 = arith.constant 2.500000e+04 : f32
    %div3A_18 = vector.broadcast %div3A_17 : f32 to vector<1x128xf32>
    %div3A_19 = arith.divf %broadcast_in_dim3A_16, %div3A_18 : vector<1x128xf32>
    %mul3A = arith.mulf %div3A_11, %div3A_11 : vector<1x128xf32>
    %sub3A = arith.subf %div3A_19, %mul3A : vector<1x128xf32>
    %add3A = arith.constant 9.99999974E-6 : f32
    %add3A_20 = vector.broadcast %add3A : f32 to vector<1x128xf32>
    %add3A_21 = arith.addf %sub3A, %add3A_20 : vector<1x128xf32>
    %sqrt3A = math.sqrt %add3A_21 : vector<1x128xf32>
    %div3A_22 = arith.divf %get3A_5, %sqrt3A : vector<1x128xf32>
    %mul3A_23 = arith.mulf %div3A_11, %div3A_22 : vector<1x128xf32>
    %sub3A_24 = arith.subf %get3A_8, %mul3A_23 : vector<1x128xf32>
    %get3A_25 = arith.constant 0 : index
    %get3A_26 = arith.constant 0 : index
    %get3A_27 = arith.constant 0 : index
    %get3A_28 = vector.load %arg3[%get3A_25, %get3A_26, %get3A_27] : memref<25x4x128xf32, #tpu.memory_space<vmem>>, vector<25x4x128xf32>
    %get3A_29 = arith.constant 0 : index
    %get3A_30 = arith.constant 0 : index
    %get3A_31 = vector.load %arg7[%get3A_29, %get3A_30] : memref<1x128xf32, #tpu.memory_space<vmem>>, vector<1x128xf32>
    %get3A_32 = arith.constant 0 : index
    %get3A_33 = arith.constant 0 : index
    %get3A_34 = vector.load %arg8[%get3A_32, %get3A_33] : memref<1x128xf32, #tpu.memory_space<vmem>>, vector<1x128xf32>
    %slice3A_35 = vector.extract_strided_slice %get3A_28 {offsets = [0, 2, 0], sizes = [25, 1, 128], strides = [1, 1, 1]} : vector<25x4x128xf32> to vector<25x1x128xf32>
    %squeeze3A_36 = vector.shape_cast %slice3A_35 : vector<25x1x128xf32> to vector<25x128xf32>
    %reduce_sum3A_37 = arith.constant dense<0.000000e+00> : vector<128xf32>
    %reduce_sum3A_38 = vector.multi_reduction <add>, %squeeze3A_36, %reduce_sum3A_37 [0] : vector<25x128xf32> to vector<128xf32>
    %broadcast_in_dim3A_39 = vector.shape_cast %reduce_sum3A_38 : vector<128xf32> to vector<1x128xf32>
    %div3A_40 = arith.constant 2.500000e+04 : f32
    %div3A_41 = vector.broadcast %div3A_40 : f32 to vector<1x128xf32>
    %div3A_42 = arith.divf %broadcast_in_dim3A_39, %div3A_41 : vector<1x128xf32>
    %slice3A_43 = vector.extract_strided_slice %get3A_28 {offsets = [0, 3, 0], sizes = [25, 1, 128], strides = [1, 1, 1]} : vector<25x4x128xf32> to vector<25x1x128xf32>
    %squeeze3A_44 = vector.shape_cast %slice3A_43 : vector<25x1x128xf32> to vector<25x128xf32>
    %reduce_sum3A_45 = arith.constant dense<0.000000e+00> : vector<128xf32>
    %reduce_sum3A_46 = vector.multi_reduction <add>, %squeeze3A_44, %reduce_sum3A_45 [0] : vector<25x128xf32> to vector<128xf32>
    %broadcast_in_dim3A_47 = vector.shape_cast %reduce_sum3A_46 : vector<128xf32> to vector<1x128xf32>
    %div3A_48 = arith.constant 2.500000e+04 : f32
    %div3A_49 = vector.broadcast %div3A_48 : f32 to vector<1x128xf32>
    %div3A_50 = arith.divf %broadcast_in_dim3A_47, %div3A_49 : vector<1x128xf32>
    %mul3A_51 = arith.mulf %div3A_42, %div3A_42 : vector<1x128xf32>
    %sub3A_52 = arith.subf %div3A_50, %mul3A_51 : vector<1x128xf32>
    %add3A_53 = arith.constant 9.99999974E-6 : f32
    %add3A_54 = vector.broadcast %add3A_53 : f32 to vector<1x128xf32>
    %add3A_55 = arith.addf %sub3A_52, %add3A_54 : vector<1x128xf32>
    %sqrt3A_56 = math.sqrt %add3A_55 : vector<1x128xf32>
    %div3A_57 = arith.divf %get3A_31, %sqrt3A_56 : vector<1x128xf32>
    %mul3A_58 = arith.mulf %div3A_42, %div3A_57 : vector<1x128xf32>
    %sub3A_59 = arith.subf %get3A_34, %mul3A_58 : vector<1x128xf32>
    %get3A_60 = arith.constant 0 : index
    %get3A_61 = arith.constant 0 : index
    %get3A_62 = vector.load %arg1[%get3A_60, %get3A_61] : memref<5000x128xf32, #tpu.memory_space<vmem>>, vector<5000x128xf32>
    %mul3A_63 = vector.broadcast %div3A_22 : vector<1x128xf32> to vector<5000x128xf32>
    %mul3A_64 = arith.mulf %get3A_62, %mul3A_63 : vector<5000x128xf32>
    %add3A_65 = vector.broadcast %sub3A_24 : vector<1x128xf32> to vector<5000x128xf32>
    %add3A_66 = arith.addf %mul3A_64, %add3A_65 : vector<5000x128xf32>
    %get3A_67 = arith.constant 0 : index
    %get3A_68 = arith.constant 0 : index
    %get3A_69 = vector.load %arg2[%get3A_67, %get3A_68] : memref<5000x128xf32, #tpu.memory_space<vmem>>, vector<5000x128xf32>
    %mul3A_70 = vector.broadcast %div3A_57 : vector<1x128xf32> to vector<5000x128xf32>
    %mul3A_71 = arith.mulf %get3A_69, %mul3A_70 : vector<5000x128xf32>
    %add3A_72 = arith.addf %add3A_66, %mul3A_71 : vector<5000x128xf32>
    %add3A_73 = vector.broadcast %sub3A_59 : vector<1x128xf32> to vector<5000x128xf32>
    %add3A_74 = arith.addf %add3A_72, %add3A_73 : vector<5000x128xf32>
    %max3A = arith.constant 0.000000e+00 : f32
    %max3A_75 = vector.broadcast %max3A : f32 to vector<5000x128xf32>
    %max3A_76 = arith.maximumf %add3A_74, %max3A_75 : vector<5000x128xf32>
    %swap3A = arith.constant 0 : index
    %swap3A_77 = arith.constant 0 : index
    %swap3A_78 = vector.load %arg9[%swap3A, %swap3A_77] : memref<5000x128xf32, #tpu.memory_space<vmem>>, vector<5000x128xf32>
    tpu.vector_store %arg9[%swap3A, %swap3A_77], %max3A_76 {strides = array<i32>} : memref<5000x128xf32, #tpu.memory_space<vmem>>, vector<5000x128xf32>,
    return
  }
  func.func @transform_0(%arg0: i32) -> (i32, i32) {
    %c0_i32 = arith.constant 0 : i32
    %c0_i32_0 = arith.constant 0 : i32
    return %arg0, %c0_i32 : i32, i32
  }
  func.func @transform_1(%arg0: i32) -> (i32, i32) {
    %c0_i32 = arith.constant 0 : i32
    %c0_i32_0 = arith.constant 0 : i32
    return %arg0, %c0_i32 : i32, i32
  }
  func.func @transform_2(%arg0: i32) -> (i32, i32, i32) {
    %c0_i32 = arith.constant 0 : i32
    %c0_i32_0 = arith.constant 0 : i32
    %c0_i32_1 = arith.constant 0 : i32
    %c0_i32_2 = arith.constant 0 : i32
    return %c0_i32, %c0_i32_0, %c0_i32_1 : i32, i32, i32
  }
  func.func @transform_3(%arg0: i32) -> (i32, i32, i32) {
    %c0_i32 = arith.constant 0 : i32
    %c0_i32_0 = arith.constant 0 : i32
    %c0_i32_1 = arith.constant 0 : i32
    %c0_i32_2 = arith.constant 0 : i32
    return %c0_i32, %c0_i32_0, %c0_i32_1 : i32, i32, i32
  }
  func.func @transform_4(%arg0: i32) -> (i32, i32) {
    %c0_i32 = arith.constant 0 : i32
    %c0_i32_0 = arith.constant 0 : i32
    %c0_i32_1 = arith.constant 0 : i32
    return %c0_i32, %c0_i32_0 : i32, i32
  }
  func.func @transform_5(%arg0: i32) -> (i32, i32) {
    %c0_i32 = arith.constant 0 : i32
    %c0_i32_0 = arith.constant 0 : i32
    %c0_i32_1 = arith.constant 0 : i32
    return %c0_i32, %c0_i32_0 : i32, i32
  }
  func.func @transform_6(%arg0: i32) -> (i32, i32) {
    %c0_i32 = arith.constant 0 : i32
    %c0_i32_0 = arith.constant 0 : i32
    %c0_i32_1 = arith.constant 0 : i32
    return %c0_i32, %c0_i32_0 : i32, i32
  }
  func.func @transform_7(%arg0: i32) -> (i32, i32) {
    %c0_i32 = arith.constant 0 : i32
    %c0_i32_0 = arith.constant 0 : i32
    %c0_i32_1 = arith.constant 0 : i32
    return %c0_i32, %c0_i32_0 : i32, i32
  }
  func.func @transform_8(%arg0: i32) -> (i32, i32) {
    %c0_i32 = arith.constant 0 : i32
    %c0_i32_0 = arith.constant 0 : i32
    return %arg0, %c0_i32 : i32, i32
  }
}

</mosaic_0001>

<sc_bundles>
// kernel: kernel.10.cloned.1.call-start
scs
__scs_entry_jumppad:
0x0: {  	(pc) =	sbr.rel $0x88, $3  }
0x1: {  	(tag) =	ssettag $0x0;
	lr =	simm.s32 $0x1  }
0x2: {  	[smem:$0x3F91] =	sst lr;
	_ =	strace $0xD0000000  }
0x3: {  	_ = 	snop  }
0x4: {  	_ = 	snop  }
0x5: {  	_ = 	snop  }
0x6: {  	_ = 	snop  }
0x7: {  	_ = 	snop  }
__scs_overlays_trampoline_lowered:
0x8: {  	[smem:$0x3FA0] =	sst s0  }
0x9: {  	[smem:$0x3FA1] =	sst s1  }
0xa: {  	[smem:$0x3FA2] =	sst s2  }
0xb: {  	[smem:$0x3FA3] =	sst s3  }
0xc: {  	[smem:$0x3FA4] =	sst s4  }
0xd: {  	[smem:$0x3FA5] =	sst s5  }
0xe: {  	[smem:$0x3FA6] =	sst s6  }
0xf: {  	[smem:$0x3FA7] =	sst s7  }
0x10: {  	[smem:$0x3FA8] =	sst s8  }
0x11: {  	[smem:$0x3FA9] =	sst s9;
	s0 =	simm.s32 @!p0 $0x0  }
0x12: {  	s1 =	sld [smem:$0x3F8F];
	s0 =	simm.s32 @p0 $0x1  }
0x13: {  	[smem:$0x3FAA] =	sst s0;
	s0 =	simm.s32 @!p1 $0x0  }
0x14: {  	s2 =	sld [smem:$0x3F8E];
	s0 =	simm.s32 @p1 $0x1  }
0x15: {  	[smem:$0x3FAB] =	sst s0;
	s0 =	simm.s32 @!p2 $0x0  }
0x16: {  	s3 =	sld [smem:$0x3FDB];
	s0 =	simm.s32 @p2 $0x1  }
0x17: {  	s4 =	simm.s32 $0x1BF5;
	[smem:$0x3FAD] =	sst s0  }
0x18: {  	s0 =	sld [smem:$0x3F90];
	_ =	swait.ge [sflag:s4], $0x0  }
0x19: {  	s7 =	sld [smem:$0x3F91]  }
0x1a: {  	s8 =	sadd.s32 $0xFFFFE003, lr  }
0x1b: {  	s9 =	sadd.s32 $0xFFFFFEF7, lr;
	s5 =	simm.s32 $0xFFFFFFFF;
	p2 =	slt.u32 s8, $0xFFFFF086  }
0x1c: {  	p1 =	slt.u32 s9, $0xF7A;
	s5 =	simm.s32 @!p2 $0x0  }
0x1d: {  	s5 =	simm.s32 @p1 $0x1;
	p0 =	seq.s32 s7, s2  }
0x1e: {  	s7 =	smul.u32 @!p0 $0xF7A, s2;
	p2 =	seq.s32 @!p0 s5, $0x0  }
0x1f: {  	s9 =	smul.u32 $0xF7A, s1;
	s8 =	simm.s32 @!p0 $0x1BF5;
	p2 =	por !p2, p0  }
0x20: {  	[sflag:s8] =	ssyncset.s32 @!p0 $0xFFFFF086;
	s6 =	sadd.s32 @!p0 s3, s7;
	s7 =	simm.s32 @!p0 $0x108  }
0x21: {  	s3 =	sadd.s32 s3, s9;
	s6 =	sadd.s32 @!p0 $0x88, s6;
	s7 =	simm.s32 @p2 $0x1082  }
0x22: {  	[simem:s7], [sflag:s8] =	dma.local @!p0 [hbm:s6], $0xF7A  }
0x23: {  	s9 =	sor.u32 $0xD0000000, s2;
	s6 =	simm.s32 $0x108;
	_ =	swait.ge @!p0 [sflag:s8], $0x0  }
0x24: {  	s3 =	sadd.s32 $0x88, s3;
	s6 =	simm.s32 @!p1 $0x1082;
	[sflag:s4] =	ssyncset.s32 $0xFFFFF086  }
0x25: {  	[simem:s6], [sflag:s4] =	dma.local [hbm:s3], $0xF7A  }
0x26: {  	[smem:$0x3F91] =	sst s1;
	(tag) =	ssettag s2;
	_ =	strace s9  }
0x27: {  	s1 =	sld [smem:$0x3FA1]  }
0x28: {  	s2 =	sld [smem:$0x3FA2]  }
0x29: {  	s4 =	sld [smem:$0x3FA4]  }
0x2a: {  	p0 =	seq.s32 s5, $0x0;
	s5 =	sld [smem:$0x3FA5]  }
0x2b: {  	s6 =	sld [smem:$0x3FA6]  }
0x2c: {  	s7 =	sld [smem:$0x3FA7]  }
0x2d: {  	s3 =	simm.s32 $0x108;
	s8 =	sld [smem:$0x3FA8]  }
0x2e: {  	s3 =	simm.s32 @!p0 $0x1082;
	s9 =	sld [smem:$0x3FA9]  }
0x2f: {  	lr =	sadd.s32 s0, s3;
	s0 =	sld [smem:$0x3FA0]  }
0x30: {  	s3 =	sld [smem:$0x3FA3]  }
0x31: {  	[smem:$0x3FAC] =	sst s10  }
0x32: {  	s10 =	sld [smem:$0x3FAA];
	_ =	sdelay $0x3  }
0x33: {  	p0 =	seq.s32 s10, $0x1;
	s10 =	sld [smem:$0x3FAC];
	_ =	sdelay $0x3  }
0x34: {  	[smem:$0x3FAC] =	sst s10  }
0x35: {  	s10 =	sld [smem:$0x3FAB];
	_ =	sdelay $0x3  }
0x36: {  	p1 =	seq.s32 s10, $0x1;
	s10 =	sld [smem:$0x3FAC];
	_ =	sdelay $0x3  }
0x37: {  	[smem:$0x3FAC] =	sst s10  }
0x38: {  	s10 =	sld [smem:$0x3FAD]  }
0x39: {  	_ = 	snop;
	(pc) =	sbr.ind lr, $3  }
0x3a: {  	_ = 	snop  }
0x3b: {  	_ = 	snop  }
0x3c: {  	p2 =	seq.s32 s10, $0x1;
	s10 =	sld [smem:$0x3FAC]  }
0x3d: {  	_ =	shalt  }
0x3e: {  	_ =	shalt  }
0x3f: {  	_ =	shalt  }
0x40: {  	_ =	shalt  }
0x41: {  	_ =	shalt  }
0x42: {  	_ =	shalt  }
0x43: {  	_ =	shalt  }
0x44: {  	_ =	shalt  }
0x45: {  	_ =	shalt  }
0x46: {  	_ =	shalt  }
0x47: {  	_ =	shalt  }
0x48: {  	_ =	shalt  }
0x49: {  	_ =	shalt  }
0x4a: {  	_ =	shalt  }
0x4b: {  	_ =	shalt  }
0x4c: {  	_ =	shalt  }
0x4d: {  	_ =	shalt  }
0x4e: {  	_ =	shalt  }
0x4f: {  	_ =	shalt  }
0x50: {  	_ =	shalt  }
0x51: {  	_ =	shalt  }
0x52: {  	_ =	shalt  }
0x53: {  	_ =	shalt  }
0x54: {  	_ =	shalt  }
0x55: {  	_ =	shalt  }
0x56: {  	_ =	shalt  }
0x57: {  	_ =	shalt  }
0x58: {  	_ =	shalt  }
0x59: {  	_ =	shalt  }
0x5a: {  	_ =	shalt  }
0x5b: {  	_ =	shalt  }
0x5c: {  	_ =	shalt  }
0x5d: {  	_ =	shalt  }
0x5e: {  	_ =	shalt  }
0x5f: {  	_ =	shalt  }
0x60: {  	_ =	shalt  }
0x61: {  	_ =	shalt  }
0x62: {  	_ =	shalt  }
0x63: {  	_ =	shalt  }
0x64: {  	_ =	shalt  }
0x65: {  	_ =	shalt  }
0x66: {  	_ =	shalt  }
0x67: {  	_ =	shalt  }
0x68: {  	_ =	shalt  }
0x69: {  	_ =	shalt  }
0x6a: {  	_ =	shalt  }
0x6b: {  	_ =	shalt  }
0x6c: {  	_ =	shalt  }
0x6d: {  	_ =	shalt  }
0x6e: {  	_ =	shalt  }
0x6f: {  	_ =	shalt  }
0x70: {  	_ =	shalt  }
0x71: {  	_ =	shalt  }
0x72: {  	_ =	shalt  }
0x73: {  	_ =	shalt  }
0x74: {  	_ =	shalt  }
0x75: {  	_ =	shalt  }
0x76: {  	_ =	shalt  }
0x77: {  	_ =	shalt  }
0x78: {  	_ =	shalt  }
0x79: {  	_ =	shalt  }
0x7a: {  	_ =	shalt  }
0x7b: {  	_ =	shalt  }
0x7c: {  	_ =	shalt  }
0x7d: {  	_ =	shalt  }
0x7e: {  	_ =	shalt  }
0x7f: {  	_ =	shalt  }
0x80: {  	_ =	shalt  }
0x81: {  	_ =	shalt  }
0x82: {  	_ =	shalt  }
0x83: {  	_ =	shalt  }
0x84: {  	_ =	shalt  }
0x85: {  	_ =	shalt  }
0x86: {  	_ =	shalt  }
0x87: {  	_ =	shalt  }
.Lfunc_end0:
.L_simem_size_0:
called_computation.1_lowered:
.L_overlay_start_0:
0x88: {  	s2 =	sld [smem:$0x3FD9]  }
0x89: {  	s3 =	sld [smem:$0x3FFE];
	_ =	sdelay $0x1  }
0x8a: {  	s1 =	srdreg.scid  }
0x8b: {  	s0 =	sand.u32 $0x1, s1  }
0x8c: {  	s16 =	sshll.u32 s0, $0xA;
	s2 =	sadd.s32 s3, s2  }
0x8d: {  	s2 =	sadd.s32 s2, s16  }
0x8e: {  	[smem:$0x3FB8] =	sst s2  }
0x8f: {  	_ = 	snop  }
0x90: {  	(tm) =	ssettm $0x1  }
0x91: {  	s17 =	sld [smem:$0x3FFB];
	_ =	sdelay $0x3  }
0x92: {  	_ =	strace s17  }
0x93: {  	s2 =	sld [smem:$0x3FFC];
	_ =	sdelay $0x3  }
0x94: {  	_ =	strace s2  }
0x95: {  	s2 =	sld [smem:$0x3FFD];
	_ =	sdelay $0x3  }
0x96: {  	_ =	strace s2  }
0x97: {  	_ =	strace $0x8FFFFFFF  }
0x98: {  	s18 =	sld [smem:$0x3FDB];
	_ =	sdelay $0x1  }
0x99: {  	s19 =	simm.s32 $_scs_section_size  }
0x9a: {  	s4 =	simm.s32 $_size__tile_overlayer_lowered;
	s5 =	simm.s32 $_tile_overlayer_lowered  }
0x9b: {  	s22 =	simm.s32 $0x1BFF;
	s21 =	sshll.u32 s5, $0x1;
	s2 =	sadd.s32 s19, s18  }
0x9c: {  	s6 =	simm.s32 $0x0;
	s20 =	sshll.u32 s4, $0x1;
	s4 =	sadd.s32 s21, s2  }
0x9d: {  	[timem:s6], [sflag:s22] =	dma.local [hbm:s4], s20  }
0x9e: {  	_ =	swait.ge [sflag:s22], s20  }
0x9f: {  	s3 =	ssub.s32 $0x0, s20;
	[sflag:s22] =	ssyncset.done $0x0  }
0xa0: {  	[sflag:s22] =	ssyncadd.s32 s3;
	_ =	sdelay $0x1  }
0xa1: {  	s23 =	simm.s32 $0x1B8B  }
0xa2: {  	_ =	swait.ge [sflag:s23], $0x1  }
0xa3: {  	[sflag:s23] =	ssyncset.done $0x0  }
0xa4: {  	s25 =	simm.s32 $0x1B8E;
	s24 =	sld [smem:$0x3FFE];
	[sflag:s23] =	ssyncadd.s32 $0xFFFFFFFF  }
0xa5: {  	s26 =	simm.s32 $execute0_lowered;
	[smem:$0x3FD2] =	sst s25  }
0xa6: {  	s4 =	sshll.u32 s26, $0x1;
	_ =	strace $0x80000049;
	[dreg:$0x1] =	wrdreg $0xFFFFFFFF  }
0xa7: {  	s28 =	simm.s32 $_size_execute0_lowered;
	s2 =	sadd.s32 s2, s4;
	[dreg:$0x0] =	wrdreg $0x0  }
0xa8: {  	s4 =	sshll.u32 s28, $0x1;
	[dreg:$0x2] =	wrdreg s2  }
0xa9: {  	[dreg:$0x3] =	wrdreg s4  }
0xaa: {  	[dreg:$0x4] =	wrdreg $0xC0  }
0xab: {  	_ =	task [dreg:s6], $0x5FFFF  }
0xac: {  	[dreg:$0x1] =	wrdreg $0xFFFFFFFF  }
0xad: {  	[dreg:$0x0] =	wrdreg $0x60  }
0xae: {  	[dreg:$0x2] =	wrdreg s24  }
0xaf: {  	[dreg:$0x3] =	wrdreg $0x9  }
0xb0: {  	_ =	task.clear_ibuf [dreg:s6], $0x4FFFF;
	_ =	strace $0x90000049  }
0xb1: {  	s29 =	simm.s32 $0x9;
	_ =	strace $0x8000004B  }
0xb2: {  	_ =	swait.ge [sflag:s29], $0x1  }
0xb3: {  	[sflag:s29] =	ssyncadd.s32 $0xFFFFFFFF  }
0xb4: {  	_ =	strace $0x9000004B  }
0xb5: {  	_ =	sfence  }
0xb6: {  	s30 =	sld [smem:$0x0];
	_ =	sdelay $0x2  }
0xb7: {  	s31 =	sshll.u32 s1, $0xD;
	s1 =	sshrl.u32 s1, $0x2  }
0xb8: {  	s3 =	sand.u32 $0x4000, s31;
	s1 =	sadd.s32 s1, s30  }
0xb9: {  	s0 =	sor.u32 s3, s0;
	s1 =	sshll.u32 s1, $0x11  }
0xba: {  	s0 =	sor.u32 s1, s0  }
0xbb: {  	s0 =	sadd.s32 $0x8F2B, s0  }
0xbc: {  	[sflag:s0] =	ssyncadd.remote.s32 $0x1  }
0xbd: {  	_ =	sfence.sel $0xFFFF  }
0xbe: {  	[dreg:$0x0] =	wrdreg $0xFFFFFFFF;
	(pc) =	sbr.abs _section_cstart, $3  }
0xbf: {  	[dreg:$0x1] =	wrdreg $0xFFFFFFFF  }
0xc0: {  	_ =	task.clear_ibuf [dreg:s6], $0x2FFFF;
	_ =	strace $0x9FFFFFFF  }
0xc1: {  	(tm) =	ssettm $0x7FFFFFFF  }
tec
execute0_lowered:
.L_overlay_start_1:
0x0: {  	(tag) =	ssettag $0x1  }
0x1: {  	s0 =	srdreg.scid  }
0x2: {  	s9 =	stileid.u32;
	s4 =	rddreg [dreg:$0x0];
	s2 =	simm.s32 $0x0  }
0x3: {  	s13 =	simm.s32 $0x80;
	s14 =	simm.s32 $0x3100;
	s15 =	simm.s32 $0x7100  }
0x4: {  	s17 =	simm.s32 $0xB100;
	s19 =	simm.s32 $0xF100;
	s21 =	simm.s32 $0x13100  }
0x5: {  	s28 =	simm.s32 $0x2;
	s29 =	simm.s32 $0x3;
	s30 =	simm.s32 $0x4  }
0x6: {  	s31 =	simm.s32 $0x5;
	s16 =	simm.s32 $0x8;
	s18 =	simm.s32 $0x9  }
0x7: {  	s20 =	simm.s32 $0xA;
	s0 =	sand.u32 $0x1, s0;
	s5 =	smul.u32 $0xC4, s9  }
0x8: {  	s1 =	sshll.u32 s9, $0x1;
	[smem:$0x7FF] =	sst s2;
	s24 =	smul.u32 $0x62000, s9  }
0x9: {  	s3 =	sadd.s32 $0x3400, s4;
	s6 =	ssub.s32 $0x2, s0;
	s7 =	smul.u32 $0x62, s0  }
0xa: {  	s1 =	sor.u32 s0, s1;
	s0 =	smul.u32 $0x31000, s0;
	s8 =	sshrl.u32 s6, $0x1  }
0xb: {  	_ =	strace $0x8000004A;
	s1 =	smul.u32 $0x620, s1;
	s22 =	ssub.s32 s6, s8  }
0xc: {  	s5 =	sadd.s32 s7, s5;
	s11 =	sadd.s32 s0, s24;
	s0 =	simm.s32 $0x7  }
0xd: {  	s24 =	simm.s32 $0xC;
	s7 =	simm.s32 $0x0;
	s1 =	sadd.s32 s1, s4  }
0xe: {  	s4 =	sadd.s32 $0x65800, s4;
	s23 =	sshll.u32 s5, $0xB;
	s5 =	simm.s32 $0xE  }
0xf: {  	[dreg:$0x2] =	wrdreg s4;
	s1 =	sadd.s32 $0x694200, s1;
	s4 =	smax.u32 s22, $0x1  }
.Ltmp0:
0x10: {  	s25 =	sadd.s32 $0x3000, s23;
	[dreg:$0x3] =	wrdreg s1;
	(pc) =	sbr.rel .LBB2_1-.Ltmp0, $4  }
0x11: {  	s26 =	sadd.s32 $0x2000, s23;
	s9 =	sadd.s32 $0x1000, s23;
	[dreg:$0x4] =	wrdreg s4  }
0x12: {  	s10 =	sor.u32 $0x800, s23;
	s23 =	simm.s32 $0x17100;
	[dreg:$0x5] =	wrdreg s25  }
0x13: {  	s22 =	simm.s32 $0xB;
	[dreg:$0x6] =	wrdreg s26;
	s25 =	simm.s32 $0x1B100  }
0x14: {  	s26 =	simm.s32 $0x1;
	s1 =	simm.s32 $0x6;
	s4 =	simm.s32 $0xD  }
.LBB2_4:
0x15: {  	_ =	swait.ge [sflag:s18], $0x4000  }
0x16: {  	[sflag:s18] =	ssyncset.done $0x0  }
0x17: {  	[sflag:s18] =	ssyncadd.s32 $0xFFFFC000  }
0x18: {  	_ =	swait.ge [sflag:s20], $0x4000  }
0x19: {  	[sflag:s20] =	ssyncset.done $0x0  }
0x1a: {  	[sflag:s20] =	ssyncadd.s32 $0xFFFFC000  }
0x1b: {  	_ =	swait.ge [sflag:s22], $0x4000  }
0x1c: {  	[sflag:s22] =	ssyncset.done $0x0  }
0x1d: {  	[sflag:s22] =	ssyncadd.s32 $0xFFFFC000  }
0x1e: {  	_ =	swait.ge [sflag:s24], $0x4000  }
0x1f: {  	[sflag:s24] =	ssyncset.done $0x0  }
0x20: {  	[sflag:s24] =	ssyncadd.s32 $0xFFFFC000  }
0x21: {  	_ =	swait.ge [sflag:s4], $0x4000  }
0x22: {  	[sflag:s4] =	ssyncset.done $0x0  }
0x23: {  	[sflag:s4] =	ssyncadd.s32 $0xFFFFC000  }
0x24: {  	_ =	swait.ge [sflag:s5], $0x4000  }
0x25: {  	s7 =	rddreg [dreg:$0x7]  }
0x26: {  	s6 =	rddreg [dreg:$0x4];
	s7 =	sadd.s32 $0x1, s7  }
0x27: {  	p0 =	sne.s32 s7, s6  }
.Ltmp1:
0x28: {  	_ = 	snop;
	(pc) =	sbr.rel @!p0 .LBB2_5-.Ltmp1, $3  }
0x29: {  	_ =	sdelay $0x1  }
0x2a: {  	[sflag:s5] =	ssyncset.done $0x0  }
0x2b: {  	[sflag:s5] =	ssyncadd.s32 $0xFFFFC000  }
.LBB2_1:
0x2c: {  	[dreg:$0x7] =	wrdreg s7  }
0x2d: {  	s6 =	rddreg [dreg:$0x3];
	s7 =	simm.s32 $0xF  }
0x2e: {  	[tilespmem:s2], [sflag:$0xF] =	stream.linear.gather [hbm4b:s6+s2], $0x3100, $0x38;
	[tilespmem:$0x1F100] =	vst v63  }
0x2f: {  	_ =	swait.ge [sflag:s7], $0x3100  }
0x30: {  	[sflag:s7] =	ssyncset.done $0x0  }
0x31: {  	[sflag:s7] =	ssyncadd.s32 $0xFFFFCF00  }
0x32: {  	[tilespmem:s14], [sflag:$0x1] =	stream.indirect.gather [hbm4b:s3+s13], $0x80, s2, s13, $0xb8;
	[tilespmem:$0x1F100] =	vst v63  }
0x33: {  	_ = 	snop  }
0x34: {  	[tilespmem:s15], [sflag:$0x2] =	stream.indirect.gather [hbm4b:s3+s13], $0x80, s13, s13, $0xb8;
	[tilespmem:$0x1F100] =	vst v63  }
0x35: {  	s8 =	simm.s32 $0x100  }
0x36: {  	[tilespmem:s17], [sflag:$0x3] =	stream.indirect.gather [hbm4b:s3+s13], $0x80, s8, s13, $0xb8;
	[tilespmem:$0x1F100] =	vst v63  }
0x37: {  	s12 =	simm.s32 $0x180  }
0x38: {  	[tilespmem:s19], [sflag:$0x4] =	stream.indirect.gather [hbm4b:s3+s13], $0x80, s12, s13, $0xb8;
	[tilespmem:$0x1F100] =	vst v63  }
0x39: {  	s7 =	simm.s32 $0x200  }
0x3a: {  	[tilespmem:s21], [sflag:$0x5] =	stream.indirect.gather [hbm4b:s3+s13], $0x80, s7, s13, $0xb8;
	[tilespmem:$0x1F100] =	vst v63  }
0x3b: {  	s8 =	simm.s32 $0x280  }
0x3c: {  	[tilespmem:s23], [sflag:$0x6] =	stream.indirect.gather [hbm4b:s3+s13], $0x80, s8, s13, $0xb8;
	[tilespmem:$0x1F100] =	vst v63  }
0x3d: {  	s12 =	simm.s32 $0x300  }
0x3e: {  	[tilespmem:s25], [sflag:$0x7] =	stream.indirect.gather [hbm4b:s3+s13], $0x80, s12, s13, $0xb8;
	[tilespmem:$0x1F100] =	vst v63  }
0x3f: {  	s6 =	simm.s32 $0x0;
	s12 =	rddreg [dreg:$0x2]  }
.LBB2_2:
0x40: {  	_ =	swait.ge [sflag:s26], $0x4000  }
0x41: {  	[sflag:s26] =	ssyncset.done $0x0  }
0x42: {  	s7 =	sadd.s32 s12, s11;
	[sflag:s26] =	ssyncadd.s32 $0xFFFFC000  }
0x43: {  	[hbm4b:s7+s2] =	stream.linear.scatter [tilespmem:s14], [sflag:$0x8], $0x4000, $0x38;
	[tilespmem:$0x1F100] =	vst v63  }
0x44: {  	_ =	swait.ge [sflag:s28], $0x4000  }
0x45: {  	[sflag:s28] =	ssyncset.done $0x0  }
0x46: {  	s8 =	sadd.s32 s12, s10;
	[sflag:s28] =	ssyncadd.s32 $0xFFFFC000  }
0x47: {  	[hbm4b:s8+s2] =	stream.linear.scatter [tilespmem:s15], [sflag:$0x9], $0x4000, $0x38;
	[tilespmem:$0x1F100] =	vst v63  }
0x48: {  	_ =	swait.ge [sflag:s29], $0x4000  }
0x49: {  	[sflag:s29] =	ssyncset.done $0x0  }
0x4a: {  	s8 =	sadd.s32 s12, s9;
	[sflag:s29] =	ssyncadd.s32 $0xFFFFC000  }
0x4b: {  	[hbm4b:s8+s2] =	stream.linear.scatter [tilespmem:s17], [sflag:$0xA], $0x4000, $0x38;
	[tilespmem:$0x1F100] =	vst v63  }
0x4c: {  	_ =	swait.ge [sflag:s30], $0x4000  }
0x4d: {  	[sflag:s30] =	ssyncset.done $0x0  }
0x4e: {  	s7 =	sadd.s32 $0x800, s8;
	[sflag:s30] =	ssyncadd.s32 $0xFFFFC000  }
0x4f: {  	[hbm4b:s7+s2] =	stream.linear.scatter [tilespmem:s19], [sflag:$0xB], $0x4000, $0x38;
	[tilespmem:$0x1F100] =	vst v63  }
0x50: {  	_ =	swait.ge [sflag:s31], $0x4000  }
0x51: {  	[sflag:s31] =	ssyncset.done $0x0;
	s8 =	rddreg [dreg:$0x6]  }
0x52: {  	[sflag:s31] =	ssyncadd.s32 $0xFFFFC000;
	s7 =	sadd.s32 s12, s8  }
0x53: {  	[hbm4b:s7+s2] =	stream.linear.scatter [tilespmem:s21], [sflag:$0xC], $0x4000, $0x38;
	[tilespmem:$0x1F100] =	vst v63  }
0x54: {  	_ =	swait.ge [sflag:s1], $0x4000  }
0x55: {  	[sflag:s1] =	ssyncset.done $0x0  }
0x56: {  	s7 =	sadd.s32 $0x800, s7;
	[sflag:s1] =	ssyncadd.s32 $0xFFFFC000  }
0x57: {  	[hbm4b:s7+s2] =	stream.linear.scatter [tilespmem:s23], [sflag:$0xD], $0x4000, $0x38;
	[tilespmem:$0x1F100] =	vst v63  }
0x58: {  	_ =	swait.ge [sflag:s0], $0x4000  }
0x59: {  	p0 =	seq.s32 s6, $0xB600;
	[sflag:s0] =	ssyncset.done $0x0;
	s8 =	rddreg [dreg:$0x5]  }
.Ltmp2:
0x5a: {  	[sflag:s0] =	ssyncadd.s32 $0xFFFFC000;
	s7 =	sadd.s32 s12, s8;
	(pc) =	sbr.rel @p0 .LBB2_4-.Ltmp2, $4  }
0x5b: {  	[hbm4b:s7+s2] =	stream.linear.scatter [tilespmem:s25], [sflag:$0xE], $0x4000, $0x38;
	[tilespmem:$0x1F100] =	vst v63  }
0x5c: {  	_ =	swait.ge [sflag:s16], $0x4000  }
0x5d: {  	[sflag:s16] =	ssyncset.done $0x0  }
0x5e: {  	[sflag:s16] =	ssyncadd.s32 $0xFFFFC000  }
0x5f: {  	s7 =	sshra.s32 s6, $0x2  }
0x60: {  	s8 =	sadd.s32 $0x380, s7  }
0x61: {  	[tilespmem:s14], [sflag:$0x1] =	stream.indirect.gather [hbm4b:s3+s13], $0x80, s8, s13, $0xb8;
	[tilespmem:$0x1F100] =	vst v63  }
0x62: {  	_ =	swait.ge [sflag:s18], $0x4000  }
0x63: {  	[sflag:s18] =	ssyncset.done $0x0  }
0x64: {  	s8 =	sadd.s32 $0x400, s7;
	[sflag:s18] =	ssyncadd.s32 $0xFFFFC000  }
0x65: {  	[tilespmem:s15], [sflag:$0x2] =	stream.indirect.gather [hbm4b:s3+s13], $0x80, s8, s13, $0xb8;
	[tilespmem:$0x1F100] =	vst v63  }
0x66: {  	_ =	swait.ge [sflag:s20], $0x4000  }
0x67: {  	[sflag:s20] =	ssyncset.done $0x0  }
0x68: {  	s8 =	sadd.s32 $0x480, s7;
	[sflag:s20] =	ssyncadd.s32 $0xFFFFC000  }
0x69: {  	[tilespmem:s17], [sflag:$0x3] =	stream.indirect.gather [hbm4b:s3+s13], $0x80, s8, s13, $0xb8;
	[tilespmem:$0x1F100] =	vst v63  }
0x6a: {  	_ =	swait.ge [sflag:s22], $0x4000  }
0x6b: {  	[sflag:s22] =	ssyncset.done $0x0  }
0x6c: {  	s8 =	sadd.s32 $0x500, s7;
	[sflag:s22] =	ssyncadd.s32 $0xFFFFC000  }
0x6d: {  	[tilespmem:s19], [sflag:$0x4] =	stream.indirect.gather [hbm4b:s3+s13], $0x80, s8, s13, $0xb8;
	[tilespmem:$0x1F100] =	vst v63  }
0x6e: {  	_ =	swait.ge [sflag:s24], $0x4000  }
0x6f: {  	[sflag:s24] =	ssyncset.done $0x0  }
0x70: {  	s8 =	sadd.s32 $0x580, s7;
	[sflag:s24] =	ssyncadd.s32 $0xFFFFC000  }
0x71: {  	[tilespmem:s21], [sflag:$0x5] =	stream.indirect.gather [hbm4b:s3+s13], $0x80, s8, s13, $0xb8;
	[tilespmem:$0x1F100] =	vst v63  }
0x72: {  	_ =	swait.ge [sflag:s4], $0x4000  }
0x73: {  	[sflag:s4] =	ssyncset.done $0x0  }
0x74: {  	s8 =	sadd.s32 $0x600, s7;
	[sflag:s4] =	ssyncadd.s32 $0xFFFFC000  }
0x75: {  	[tilespmem:s23], [sflag:$0x6] =	stream.indirect.gather [hbm4b:s3+s13], $0x80, s8, s13, $0xb8;
	[tilespmem:$0x1F100] =	vst v63  }
.Ltmp3:
0x76: {  	_ = 	snop;
	(pc) =	sbr.rel .LBB2_2-.Ltmp3, $4  }
0x77: {  	_ =	swait.ge [sflag:s5], $0x4000  }
0x78: {  	s6 =	sadd.s32 $0xE00, s6;
	[sflag:s5] =	ssyncset.done $0x0  }
0x79: {  	s12 =	sadd.s32 $0x3800, s12;
	s7 =	sadd.s32 $0x680, s7;
	[sflag:s5] =	ssyncadd.s32 $0xFFFFC000  }
0x7a: {  	[tilespmem:s25], [sflag:$0x7] =	stream.indirect.gather [hbm4b:s3+s13], $0x80, s7, s13, $0xb8;
	[tilespmem:$0x1F100] =	vst v63  }
.LBB2_5:
0x7b: {  	_ =	sfence.sel $0x180000  }
0x7c: {  	[bflag:$0x0] =	sbarrier.arrive $0xFFFF  }
0x7d: {  	_ =	strace $0x9000004A  }
0x7e: {  	s0 =	stileid.u32;
	[bflag:$0x2] =	sbarrier.arrive $0xFFFF  }
0x7f: {  	p0 =	sne.s32 s0, $0x0;
	s0 =	rddreg [dreg:$0x1]  }
0x80: {  	s0 =	sadd.s32 @!p0 $0x100000, s0  }
0x81: {  	[sflag:s0] =	ssyncadd.tile.s32 @!p0 $0x1;
	_ =	shalt  }
.Lfunc_end2:
_tile_overlayer_lowered:
.L_overlay_start_2:
0x82: {  	(tag) =	ssettag $0x2  }
0x83: {  	s0 =	rddreg [dreg:$0x0];
	s2 =	stileid.u32  }
0x84: {  	s1 =	rddreg [dreg:$0x1];
	p0 =	sne.s32 s2, $0x0  }
0x85: {  	s3 =	rddreg [dreg:$0x2];
	[bflag:$0x3] =	sbarrier.arrive $0xFFFF;
	s2 =	simm.s32 @!p0 $0x1C0F  }
0x86: {  	[timem:s3], [sflag:s2] =	dma.local @!p0 [hbm:s0], s1  }
0x87: {  	s0 =	simm.s32 @!p0 $0xF  }
0x88: {  	_ =	swait.ge @!p0 [sflag:s0], s1  }
0x89: {  	s1 =	ssub.s32 @!p0 $0x0, s1;
	[sflag:s0] =	ssyncset.done @!p0 $0x0  }
0x8a: {  	[sflag:s0] =	ssyncadd.s32 @!p0 s1  }
0x8b: {  	[bflag:$0x3] =	sbarrier.arrive $0xFFFF  }
0x8c: {  	_ =	shalt  }

// kernel: kernel.7.cloned.1.call-start
scs
__scs_entry_jumppad:
0x0: {  	(pc) =	sbr.rel $0x88, $3  }
0x1: {  	(tag) =	ssettag $0x0;
	lr =	simm.s32 $0x1  }
0x2: {  	[smem:$0x3F91] =	sst lr;
	_ =	strace $0xD0000000  }
0x3: {  	_ = 	snop  }
0x4: {  	_ = 	snop  }
0x5: {  	_ = 	snop  }
0x6: {  	_ = 	snop  }
0x7: {  	_ = 	snop  }
__scs_overlays_trampoline_lowered:
0x8: {  	[smem:$0x3FA0] =	sst s0  }
0x9: {  	[smem:$0x3FA1] =	sst s1  }
0xa: {  	[smem:$0x3FA2] =	sst s2  }
0xb: {  	[smem:$0x3FA3] =	sst s3  }
0xc: {  	[smem:$0x3FA4] =	sst s4  }
0xd: {  	[smem:$0x3FA5] =	sst s5  }
0xe: {  	[smem:$0x3FA6] =	sst s6  }
0xf: {  	[smem:$0x3FA7] =	sst s7  }
0x10: {  	[smem:$0x3FA8] =	sst s8  }
0x11: {  	[smem:$0x3FA9] =	sst s9;
	s0 =	simm.s32 @!p0 $0x0  }
0x12: {  	s1 =	sld [smem:$0x3F8F];
	s0 =	simm.s32 @p0 $0x1  }
0x13: {  	[smem:$0x3FAA] =	sst s0;
	s0 =	simm.s32 @!p1 $0x0  }
0x14: {  	s2 =	sld [smem:$0x3F8E];
	s0 =	simm.s32 @p1 $0x1  }
0x15: {  	[smem:$0x3FAB] =	sst s0;
	s0 =	simm.s32 @!p2 $0x0  }
0x16: {  	s3 =	sld [smem:$0x3FDB];
	s0 =	simm.s32 @p2 $0x1  }
0x17: {  	s4 =	simm.s32 $0x1BF5;
	[smem:$0x3FAD] =	sst s0  }
0x18: {  	s0 =	sld [smem:$0x3F90];
	_ =	swait.ge [sflag:s4], $0x0  }
0x19: {  	s7 =	sld [smem:$0x3F91]  }
0x1a: {  	s8 =	sadd.s32 $0xFFFFE003, lr  }
0x1b: {  	s9 =	sadd.s32 $0xFFFFFEF7, lr;
	s5 =	simm.s32 $0xFFFFFFFF;
	p2 =	slt.u32 s8, $0xFFFFF086  }
0x1c: {  	p1 =	slt.u32 s9, $0xF7A;
	s5 =	simm.s32 @!p2 $0x0  }
0x1d: {  	s5 =	simm.s32 @p1 $0x1;
	p0 =	seq.s32 s7, s2  }
0x1e: {  	s7 =	smul.u32 @!p0 $0xF7A, s2;
	p2 =	seq.s32 @!p0 s5, $0x0  }
0x1f: {  	s9 =	smul.u32 $0xF7A, s1;
	s8 =	simm.s32 @!p0 $0x1BF5;
	p2 =	por !p2, p0  }
0x20: {  	[sflag:s8] =	ssyncset.s32 @!p0 $0xFFFFF086;
	s6 =	sadd.s32 @!p0 s3, s7;
	s7 =	simm.s32 @!p0 $0x108  }
0x21: {  	s3 =	sadd.s32 s3, s9;
	s6 =	sadd.s32 @!p0 $0x88, s6;
	s7 =	simm.s32 @p2 $0x1082  }
0x22: {  	[simem:s7], [sflag:s8] =	dma.local @!p0 [hbm:s6], $0xF7A  }
0x23: {  	s9 =	sor.u32 $0xD0000000, s2;
	s6 =	simm.s32 $0x108;
	_ =	swait.ge @!p0 [sflag:s8], $0x0  }
0x24: {  	s3 =	sadd.s32 $0x88, s3;
	s6 =	simm.s32 @!p1 $0x1082;
	[sflag:s4] =	ssyncset.s32 $0xFFFFF086  }
0x25: {  	[simem:s6], [sflag:s4] =	dma.local [hbm:s3], $0xF7A  }
0x26: {  	[smem:$0x3F91] =	sst s1;
	(tag) =	ssettag s2;
	_ =	strace s9  }
0x27: {  	s1 =	sld [smem:$0x3FA1]  }
0x28: {  	s2 =	sld [smem:$0x3FA2]  }
0x29: {  	s4 =	sld [smem:$0x3FA4]  }
0x2a: {  	p0 =	seq.s32 s5, $0x0;
	s5 =	sld [smem:$0x3FA5]  }
0x2b: {  	s6 =	sld [smem:$0x3FA6]  }
0x2c: {  	s7 =	sld [smem:$0x3FA7]  }
0x2d: {  	s3 =	simm.s32 $0x108;
	s8 =	sld [smem:$0x3FA8]  }
0x2e: {  	s3 =	simm.s32 @!p0 $0x1082;
	s9 =	sld [smem:$0x3FA9]  }
0x2f: {  	lr =	sadd.s32 s0, s3;
	s0 =	sld [smem:$0x3FA0]  }
0x30: {  	s3 =	sld [smem:$0x3FA3]  }
0x31: {  	[smem:$0x3FAC] =	sst s10  }
0x32: {  	s10 =	sld [smem:$0x3FAA];
	_ =	sdelay $0x3  }
0x33: {  	p0 =	seq.s32 s10, $0x1;
	s10 =	sld [smem:$0x3FAC];
	_ =	sdelay $0x3  }
0x34: {  	[smem:$0x3FAC] =	sst s10  }
0x35: {  	s10 =	sld [smem:$0x3FAB];
	_ =	sdelay $0x3  }
0x36: {  	p1 =	seq.s32 s10, $0x1;
	s10 =	sld [smem:$0x3FAC];
	_ =	sdelay $0x3  }
0x37: {  	[smem:$0x3FAC] =	sst s10  }
0x38: {  	s10 =	sld [smem:$0x3FAD]  }
0x39: {  	_ = 	snop;
	(pc) =	sbr.ind lr, $3  }
0x3a: {  	_ = 	snop  }
0x3b: {  	_ = 	snop  }
0x3c: {  	p2 =	seq.s32 s10, $0x1;
	s10 =	sld [smem:$0x3FAC]  }
0x3d: {  	_ =	shalt  }
0x3e: {  	_ =	shalt  }
0x3f: {  	_ =	shalt  }
0x40: {  	_ =	shalt  }
0x41: {  	_ =	shalt  }
0x42: {  	_ =	shalt  }
0x43: {  	_ =	shalt  }
0x44: {  	_ =	shalt  }
0x45: {  	_ =	shalt  }
0x46: {  	_ =	shalt  }
0x47: {  	_ =	shalt  }
0x48: {  	_ =	shalt  }
0x49: {  	_ =	shalt  }
0x4a: {  	_ =	shalt  }
0x4b: {  	_ =	shalt  }
0x4c: {  	_ =	shalt  }
0x4d: {  	_ =	shalt  }
0x4e: {  	_ =	shalt  }
0x4f: {  	_ =	shalt  }
0x50: {  	_ =	shalt  }
0x51: {  	_ =	shalt  }
0x52: {  	_ =	shalt  }
0x53: {  	_ =	shalt  }
0x54: {  	_ =	shalt  }
0x55: {  	_ =	shalt  }
0x56: {  	_ =	shalt  }
0x57: {  	_ =	shalt  }
0x58: {  	_ =	shalt  }
0x59: {  	_ =	shalt  }
0x5a: {  	_ =	shalt  }
0x5b: {  	_ =	shalt  }
0x5c: {  	_ =	shalt  }
0x5d: {  	_ =	shalt  }
0x5e: {  	_ =	shalt  }
0x5f: {  	_ =	shalt  }
0x60: {  	_ =	shalt  }
0x61: {  	_ =	shalt  }
0x62: {  	_ =	shalt  }
0x63: {  	_ =	shalt  }
0x64: {  	_ =	shalt  }
0x65: {  	_ =	shalt  }
0x66: {  	_ =	shalt  }
0x67: {  	_ =	shalt  }
0x68: {  	_ =	shalt  }
0x69: {  	_ =	shalt  }
0x6a: {  	_ =	shalt  }
0x6b: {  	_ =	shalt  }
0x6c: {  	_ =	shalt  }
0x6d: {  	_ =	shalt  }
0x6e: {  	_ =	shalt  }
0x6f: {  	_ =	shalt  }
0x70: {  	_ =	shalt  }
0x71: {  	_ =	shalt  }
0x72: {  	_ =	shalt  }
0x73: {  	_ =	shalt  }
0x74: {  	_ =	shalt  }
0x75: {  	_ =	shalt  }
0x76: {  	_ =	shalt  }
0x77: {  	_ =	shalt  }
0x78: {  	_ =	shalt  }
0x79: {  	_ =	shalt  }
0x7a: {  	_ =	shalt  }
0x7b: {  	_ =	shalt  }
0x7c: {  	_ =	shalt  }
0x7d: {  	_ =	shalt  }
0x7e: {  	_ =	shalt  }
0x7f: {  	_ =	shalt  }
0x80: {  	_ =	shalt  }
0x81: {  	_ =	shalt  }
0x82: {  	_ =	shalt  }
0x83: {  	_ =	shalt  }
0x84: {  	_ =	shalt  }
0x85: {  	_ =	shalt  }
0x86: {  	_ =	shalt  }
0x87: {  	_ =	shalt  }
.Lfunc_end0:
.L_simem_size_0:
called_computation_lowered:
.L_overlay_start_0:
0x88: {  	s2 =	sld [smem:$0x3FD9]  }
0x89: {  	s3 =	sld [smem:$0x3FFE];
	_ =	sdelay $0x1  }
0x8a: {  	s1 =	srdreg.scid  }
0x8b: {  	s0 =	sand.u32 $0x1, s1  }
0x8c: {  	s17 =	sshll.u32 s0, $0xA;
	s2 =	sadd.s32 s3, s2  }
0x8d: {  	s2 =	sadd.s32 s2, s17  }
0x8e: {  	[smem:$0x3FB8] =	sst s2  }
0x8f: {  	_ = 	snop  }
0x90: {  	s2 =	sld [smem:$0x3FC9]  }
0x91: {  	s18 =	sld [smem:$0x3FD0];
	(tm) =	ssettm $0x1  }
0x92: {  	s4 =	sld [smem:$0x3FFB];
	_ =	sdelay $0x3  }
0x93: {  	_ =	strace s4  }
0x94: {  	s4 =	sld [smem:$0x3FFC];
	_ =	sdelay $0x3  }
0x95: {  	_ =	strace s4  }
0x96: {  	s4 =	sld [smem:$0x3FFD];
	_ =	sdelay $0x3  }
0x97: {  	_ =	strace s4  }
0x98: {  	_ =	strace $0x8FFFFFFF  }
0x99: {  	s19 =	sld [smem:$0x3FDB];
	_ =	sdelay $0x1  }
0x9a: {  	s5 =	simm.s32 $_scs_section_size  }
0x9b: {  	s6 =	simm.s32 $_size__tile_overlayer_lowered;
	s7 =	simm.s32 $_tile_overlayer_lowered  }
0x9c: {  	s22 =	simm.s32 $0x1BFF;
	s21 =	sshll.u32 s7, $0x1;
	s4 =	sadd.s32 s5, s19  }
0x9d: {  	s8 =	simm.s32 $0x0;
	s20 =	sshll.u32 s6, $0x1;
	s6 =	sadd.s32 s21, s4  }
0x9e: {  	[timem:s8], [sflag:s22] =	dma.local [hbm:s6], s20  }
0x9f: {  	_ =	swait.ge [sflag:s22], s20  }
0xa0: {  	s5 =	ssub.s32 $0x0, s20;
	[sflag:s22] =	ssyncset.done $0x0  }
0xa1: {  	[sflag:s22] =	ssyncadd.s32 s5;
	_ =	sdelay $0x1  }
0xa2: {  	s23 =	simm.s32 $0x1B8B  }
0xa3: {  	_ =	swait.ge [sflag:s23], $0x1  }
0xa4: {  	[sflag:s23] =	ssyncset.done $0x0  }
0xa5: {  	s25 =	simm.s32 $0x1B8E;
	s24 =	sld [smem:$0x3FFE];
	[sflag:s23] =	ssyncadd.s32 $0xFFFFFFFF  }
0xa6: {  	s26 =	simm.s32 $execute0_lowered;
	[smem:$0x3FD2] =	sst s25  }
0xa7: {  	s6 =	sshll.u32 s26, $0x1;
	_ =	strace $0x80000046;
	[dreg:$0x1] =	wrdreg $0xFFFFFFFF  }
0xa8: {  	s28 =	simm.s32 $_size_execute0_lowered;
	s4 =	sadd.s32 s4, s6;
	[dreg:$0x0] =	wrdreg $0x0  }
0xa9: {  	s6 =	sshll.u32 s28, $0x1;
	[dreg:$0x2] =	wrdreg s4  }
0xaa: {  	[dreg:$0x3] =	wrdreg s6  }
0xab: {  	[dreg:$0x4] =	wrdreg $0xC0  }
0xac: {  	_ =	task [dreg:s8], $0x5FFFF  }
0xad: {  	[dreg:$0x1] =	wrdreg $0xFFFFFFFF  }
0xae: {  	[dreg:$0x0] =	wrdreg $0x60  }
0xaf: {  	[dreg:$0x2] =	wrdreg s2  }
0xb0: {  	[dreg:$0x3] =	wrdreg s18  }
0xb1: {  	[dreg:$0x4] =	wrdreg s24  }
0xb2: {  	[dreg:$0x5] =	wrdreg $0x9  }
0xb3: {  	_ =	task.clear_ibuf [dreg:s8], $0x6FFFF;
	_ =	strace $0x90000046  }
0xb4: {  	s29 =	simm.s32 $0x9;
	_ =	strace $0x80000048  }
0xb5: {  	_ =	swait.ge [sflag:s29], $0x1  }
0xb6: {  	[sflag:s29] =	ssyncadd.s32 $0xFFFFFFFF  }
0xb7: {  	_ =	strace $0x90000048  }
0xb8: {  	_ =	sfence  }
0xb9: {  	s30 =	sld [smem:$0x0];
	_ =	sdelay $0x2  }
0xba: {  	s31 =	sshll.u32 s1, $0xD;
	s1 =	sshrl.u32 s1, $0x2  }
0xbb: {  	s3 =	sand.u32 $0x4000, s31;
	s1 =	sadd.s32 s1, s30  }
0xbc: {  	s0 =	sor.u32 s3, s0;
	s1 =	sshll.u32 s1, $0x11  }
0xbd: {  	s0 =	sor.u32 s1, s0  }
0xbe: {  	s0 =	sadd.s32 $0x8F2B, s0  }
0xbf: {  	[sflag:s0] =	ssyncadd.remote.s32 $0x1  }
0xc0: {  	_ =	sfence.sel $0xFFFF  }
0xc1: {  	[dreg:$0x0] =	wrdreg $0xFFFFFFFF;
	(pc) =	sbr.abs _section_cstart, $3  }
0xc2: {  	[dreg:$0x1] =	wrdreg $0xFFFFFFFF  }
0xc3: {  	_ =	task.clear_ibuf [dreg:s8], $0x2FFFF;
	_ =	strace $0x9FFFFFFF  }
0xc4: {  	(tm) =	ssettm $0x7FFFFFFF  }
0xc5: {  	_ =	shalt  }
tec
execute0_lowered:
.L_overlay_start_1:
0x0: {  	(tag) =	ssettag $0x1  }
0x1: {  	s1 =	rddreg [dreg:$0x0];
	s0 =	srdreg.scid  }
0x2: {  	s11 =	stileid.u32;
	s2 =	rddreg [dreg:$0x1]  }
0x3: {  	s4 =	rddreg [dreg:$0x2];
	s28 =	simm.s32 $0xF100;
	s15 =	smul.u32 $0xC4, s11  }
0x4: {  	s30 =	simm.s32 $0x13100;
	s0 =	sand.u32 $0x1, s0;
	s23 =	smul.u32 $0x62000, s11  }
0x5: {  	s29 =	simm.s32 $0xD;
	s3 =	sshll.u32 s11, $0x1;
	s17 =	smul.u32 $0x62, s0  }
0x6: {  	s5 =	sor.u32 s0, s3;
	s26 =	ssub.s32 $0x2, s0;
	s0 =	smul.u32 $0x31000, s0  }
0x7: {  	s31 =	simm.s32 $0xE;
	s7 =	sadd.s32 $0x4200, s4;
	s6 =	smul.u32 $0x70, s5  }
0x8: {  	s11 =	simm.s32 $0x7;
	s3 =	simm.s32 $0x0;
	s8 =	smul.u32 $0x620, s5  }
0x9: {  	[smem:$0x7FF] =	sst s3;
	s9 =	sshrl.u32 s26, $0x1;
	s10 =	smul.u32 $0x1C000, s5  }
0xa: {  	s12 =	smul.u32 $0x3800, s5;
	_ =	strace $0x80000047;
	[dreg:$0x4] =	wrdreg s7  }
0xb: {  	s7 =	ssub.s32 s26, s9;
	s9 =	simm.s32 $0x5;
	s6 =	sadd.s32 s6, s4  }
0xc: {  	s4 =	sadd.s32 $0x624200, s4;
	s2 =	sadd.s32 s2, s8;
	s14 =	sshrl.u32 s10, $0x3  }
0xd: {  	s24 =	smax.u32 s7, $0x1;
	s7 =	simm.s32 $0x3;
	s8 =	simm.s32 $0x4  }
0xe: {  	s10 =	simm.s32 $0x6;
	[dreg:$0x5] =	wrdreg s2;
	s13 =	sadd.s32 $0x3400, s6  }
0xf: {  	s2 =	sadd.s32 s4, s12;
	s16 =	sadd.s32 s4, s14;
	[dreg:$0xe] =	wrdreg s24  }
0x10: {  	s4 =	sadd.s32 s17, s15;
	s15 =	simm.s32 $0xF;
	[dreg:$0x6] =	wrdreg s13  }
0x11: {  	s6 =	simm.s32 $0x2;
	[dreg:$0x7] =	wrdreg s2;
	s5 =	sadd.s32 $0x800, s16  }
0x12: {  	s12 =	simm.s32 $0x8;
	s18 =	sadd.s32 $0x1000, s16;
	[dreg:$0x8] =	wrdreg s5  }
0x13: {  	s14 =	simm.s32 $0xA;
	s19 =	sadd.s32 $0x1800, s16;
	[dreg:$0x9] =	wrdreg s18  }
0x14: {  	s24 =	simm.s32 $0xB;
	s20 =	sadd.s32 $0x2000, s16;
	[dreg:$0xa] =	wrdreg s19  }
0x15: {  	s21 =	sadd.s32 $0x2800, s16;
	s2 =	sadd.s32 $0x3000, s16;
	[dreg:$0xb] =	wrdreg s20  }
0x16: {  	s22 =	sshll.u32 s4, $0xB;
	s16 =	simm.s32 $0x300;
	[dreg:$0xc] =	wrdreg s21  }
0x17: {  	s4 =	simm.s32 $0x1B100;
	s13 =	simm.s32 $0x9;
	[dreg:$0xd] =	wrdreg s2  }
0x18: {  	s25 =	sadd.s32 $0x3000, s22;
	s26 =	sadd.s32 $0x2000, s22;
	s17 =	sadd.s32 $0x1000, s22  }
.Ltmp0:
0x19: {  	s18 =	sor.u32 $0x800, s22;
	s19 =	sadd.s32 s0, s23;
	(pc) =	sbr.rel .LBB2_1-.Ltmp0, $4  }
0x1a: {  	s21 =	simm.s32 $0x80;
	s22 =	simm.s32 $0x3100;
	s23 =	simm.s32 $0x7100  }
0x1b: {  	s20 =	simm.s32 $0x100;
	s2 =	simm.s32 $0x17100;
	[dreg:$0xf] =	wrdreg s25  }
0x1c: {  	s5 =	simm.s32 $0x1;
	s0 =	simm.s32 $0x0;
	[dreg:$0x10] =	wrdreg s26  }
0x1d: {  	s25 =	simm.s32 $0xB100;
	s26 =	simm.s32 $0xC;
	[dreg:$0x11] =	wrdreg s0  }
.LBB2_4:
0x1e: {  	_ =	swait.ge [sflag:s13], $0x4000  }
0x1f: {  	[sflag:s13] =	ssyncset.done $0x0  }
0x20: {  	[sflag:s13] =	ssyncadd.s32 $0xFFFFC000  }
0x21: {  	_ =	swait.ge [sflag:s14], $0x4000  }
0x22: {  	[sflag:s14] =	ssyncset.done $0x0  }
0x23: {  	[sflag:s14] =	ssyncadd.s32 $0xFFFFC000  }
0x24: {  	_ =	swait.ge [sflag:s24], $0x4000  }
0x25: {  	[sflag:s24] =	ssyncset.done $0x0  }
0x26: {  	[sflag:s24] =	ssyncadd.s32 $0xFFFFC000  }
0x27: {  	_ =	swait.ge [sflag:s26], $0x4000  }
0x28: {  	[sflag:s26] =	ssyncset.done $0x0  }
0x29: {  	[sflag:s26] =	ssyncadd.s32 $0xFFFFC000  }
0x2a: {  	_ =	swait.ge [sflag:s29], $0x4000  }
0x2b: {  	[sflag:s29] =	ssyncset.done $0x0  }
0x2c: {  	[sflag:s29] =	ssyncadd.s32 $0xFFFFC000  }
0x2d: {  	_ =	swait.ge [sflag:s31], $0x4000  }
0x2e: {  	[sflag:s31] =	ssyncset.done $0x0  }
0x2f: {  	s15 =	simm.s32 $0xF;
	s0 =	rddreg [dreg:$0x6];
	[sflag:s31] =	ssyncadd.s32 $0xFFFFC000  }
0x30: {  	[tilespmem:s3], [sflag:$0xF] =	stream.linear.gather [hbm4b:s0+s3], $0x380, $0x38;
	[tilespmem:$0x1F100] =	vst v63  }
0x31: {  	_ =	swait.ge [sflag:s15], $0x380  }
0x32: {  	[sflag:s15] =	ssyncset.done $0x0  }
0x33: {  	[sflag:s15] =	ssyncadd.s32 $0xFFFFFC80  }
0x34: {  	[tilespmem:s22], [sflag:$0x1] =	stream.indirect.gather [hbm4b:s1+s21], $0x80, s3, s21, $0xb8;
	[tilespmem:$0x1F100] =	vst v63  }
0x35: {  	_ = 	snop  }
0x36: {  	[tilespmem:s23], [sflag:$0x2] =	stream.indirect.gather [hbm4b:s1+s21], $0x80, s21, s21, $0xb8;
	[tilespmem:$0x1F100] =	vst v63  }
0x37: {  	s20 =	simm.s32 $0x100  }
0x38: {  	[tilespmem:s25], [sflag:$0x3] =	stream.indirect.gather [hbm4b:s1+s21], $0x80, s20, s21, $0xb8;
	[tilespmem:$0x1F100] =	vst v63  }
0x39: {  	s16 =	simm.s32 $0x180  }
0x3a: {  	[tilespmem:s28], [sflag:$0x4] =	stream.indirect.gather [hbm4b:s1+s21], $0x80, s16, s21, $0xb8;
	[tilespmem:$0x1F100] =	vst v63  }
0x3b: {  	s20 =	simm.s32 $0x200  }
0x3c: {  	[tilespmem:s30], [sflag:$0x5] =	stream.indirect.gather [hbm4b:s1+s21], $0x80, s20, s21, $0xb8;
	[tilespmem:$0x1F100] =	vst v63  }
0x3d: {  	s16 =	simm.s32 $0x280  }
0x3e: {  	[tilespmem:s2], [sflag:$0x6] =	stream.indirect.gather [hbm4b:s1+s21], $0x80, s16, s21, $0xb8;
	[tilespmem:$0x1F100] =	vst v63  }
0x3f: {  	s16 =	simm.s32 $0x300  }
0x40: {  	[tilespmem:s4], [sflag:$0x7] =	stream.indirect.gather [hbm4b:s1+s21], $0x80, s16, s21, $0xb8;
	[tilespmem:$0x1F100] =	vst v63  }
0x41: {  	_ =	swait.ge [sflag:s5], $0x4000  }
0x42: {  	[sflag:s5] =	ssyncset.done $0x0  }
0x43: {  	s20 =	rddreg [dreg:$0x7];
	[sflag:s5] =	ssyncadd.s32 $0xFFFFC000  }
0x44: {  	[hbm4b:s20+s3] =	stream.linear.scatter [tilespmem:s22], [sflag:$0x8], $0x4000, $0x38;
	[tilespmem:$0x1F100] =	vst v63  }
0x45: {  	_ =	swait.ge [sflag:s6], $0x4000  }
0x46: {  	[sflag:s6] =	ssyncset.done $0x0  }
0x47: {  	s20 =	rddreg [dreg:$0x8];
	[sflag:s6] =	ssyncadd.s32 $0xFFFFC000  }
0x48: {  	[hbm4b:s20+s3] =	stream.linear.scatter [tilespmem:s23], [sflag:$0x9], $0x4000, $0x38;
	[tilespmem:$0x1F100] =	vst v63  }
0x49: {  	_ =	swait.ge [sflag:s7], $0x4000  }
0x4a: {  	[sflag:s7] =	ssyncset.done $0x0  }
0x4b: {  	s20 =	rddreg [dreg:$0x9];
	[sflag:s7] =	ssyncadd.s32 $0xFFFFC000  }
0x4c: {  	[hbm4b:s20+s3] =	stream.linear.scatter [tilespmem:s25], [sflag:$0xA], $0x4000, $0x38;
	[tilespmem:$0x1F100] =	vst v63  }
0x4d: {  	_ =	swait.ge [sflag:s8], $0x4000  }
0x4e: {  	[sflag:s8] =	ssyncset.done $0x0  }
0x4f: {  	s20 =	rddreg [dreg:$0xa];
	[sflag:s8] =	ssyncadd.s32 $0xFFFFC000  }
0x50: {  	[hbm4b:s20+s3] =	stream.linear.scatter [tilespmem:s28], [sflag:$0xB], $0x4000, $0x38;
	[tilespmem:$0x1F100] =	vst v63  }
0x51: {  	_ =	swait.ge [sflag:s9], $0x4000  }
0x52: {  	[sflag:s9] =	ssyncset.done $0x0  }
0x53: {  	s20 =	rddreg [dreg:$0xb];
	[sflag:s9] =	ssyncadd.s32 $0xFFFFC000  }
0x54: {  	[hbm4b:s20+s3] =	stream.linear.scatter [tilespmem:s30], [sflag:$0xC], $0x4000, $0x38;
	[tilespmem:$0x1F100] =	vst v63  }
0x55: {  	_ =	swait.ge [sflag:s10], $0x4000  }
0x56: {  	[sflag:s10] =	ssyncset.done $0x0  }
0x57: {  	s20 =	rddreg [dreg:$0xc];
	[sflag:s10] =	ssyncadd.s32 $0xFFFFC000  }
0x58: {  	[hbm4b:s20+s3] =	stream.linear.scatter [tilespmem:s2], [sflag:$0xD], $0x4000, $0x38;
	[tilespmem:$0x1F100] =	vst v63  }
0x59: {  	_ =	swait.ge [sflag:s11], $0x4000  }
0x5a: {  	[sflag:s11] =	ssyncset.done $0x0  }
0x5b: {  	s20 =	rddreg [dreg:$0xd];
	[sflag:s11] =	ssyncadd.s32 $0xFFFFC000  }
0x5c: {  	[hbm4b:s20+s3] =	stream.linear.scatter [tilespmem:s4], [sflag:$0xE], $0x4000, $0x38;
	[tilespmem:$0x1F100] =	vst v63  }
0x5d: {  	_ =	swait.ge [sflag:s12], $0x4000  }
0x5e: {  	[sflag:s12] =	ssyncset.done $0x0  }
0x5f: {  	[sflag:s12] =	ssyncadd.s32 $0xFFFFC000  }
0x60: {  	_ =	swait.ge [sflag:s13], $0x4000  }
0x61: {  	[sflag:s13] =	ssyncset.done $0x0  }
0x62: {  	[sflag:s13] =	ssyncadd.s32 $0xFFFFC000  }
0x63: {  	_ =	swait.ge [sflag:s14], $0x4000  }
0x64: {  	[sflag:s14] =	ssyncset.done $0x0  }
0x65: {  	[sflag:s14] =	ssyncadd.s32 $0xFFFFC000  }
0x66: {  	_ =	swait.ge [sflag:s24], $0x4000  }
0x67: {  	[sflag:s24] =	ssyncset.done $0x0  }
0x68: {  	[sflag:s24] =	ssyncadd.s32 $0xFFFFC000  }
0x69: {  	_ =	swait.ge [sflag:s26], $0x4000  }
0x6a: {  	[sflag:s26] =	ssyncset.done $0x0  }
0x6b: {  	[sflag:s26] =	ssyncadd.s32 $0xFFFFC000  }
0x6c: {  	_ =	swait.ge [sflag:s29], $0x4000  }
0x6d: {  	[sflag:s29] =	ssyncset.done $0x0  }
0x6e: {  	[sflag:s29] =	ssyncadd.s32 $0xFFFFC000  }
0x6f: {  	_ =	swait.ge [sflag:s31], $0x4000  }
0x70: {  	s20 =	rddreg [dreg:$0x11]  }
0x71: {  	s0 =	rddreg [dreg:$0xe];
	s20 =	sadd.s32 $0x1, s20  }
0x72: {  	p0 =	sne.s32 s20, s0  }
.Ltmp1:
0x73: {  	_ = 	snop;
	(pc) =	sbr.rel @!p0 .LBB2_5-.Ltmp1, $3  }
0x74: {  	_ =	sdelay $0x1  }
0x75: {  	[sflag:s31] =	ssyncset.done $0x0  }
0x76: {  	[sflag:s31] =	ssyncadd.s32 $0xFFFFC000;
	[dreg:$0x11] =	wrdreg s20;
	s20 =	simm.s32 $0x100  }
.LBB2_1:
0x77: {  	s0 =	rddreg [dreg:$0x5]  }
0x78: {  	[tilespmem:s3], [sflag:$0xF] =	stream.linear.gather [hbm4b:s0+s3], $0x3100, $0x38;
	[tilespmem:$0x1F100] =	vst v63  }
0x79: {  	_ =	swait.ge [sflag:s15], $0x3100  }
0x7a: {  	[sflag:s15] =	ssyncset.done $0x0  }
0x7b: {  	[sflag:s15] =	ssyncadd.s32 $0xFFFFCF00  }
0x7c: {  	[tilespmem:s22], [sflag:$0x1] =	stream.indirect.gather [hbm4b:s1+s21], $0x80, s3, s21, $0xb8;
	[tilespmem:$0x1F100] =	vst v63  }
0x7d: {  	_ = 	snop  }
0x7e: {  	[tilespmem:s23], [sflag:$0x2] =	stream.indirect.gather [hbm4b:s1+s21], $0x80, s21, s21, $0xb8;
	[tilespmem:$0x1F100] =	vst v63  }
0x7f: {  	_ = 	snop  }
0x80: {  	[tilespmem:s25], [sflag:$0x3] =	stream.indirect.gather [hbm4b:s1+s21], $0x80, s20, s21, $0xb8;
	[tilespmem:$0x1F100] =	vst v63  }
0x81: {  	s20 =	simm.s32 $0x180  }
0x82: {  	[tilespmem:s28], [sflag:$0x4] =	stream.indirect.gather [hbm4b:s1+s21], $0x80, s20, s21, $0xb8;
	[tilespmem:$0x1F100] =	vst v63  }
0x83: {  	s15 =	simm.s32 $0x200  }
0x84: {  	[tilespmem:s30], [sflag:$0x5] =	stream.indirect.gather [hbm4b:s1+s21], $0x80, s15, s21, $0xb8;
	[tilespmem:$0x1F100] =	vst v63  }
0x85: {  	s20 =	simm.s32 $0x280  }
0x86: {  	[tilespmem:s2], [sflag:$0x6] =	stream.indirect.gather [hbm4b:s1+s21], $0x80, s20, s21, $0xb8;
	[tilespmem:$0x1F100] =	vst v63  }
0x87: {  	s0 =	simm.s32 $0x0;
	s20 =	rddreg [dreg:$0x4]  }
0x88: {  	[tilespmem:s4], [sflag:$0x7] =	stream.indirect.gather [hbm4b:s1+s21], $0x80, s16, s21, $0xb8;
	[tilespmem:$0x1F100] =	vst v63  }
.LBB2_2:
0x89: {  	_ =	swait.ge [sflag:s5], $0x4000  }
0x8a: {  	[sflag:s5] =	ssyncset.done $0x0  }
0x8b: {  	s15 =	sadd.s32 s20, s19;
	[sflag:s5] =	ssyncadd.s32 $0xFFFFC000  }
0x8c: {  	[hbm4b:s15+s3] =	stream.linear.scatter [tilespmem:s22], [sflag:$0x8], $0x4000, $0x38;
	[tilespmem:$0x1F100] =	vst v63  }
0x8d: {  	_ =	swait.ge [sflag:s6], $0x4000  }
0x8e: {  	[sflag:s6] =	ssyncset.done $0x0  }
0x8f: {  	s16 =	sadd.s32 s20, s18;
	[sflag:s6] =	ssyncadd.s32 $0xFFFFC000  }
0x90: {  	[hbm4b:s16+s3] =	stream.linear.scatter [tilespmem:s23], [sflag:$0x9], $0x4000, $0x38;
	[tilespmem:$0x1F100] =	vst v63  }
0x91: {  	_ =	swait.ge [sflag:s7], $0x4000  }
0x92: {  	[sflag:s7] =	ssyncset.done $0x0  }
0x93: {  	s16 =	sadd.s32 s20, s17;
	[sflag:s7] =	ssyncadd.s32 $0xFFFFC000  }
0x94: {  	[hbm4b:s16+s3] =	stream.linear.scatter [tilespmem:s25], [sflag:$0xA], $0x4000, $0x38;
	[tilespmem:$0x1F100] =	vst v63  }
0x95: {  	_ =	swait.ge [sflag:s8], $0x4000  }
0x96: {  	[sflag:s8] =	ssyncset.done $0x0  }
0x97: {  	s15 =	sadd.s32 $0x800, s16;
	[sflag:s8] =	ssyncadd.s32 $0xFFFFC000  }
0x98: {  	[hbm4b:s15+s3] =	stream.linear.scatter [tilespmem:s28], [sflag:$0xB], $0x4000, $0x38;
	[tilespmem:$0x1F100] =	vst v63  }
0x99: {  	_ =	swait.ge [sflag:s9], $0x4000  }
0x9a: {  	[sflag:s9] =	ssyncset.done $0x0;
	s16 =	rddreg [dreg:$0x10]  }
0x9b: {  	[sflag:s9] =	ssyncadd.s32 $0xFFFFC000;
	s15 =	sadd.s32 s20, s16  }
0x9c: {  	[hbm4b:s15+s3] =	stream.linear.scatter [tilespmem:s30], [sflag:$0xC], $0x4000, $0x38;
	[tilespmem:$0x1F100] =	vst v63  }
0x9d: {  	_ =	swait.ge [sflag:s10], $0x4000  }
0x9e: {  	[sflag:s10] =	ssyncset.done $0x0  }
0x9f: {  	s15 =	sadd.s32 $0x800, s15;
	[sflag:s10] =	ssyncadd.s32 $0xFFFFC000  }
0xa0: {  	[hbm4b:s15+s3] =	stream.linear.scatter [tilespmem:s2], [sflag:$0xD], $0x4000, $0x38;
	[tilespmem:$0x1F100] =	vst v63  }
0xa1: {  	_ =	swait.ge [sflag:s11], $0x4000  }
0xa2: {  	p0 =	seq.s32 s0, $0xB600;
	[sflag:s11] =	ssyncset.done $0x0;
	s16 =	rddreg [dreg:$0xf]  }
.Ltmp2:
0xa3: {  	[sflag:s11] =	ssyncadd.s32 $0xFFFFC000;
	s15 =	sadd.s32 s20, s16;
	(pc) =	sbr.rel @p0 .LBB2_4-.Ltmp2, $4  }
0xa4: {  	[hbm4b:s15+s3] =	stream.linear.scatter [tilespmem:s4], [sflag:$0xE], $0x4000, $0x38;
	[tilespmem:$0x1F100] =	vst v63  }
0xa5: {  	_ =	swait.ge [sflag:s12], $0x4000  }
0xa6: {  	[sflag:s12] =	ssyncset.done $0x0  }
0xa7: {  	[sflag:s12] =	ssyncadd.s32 $0xFFFFC000  }
0xa8: {  	s15 =	sshra.s32 s0, $0x2  }
0xa9: {  	s16 =	sadd.s32 $0x380, s15  }
0xaa: {  	[tilespmem:s22], [sflag:$0x1] =	stream.indirect.gather [hbm4b:s1+s21], $0x80, s16, s21, $0xb8;
	[tilespmem:$0x1F100] =	vst v63  }
0xab: {  	_ =	swait.ge [sflag:s13], $0x4000  }
0xac: {  	[sflag:s13] =	ssyncset.done $0x0  }
0xad: {  	s16 =	sadd.s32 $0x400, s15;
	[sflag:s13] =	ssyncadd.s32 $0xFFFFC000  }
0xae: {  	[tilespmem:s23], [sflag:$0x2] =	stream.indirect.gather [hbm4b:s1+s21], $0x80, s16, s21, $0xb8;
	[tilespmem:$0x1F100] =	vst v63  }
0xaf: {  	_ =	swait.ge [sflag:s14], $0x4000  }
0xb0: {  	[sflag:s14] =	ssyncset.done $0x0  }
0xb1: {  	s16 =	sadd.s32 $0x480, s15;
	[sflag:s14] =	ssyncadd.s32 $0xFFFFC000  }
0xb2: {  	[tilespmem:s25], [sflag:$0x3] =	stream.indirect.gather [hbm4b:s1+s21], $0x80, s16, s21, $0xb8;
	[tilespmem:$0x1F100] =	vst v63  }
0xb3: {  	_ =	swait.ge [sflag:s24], $0x4000  }
0xb4: {  	[sflag:s24] =	ssyncset.done $0x0  }
0xb5: {  	s16 =	sadd.s32 $0x500, s15;
	[sflag:s24] =	ssyncadd.s32 $0xFFFFC000  }
0xb6: {  	[tilespmem:s28], [sflag:$0x4] =	stream.indirect.gather [hbm4b:s1+s21], $0x80, s16, s21, $0xb8;
	[tilespmem:$0x1F100] =	vst v63  }
0xb7: {  	_ =	swait.ge [sflag:s26], $0x4000  }
0xb8: {  	[sflag:s26] =	ssyncset.done $0x0  }
0xb9: {  	s16 =	sadd.s32 $0x580, s15;
	[sflag:s26] =	ssyncadd.s32 $0xFFFFC000  }
0xba: {  	[tilespmem:s30], [sflag:$0x5] =	stream.indirect.gather [hbm4b:s1+s21], $0x80, s16, s21, $0xb8;
	[tilespmem:$0x1F100] =	vst v63  }
0xbb: {  	_ =	swait.ge [sflag:s29], $0x4000  }
0xbc: {  	[sflag:s29] =	ssyncset.done $0x0  }
0xbd: {  	s16 =	sadd.s32 $0x600, s15;
	[sflag:s29] =	ssyncadd.s32 $0xFFFFC000  }
0xbe: {  	[tilespmem:s2], [sflag:$0x6] =	stream.indirect.gather [hbm4b:s1+s21], $0x80, s16, s21, $0xb8;
	[tilespmem:$0x1F100] =	vst v63  }
.Ltmp3:
0xbf: {  	_ = 	snop;
	(pc) =	sbr.rel .LBB2_2-.Ltmp3, $4  }
0xc0: {  	_ =	swait.ge [sflag:s31], $0x4000  }
0xc1: {  	s0 =	sadd.s32 $0xE00, s0;
	[sflag:s31] =	ssyncset.done $0x0  }
0xc2: {  	s20 =	sadd.s32 $0x3800, s20;
	s15 =	sadd.s32 $0x680, s15;
	[sflag:s31] =	ssyncadd.s32 $0xFFFFC000  }
0xc3: {  	[tilespmem:s4], [sflag:$0x7] =	stream.indirect.gather [hbm4b:s1+s21], $0x80, s15, s21, $0xb8;
	[tilespmem:$0x1F100] =	vst v63  }
.LBB2_5:
0xc4: {  	_ =	sfence.sel $0x180000  }
0xc5: {  	[bflag:$0x0] =	sbarrier.arrive $0xFFFF  }
0xc6: {  	_ =	strace $0x90000047  }
0xc7: {  	s0 =	stileid.u32;
	[bflag:$0x2] =	sbarrier.arrive $0xFFFF  }
0xc8: {  	p0 =	sne.s32 s0, $0x0;
	s0 =	rddreg [dreg:$0x3]  }
0xc9: {  	s0 =	sadd.s32 @!p0 $0x100000, s0  }
0xca: {  	[sflag:s0] =	ssyncadd.tile.s32 @!p0 $0x1;
	_ =	shalt  }
.Lfunc_end2:
_tile_overlayer_lowered:
.L_overlay_start_2:
0xcb: {  	(tag) =	ssettag $0x2  }
0xcc: {  	s0 =	rddreg [dreg:$0x0];
	s2 =	stileid.u32  }
0xcd: {  	s1 =	rddreg [dreg:$0x1];
	p0 =	sne.s32 s2, $0x0  }
0xce: {  	s3 =	rddreg [dreg:$0x2];
	[bflag:$0x3] =	sbarrier.arrive $0xFFFF;
	s2 =	simm.s32 @!p0 $0x1C0F  }
0xcf: {  	[timem:s3], [sflag:s2] =	dma.local @!p0 [hbm:s0], s1  }
0xd0: {  	s0 =	simm.s32 @!p0 $0xF  }
0xd1: {  	_ =	swait.ge @!p0 [sflag:s0], s1  }
0xd2: {  	s1 =	ssub.s32 @!p0 $0x0, s1;
	[sflag:s0] =	ssyncset.done @!p0 $0x0  }
0xd3: {  	[sflag:s0] =	ssyncadd.s32 @!p0 s1  }
0xd4: {  	[bflag:$0x3] =	sbarrier.arrive $0xFFFF  }
0xd5: {  	_ =	shalt  }

</sc_bundles>
